<compile_context>
chip_gen: v7x
topology: tpu7x:2x2x1
jax: 0.10.2.dev20260603
libtpu: 0.0.44.dev20260713+nightly
codegen_flags: <defaults>
</compile_context>

<pallas_src>
import functools
import jax
import jax.numpy as jnp
from jax import lax
from jax.experimental import pallas as pl
from jax.experimental.pallas import tpu as pltpu
from jax.experimental.pallas import tpu_sc as plsc

VIS_LEN = 50
IMU_LEN = 200
SEQ = VIS_LEN + IMU_LEN
HIDDEN = 128
EPS = 1e-12
NC, NS, NW, L = 2, 16, 32, 16
CH = 256
NV = HIDDEN // L


def _srsqrt(v):
    i = lax.bitcast_convert_type(v, jnp.int32)
    i = jnp.int32(0x5F3759DF) - lax.shift_right_logical(i, 1)
    r = lax.bitcast_convert_type(i, jnp.float32)
    for _ in range(3):
        r = r * (1.5 - 0.5 * v * r * r)
    return r


def _token_ln(in_buf, out_buf, t, bias, gs, bs):
    xs = [in_buf[t, pl.ds(L * i, L)] + bias[i] for i in range(NV)]
    s1 = xs[0]
    s2 = xs[0] * xs[0]
    for i in range(1, NV):
        s1 = s1 + xs[i]
        s2 = s2 + xs[i] * xs[i]
    t1 = jnp.sum(s1)
    t2 = jnp.sum(s2)
    mu = t1 * (1.0 / HIDDEN)
    var = t2 * (1.0 / HIDDEN) - mu * mu
    r = _srsqrt(var + EPS)
    for i in range(NV):
        out_buf[t, pl.ds(L * i, L)] = (xs[i] - mu) * r * gs[i] + bs[i]


def _sc_body(vis_hbm, aud_hbm, pvt_hbm, pit_hbm, mt_hbm, e1_hbm, e2_hbm,
             g_hbm, b_hbm, out_hbm,
             in_buf, out_buf, pos_buf, mod_buf, g_buf, b_buf):
    B = 1024
    CPS = B // CH
    wid = lax.axis_index("s") * NC + lax.axis_index("c")
    pltpu.sync_copy(g_hbm, g_buf)
    pltpu.sync_copy(b_hbm, b_buf)
    gs = [g_buf[0, pl.ds(L * i, L)] for i in range(NV)]
    bs = [b_buf[0, pl.ds(L * i, L)] for i in range(NV)]

    def _chunk_ln():
        bias = [pos_buf[0, pl.ds(L * i, L)] + mod_buf[0, pl.ds(L * i, L)]
                for i in range(NV)]

        def body(t, c):
            _token_ln(in_buf, out_buf, t, bias, gs, bs)
            return c
        lax.fori_loop(0, CH, body, 0)

    def _seg(src_hbm, pos_hbm, mrow, out_s0, n_s):
        kmax = (n_s * CPS + NW - 1) // NW

        def body(k, c):
            g = wid + k * NW

            @pl.when(g < n_s * CPS)
            def _():
                s_rel = g // CPS
                b0 = (g % CPS) * CH
                pltpu.sync_copy(src_hbm.at[pl.ds(s_rel * B + b0, CH)], in_buf)
                pltpu.sync_copy(pos_hbm.at[pl.ds(1 + s_rel, 1)], pos_buf)
                pltpu.sync_copy(mt_hbm.at[pl.ds(mrow, 1)], mod_buf)
                _chunk_ln()
                pltpu.sync_copy(
                    out_buf, out_hbm.at[pl.ds((out_s0 + s_rel) * B + b0, CH)])
            return c
        lax.fori_loop(0, kmax, body, 0)

    def _esp(e_hbm, pos_hbm, mrow, out_s, cidx):
        pltpu.sync_copy(e_hbm, in_buf.at[pl.ds(0, 1)])
        pltpu.sync_copy(pos_hbm.at[pl.ds(0, 1)], pos_buf)
        pltpu.sync_copy(mt_hbm.at[pl.ds(mrow, 1)], mod_buf)
        bias = [pos_buf[0, pl.ds(L * i, L)] + mod_buf[0, pl.ds(L * i, L)]
                for i in range(NV)]
        _token_ln(in_buf, out_buf, 0, bias, gs, bs)
        ys = [out_buf[0, pl.ds(L * i, L)] for i in range(NV)]

        def fill(t, c):
            for i in range(NV):
                out_buf[t, pl.ds(L * i, L)] = ys[i]
            return c
        lax.fori_loop(1, CH, fill, 0)
        pltpu.sync_copy(out_buf, out_hbm.at[pl.ds(out_s * B + cidx * CH, CH)])

    @pl.when(wid < 4)
    def _():
        _esp(e1_hbm, pvt_hbm, 0, 0, wid)

    @pl.when((wid >= 4) & (wid < 8))
    def _():
        _esp(e2_hbm, pit_hbm, 1, VIS_LEN, wid - 4)

    _seg(vis_hbm, pvt_hbm, 0, 1, VIS_LEN - 1)
    _seg(aud_hbm, pit_hbm, 1, VIS_LEN + 1, IMU_LEN - 1)


def kernel(visual_embedding, audio_embedding, posi_visual_table,
           posi_imu_table, modal_table, esp_1, esp_2, ln_gamma, ln_beta):
    B = visual_embedding.shape[0]
    vis2 = jnp.transpose(visual_embedding, (1, 0, 2)).reshape(-1, HIDDEN)
    aud2 = jnp.transpose(audio_embedding, (1, 0, 2)).reshape(-1, HIDDEN)
    run = functools.partial(
        pl.kernel,
        mesh=plsc.VectorSubcoreMesh(core_axis_name="c", subcore_axis_name="s"),
        compiler_params=pltpu.CompilerParams(needs_layout_passes=False),
        out_type=jax.ShapeDtypeStruct((SEQ * B, HIDDEN), jnp.float32),
        scratch_types=[
            pltpu.VMEM((CH, HIDDEN), jnp.float32),
            pltpu.VMEM((CH, HIDDEN), jnp.float32),
            pltpu.VMEM((1, HIDDEN), jnp.float32),
            pltpu.VMEM((1, HIDDEN), jnp.float32),
            pltpu.VMEM((1, HIDDEN), jnp.float32),
            pltpu.VMEM((1, HIDDEN), jnp.float32),
        ],
    )(_sc_body)
    out2 = run(vis2, aud2, posi_visual_table, posi_imu_table, modal_table,
               esp_1.reshape(1, HIDDEN), esp_2.reshape(1, HIDDEN),
               ln_gamma.reshape(1, HIDDEN), ln_beta.reshape(1, HIDDEN))
    return jnp.transpose(out2.reshape(SEQ, B, HIDDEN), (1, 0, 2))

# --- scband reference (transcript-rebuilt; emitter-appended) ---
"""Pipeline reference for scband-multimodal-embedding-13700945674618 (READ-ONLY COPY).

The authoritative reference and input builder live on the scoring server;
editing this copy changes nothing except your own understanding.
"""

import jax, jax.numpy as jnp
import numpy as np

VIS_LEN = 50
IMU_LEN = 200
HIDDEN = 128
MODAL_SIZE = 2
EPS = 1e-12


def setup_inputs(seed: int = 0) -> dict:
    key = jax.random.key(seed)
    ks = jax.random.split(key, 8)
    visual_embedding = jax.random.normal(ks[0], (1024, VIS_LEN - 1, HIDDEN), dtype=jnp.float32)
    audio_embedding = jax.random.normal(ks[1], (1024, IMU_LEN - 1, HIDDEN), dtype=jnp.float32)
    posi_visual_table = jax.random.normal(ks[2], (VIS_LEN, HIDDEN), dtype=jnp.float32) * 0.02
    posi_imu_table = jax.random.normal(ks[3], (IMU_LEN, HIDDEN), dtype=jnp.float32) * 0.02
    modal_table = jax.random.normal(ks[4], (MODAL_SIZE, HIDDEN), dtype=jnp.float32) * 0.02
    esp_1 = jnp.zeros((1, 1, HIDDEN), dtype=jnp.float32)
    esp_2 = jnp.zeros((1, 1, HIDDEN), dtype=jnp.float32)
    ln_gamma = jnp.ones((HIDDEN,), dtype=jnp.float32)
    ln_beta = jnp.zeros((HIDDEN,), dtype=jnp.float32)
    return {
        "visual_embedding": visual_embedding,
        "audio_embedding": audio_embedding,
        "posi_visual_table": posi_visual_table,
        "posi_imu_table": posi_imu_table,
        "modal_table": modal_table,
        "esp_1": esp_1,
        "esp_2": esp_2,
        "ln_gamma": ln_gamma,
        "ln_beta": ln_beta,
    }


def _layer_norm(x, gamma, beta):
    mu = jnp.mean(x, axis=-1, keepdims=True)
    var = jnp.mean((x - mu) ** 2, axis=-1, keepdims=True)
    return (x - mu) / jnp.sqrt(var + EPS) * gamma + beta


def reference(visual_embedding, audio_embedding, posi_visual_table, posi_imu_table,
              modal_table, esp_1, esp_2, ln_gamma, ln_beta):
    B = visual_embedding.shape[0]
    e1 = jnp.broadcast_to(esp_1, (B, 1, HIDDEN))
    e2 = jnp.broadcast_to(esp_2, (B, 1, HIDDEN))
    vis = jnp.concatenate([e1, visual_embedding], axis=1)
    imu = jnp.concatenate([e2, audio_embedding], axis=1)
    vis_pos_id = jnp.broadcast_to(jnp.arange(VIS_LEN, dtype=jnp.int32)[None, :], (B, VIS_LEN))
    vis_pos_emb = jnp.take(posi_visual_table, vis_pos_id, axis=0)
    imu_pos_id = jnp.broadcast_to(jnp.arange(IMU_LEN, dtype=jnp.int32)[None, :], (B, IMU_LEN))
    imu_pos_emb = jnp.take(posi_imu_table, imu_pos_id, axis=0)
    vis = vis + vis_pos_emb
    imu = imu + imu_pos_emb
    input_embedding = jnp.concatenate([vis, imu], axis=1)
    modal_ids = jnp.concatenate(
        [jnp.zeros((B, VIS_LEN), dtype=jnp.int32), jnp.ones((B, IMU_LEN), dtype=jnp.int32)], axis=1)
    modal_emb = jnp.take(modal_table, modal_ids, axis=0)
    embedding = modal_emb + input_embedding
    embedding = _layer_norm(embedding, ln_gamma, ln_beta)
    # dropout is identity in eval mode
    return embedding

if __name__ == "__main__":
    import jax
    _d = setup_inputs()
    print(jax.jit(kernel)(*tuple(_d.values())))

</pallas_src>

<mosaic_0001>
#map = affine_map<(d0, d1) -> (0, 0)>
module attributes {stable_mosaic.version = 14 : i64} {
  func.func @_sc_body(%arg0: i32, %arg1: i32, %arg2: memref<50176x128xf32, #tpu.memory_space<hbm>>, %arg3: memref<203776x128xf32, #tpu.memory_space<hbm>>, %arg4: memref<50x128xf32, #tpu.memory_space<hbm>>, %arg5: memref<200x128xf32, #tpu.memory_space<hbm>>, %arg6: memref<2x128xf32, #tpu.memory_space<hbm>>, %arg7: memref<1x128xf32, #tpu.memory_space<hbm>>, %arg8: memref<1x128xf32, #tpu.memory_space<hbm>>, %arg9: memref<1x128xf32, #tpu.memory_space<hbm>>, %arg10: memref<1x128xf32, #tpu.memory_space<hbm>>, %arg11: memref<256000x128xf32, #tpu.memory_space<hbm>>, %arg12: memref<256x128xf32, #tpu.memory_space<vmem>>, %arg13: memref<256x128xf32, #tpu.memory_space<vmem>>, %arg14: memref<1x128xf32, #tpu.memory_space<vmem>>, %arg15: memref<1x128xf32, #tpu.memory_space<vmem>>, %arg16: memref<1x128xf32, #tpu.memory_space<vmem>>, %arg17: memref<1x128xf32, #tpu.memory_space<vmem>>) attributes {dimension_semantics = [#tpu.dimension_semantics<core_parallel>, #tpu.dimension_semantics<subcore_parallel>], iteration_bounds = array<i64: 2, 16>, scalar_prefetch = 0 : i64, scratch_operands = 6 : i64, tpu.core_type = #tpu.core_type<sc_vector_subcore>, window_params = [{transform_indices = #map}, {transform_indices = #map}, {transform_indices = #map}, {transform_indices = #map}, {transform_indices = #map}, {transform_indices = #map}, {transform_indices = #map}, {transform_indices = #map}, {transform_indices = #map}, {transform_indices = #map}]} {
    %mul3A = arith.constant 2 : i32
    %mul3A_0 = arith.muli %arg1, %mul3A : i32
    %add3A = arith.addi %mul3A_0, %arg0 : i32
    "tpu.region"() ({
      %run_scoped3A = tpu.sem_alloc : memref<!tpu.dma_semaphore, #tpu.memory_space<semaphore_mem>>
      tpu.enqueue_dma source(%arg9 : memref<1x128xf32, #tpu.memory_space<hbm>>) target(%arg16 : memref<1x128xf32, #tpu.memory_space<vmem>>) target_semaphore(%run_scoped3A : memref<!tpu.dma_semaphore, #tpu.memory_space<semaphore_mem>>)
      tpu.wait_dma2 semaphore(%run_scoped3A : memref<!tpu.dma_semaphore, #tpu.memory_space<semaphore_mem>>) src(%arg9 : memref<1x128xf32, #tpu.memory_space<hbm>>) dst(%arg16 : memref<1x128xf32, #tpu.memory_space<vmem>>)
      tpu.yield
    }) : () -> ()
    "tpu.region"() ({
      %run_scoped3A = tpu.sem_alloc : memref<!tpu.dma_semaphore, #tpu.memory_space<semaphore_mem>>
      tpu.enqueue_dma source(%arg10 : memref<1x128xf32, #tpu.memory_space<hbm>>) target(%arg17 : memref<1x128xf32, #tpu.memory_space<vmem>>) target_semaphore(%run_scoped3A : memref<!tpu.dma_semaphore, #tpu.memory_space<semaphore_mem>>)
      tpu.wait_dma2 semaphore(%run_scoped3A : memref<!tpu.dma_semaphore, #tpu.memory_space<semaphore_mem>>) src(%arg10 : memref<1x128xf32, #tpu.memory_space<hbm>>) dst(%arg17 : memref<1x128xf32, #tpu.memory_space<vmem>>)
      tpu.yield
    }) : () -> ()
    %get3A = arith.constant 0 : i32
    %get3A_1 = arith.index_cast %get3A : i32 to index
    %get3A_2 = arith.constant 0 : index
    %get3A_3 = tpu.vector_load %arg16[%get3A_1, %get3A_2] {strides = array<i32>} : memref<1x128xf32, #tpu.memory_space<vmem>>, vector<16xf32>,
    %get3A_4 = arith.constant 0 : i32
    %get3A_5 = arith.index_cast %get3A_4 : i32 to index
    %get3A_6 = arith.constant 16 : index
    %get3A_7 = tpu.vector_load %arg16[%get3A_5, %get3A_6] {strides = array<i32>} : memref<1x128xf32, #tpu.memory_space<vmem>>, vector<16xf32>,
    %get3A_8 = arith.constant 0 : i32
    %get3A_9 = arith.index_cast %get3A_8 : i32 to index
    %get3A_10 = arith.constant 32 : index
    %get3A_11 = tpu.vector_load %arg16[%get3A_9, %get3A_10] {strides = array<i32>} : memref<1x128xf32, #tpu.memory_space<vmem>>, vector<16xf32>,
    %get3A_12 = arith.constant 0 : i32
    %get3A_13 = arith.index_cast %get3A_12 : i32 to index
    %get3A_14 = arith.constant 48 : index
    %get3A_15 = tpu.vector_load %arg16[%get3A_13, %get3A_14] {strides = array<i32>} : memref<1x128xf32, #tpu.memory_space<vmem>>, vector<16xf32>,
    %get3A_16 = arith.constant 0 : i32
    %get3A_17 = arith.index_cast %get3A_16 : i32 to index
    %get3A_18 = arith.constant 64 : index
    %get3A_19 = tpu.vector_load %arg16[%get3A_17, %get3A_18] {strides = array<i32>} : memref<1x128xf32, #tpu.memory_space<vmem>>, vector<16xf32>,
    %get3A_20 = arith.constant 0 : i32
    %get3A_21 = arith.index_cast %get3A_20 : i32 to index
    %get3A_22 = arith.constant 80 : index
    %get3A_23 = tpu.vector_load %arg16[%get3A_21, %get3A_22] {strides = array<i32>} : memref<1x128xf32, #tpu.memory_space<vmem>>, vector<16xf32>,
    %get3A_24 = arith.constant 0 : i32
    %get3A_25 = arith.index_cast %get3A_24 : i32 to index
    %get3A_26 = arith.constant 96 : index
    %get3A_27 = tpu.vector_load %arg16[%get3A_25, %get3A_26] {strides = array<i32>} : memref<1x128xf32, #tpu.memory_space<vmem>>, vector<16xf32>,
    %get3A_28 = arith.constant 0 : i32
    %get3A_29 = arith.index_cast %get3A_28 : i32 to index
    %get3A_30 = arith.constant 112 : index
    %get3A_31 = tpu.vector_load %arg16[%get3A_29, %get3A_30] {strides = array<i32>} : memref<1x128xf32, #tpu.memory_space<vmem>>, vector<16xf32>,
    %get3A_32 = arith.constant 0 : i32
    %get3A_33 = arith.index_cast %get3A_32 : i32 to index
    %get3A_34 = arith.constant 0 : index
    %get3A_35 = tpu.vector_load %arg17[%get3A_33, %get3A_34] {strides = array<i32>} : memref<1x128xf32, #tpu.memory_space<vmem>>, vector<16xf32>,
    %get3A_36 = arith.constant 0 : i32
    %get3A_37 = arith.index_cast %get3A_36 : i32 to index
    %get3A_38 = arith.constant 16 : index
    %get3A_39 = tpu.vector_load %arg17[%get3A_37, %get3A_38] {strides = array<i32>} : memref<1x128xf32, #tpu.memory_space<vmem>>, vector<16xf32>,
    %get3A_40 = arith.constant 0 : i32
    %get3A_41 = arith.index_cast %get3A_40 : i32 to index
    %get3A_42 = arith.constant 32 : index
    %get3A_43 = tpu.vector_load %arg17[%get3A_41, %get3A_42] {strides = array<i32>} : memref<1x128xf32, #tpu.memory_space<vmem>>, vector<16xf32>,
    %get3A_44 = arith.constant 0 : i32
    %get3A_45 = arith.index_cast %get3A_44 : i32 to index
    %get3A_46 = arith.constant 48 : index
    %get3A_47 = tpu.vector_load %arg17[%get3A_45, %get3A_46] {strides = array<i32>} : memref<1x128xf32, #tpu.memory_space<vmem>>, vector<16xf32>,
    %get3A_48 = arith.constant 0 : i32
    %get3A_49 = arith.index_cast %get3A_48 : i32 to index
    %get3A_50 = arith.constant 64 : index
    %get3A_51 = tpu.vector_load %arg17[%get3A_49, %get3A_50] {strides = array<i32>} : memref<1x128xf32, #tpu.memory_space<vmem>>, vector<16xf32>,
    %get3A_52 = arith.constant 0 : i32
    %get3A_53 = arith.index_cast %get3A_52 : i32 to index
    %get3A_54 = arith.constant 80 : index
    %get3A_55 = tpu.vector_load %arg17[%get3A_53, %get3A_54] {strides = array<i32>} : memref<1x128xf32, #tpu.memory_space<vmem>>, vector<16xf32>,
    %get3A_56 = arith.constant 0 : i32
    %get3A_57 = arith.index_cast %get3A_56 : i32 to index
    %get3A_58 = arith.constant 96 : index
    %get3A_59 = tpu.vector_load %arg17[%get3A_57, %get3A_58] {strides = array<i32>} : memref<1x128xf32, #tpu.memory_space<vmem>>, vector<16xf32>,
    %get3A_60 = arith.constant 0 : i32
    %get3A_61 = arith.index_cast %get3A_60 : i32 to index
    %get3A_62 = arith.constant 112 : index
    %get3A_63 = tpu.vector_load %arg17[%get3A_61, %get3A_62] {strides = array<i32>} : memref<1x128xf32, #tpu.memory_space<vmem>>, vector<16xf32>,
    %lt3A = arith.constant 4 : i32
    %lt3A_64 = arith.cmpi slt, %add3A, %lt3A : i32
    %convert_element_type3A = arith.extui %lt3A_64 : i1 to i32
    %cond3A = arith.constant 0 : i32
    %cond3A_65 = arith.cmpi ne, %convert_element_type3A, %cond3A : i32
    scf.if %cond3A_65 {
      "tpu.region"() ({
        %run_scoped3A = tpu.sem_alloc : memref<!tpu.dma_semaphore, #tpu.memory_space<semaphore_mem>>
        %dma_start3A = arith.constant 0 : i32
        %dma_start3A_377 = arith.constant 0 : i32
        %dma_start3A_378 = tpu.memref_slice %arg12[%dma_start3A, %dma_start3A_377] : memref<256x128xf32, #tpu.memory_space<vmem>> -> memref<1x128xf32, #tpu.memory_space<vmem>>
        %dma_start3A_379 = arith.constant 0 : i32
        %dma_start3A_380 = arith.constant 0 : i32
        %dma_start3A_381 = tpu.memref_slice %arg12[%dma_start3A_379, %dma_start3A_380] : memref<256x128xf32, #tpu.memory_space<vmem>> -> memref<1x128xf32, #tpu.memory_space<vmem>>
        tpu.enqueue_dma source(%arg7 : memref<1x128xf32, #tpu.memory_space<hbm>>) target(%dma_start3A_381 : memref<1x128xf32, #tpu.memory_space<vmem>>) target_semaphore(%run_scoped3A : memref<!tpu.dma_semaphore, #tpu.memory_space<semaphore_mem>>)
        %dma_wait3A = arith.constant 0 : i32
        %dma_wait3A_382 = arith.constant 0 : i32
        %dma_wait3A_383 = tpu.memref_slice %arg12[%dma_wait3A, %dma_wait3A_382] : memref<256x128xf32, #tpu.memory_space<vmem>> -> memref<1x128xf32, #tpu.memory_space<vmem>>
        %dma_wait3A_384 = arith.constant 0 : i32
        %dma_wait3A_385 = arith.constant 0 : i32
        %dma_wait3A_386 = tpu.memref_slice %arg12[%dma_wait3A_384, %dma_wait3A_385] : memref<256x128xf32, #tpu.memory_space<vmem>> -> memref<1x128xf32, #tpu.memory_space<vmem>>
        tpu.wait_dma2 semaphore(%run_scoped3A : memref<!tpu.dma_semaphore, #tpu.memory_space<semaphore_mem>>) src(%arg7 : memref<1x128xf32, #tpu.memory_space<hbm>>) dst(%dma_wait3A_386 : memref<1x128xf32, #tpu.memory_space<vmem>>)
        tpu.yield
      }) : () -> ()
      "tpu.region"() ({
        %run_scoped3A = tpu.sem_alloc : memref<!tpu.dma_semaphore, #tpu.memory_space<semaphore_mem>>
        %dma_start3A = arith.constant 0 : i32
        %dma_start3A_377 = arith.constant 0 : i32
        %dma_start3A_378 = tpu.memref_slice %arg4[%dma_start3A, %dma_start3A_377] : memref<50x128xf32, #tpu.memory_space<hbm>> -> memref<1x128xf32, #tpu.memory_space<hbm>>
        %dma_start3A_379 = arith.constant 0 : i32
        %dma_start3A_380 = arith.constant 0 : i32
        %dma_start3A_381 = tpu.memref_slice %arg4[%dma_start3A_379, %dma_start3A_380] : memref<50x128xf32, #tpu.memory_space<hbm>> -> memref<1x128xf32, #tpu.memory_space<hbm>>
        tpu.enqueue_dma source(%dma_start3A_381 : memref<1x128xf32, #tpu.memory_space<hbm>>) target(%arg14 : memref<1x128xf32, #tpu.memory_space<vmem>>) target_semaphore(%run_scoped3A : memref<!tpu.dma_semaphore, #tpu.memory_space<semaphore_mem>>)
        %dma_wait3A = arith.constant 0 : i32
        %dma_wait3A_382 = arith.constant 0 : i32
        %dma_wait3A_383 = tpu.memref_slice %arg4[%dma_wait3A, %dma_wait3A_382] : memref<50x128xf32, #tpu.memory_space<hbm>> -> memref<1x128xf32, #tpu.memory_space<hbm>>
        %dma_wait3A_384 = arith.constant 0 : i32
        %dma_wait3A_385 = arith.constant 0 : i32
        %dma_wait3A_386 = tpu.memref_slice %arg4[%dma_wait3A_384, %dma_wait3A_385] : memref<50x128xf32, #tpu.memory_space<hbm>> -> memref<1x128xf32, #tpu.memory_space<hbm>>
        tpu.wait_dma2 semaphore(%run_scoped3A : memref<!tpu.dma_semaphore, #tpu.memory_space<semaphore_mem>>) src(%dma_wait3A_386 : memref<1x128xf32, #tpu.memory_space<hbm>>) dst(%arg14 : memref<1x128xf32, #tpu.memory_space<vmem>>)
        tpu.yield
      }) : () -> ()
      "tpu.region"() ({
        %run_scoped3A = tpu.sem_alloc : memref<!tpu.dma_semaphore, #tpu.memory_space<semaphore_mem>>
        %dma_start3A = arith.constant 0 : i32
        %dma_start3A_377 = arith.constant 0 : i32
        %dma_start3A_378 = tpu.memref_slice %arg6[%dma_start3A, %dma_start3A_377] : memref<2x128xf32, #tpu.memory_space<hbm>> -> memref<1x128xf32, #tpu.memory_space<hbm>>
        %dma_start3A_379 = arith.constant 0 : i32
        %dma_start3A_380 = arith.constant 0 : i32
        %dma_start3A_381 = tpu.memref_slice %arg6[%dma_start3A_379, %dma_start3A_380] : memref<2x128xf32, #tpu.memory_space<hbm>> -> memref<1x128xf32, #tpu.memory_space<hbm>>
        tpu.enqueue_dma source(%dma_start3A_381 : memref<1x128xf32, #tpu.memory_space<hbm>>) target(%arg15 : memref<1x128xf32, #tpu.memory_space<vmem>>) target_semaphore(%run_scoped3A : memref<!tpu.dma_semaphore, #tpu.memory_space<semaphore_mem>>)
        %dma_wait3A = arith.constant 0 : i32
        %dma_wait3A_382 = arith.constant 0 : i32
        %dma_wait3A_383 = tpu.memref_slice %arg6[%dma_wait3A, %dma_wait3A_382] : memref<2x128xf32, #tpu.memory_space<hbm>> -> memref<1x128xf32, #tpu.memory_space<hbm>>
        %dma_wait3A_384 = arith.constant 0 : i32
        %dma_wait3A_385 = arith.constant 0 : i32
        %dma_wait3A_386 = tpu.memref_slice %arg6[%dma_wait3A_384, %dma_wait3A_385] : memref<2x128xf32, #tpu.memory_space<hbm>> -> memref<1x128xf32, #tpu.memory_space<hbm>>
        tpu.wait_dma2 semaphore(%run_scoped3A : memref<!tpu.dma_semaphore, #tpu.memory_space<semaphore_mem>>) src(%dma_wait3A_386 : memref<1x128xf32, #tpu.memory_space<hbm>>) dst(%arg15 : memref<1x128xf32, #tpu.memory_space<vmem>>)
        tpu.yield
      }) : () -> ()
      %get3A_83 = arith.constant 0 : i32
      %get3A_84 = arith.index_cast %get3A_83 : i32 to index
      %get3A_85 = arith.constant 0 : index
      %get3A_86 = tpu.vector_load %arg14[%get3A_84, %get3A_85] {strides = array<i32>} : memref<1x128xf32, #tpu.memory_space<vmem>>, vector<16xf32>,
      %get3A_87 = arith.constant 0 : i32
      %get3A_88 = arith.index_cast %get3A_87 : i32 to index
      %get3A_89 = arith.constant 0 : index
      %get3A_90 = tpu.vector_load %arg15[%get3A_88, %get3A_89] {strides = array<i32>} : memref<1x128xf32, #tpu.memory_space<vmem>>, vector<16xf32>,
      %add3A_91 = arith.addf %get3A_86, %get3A_90 : vector<16xf32>
      %get3A_92 = arith.constant 0 : i32
      %get3A_93 = arith.index_cast %get3A_92 : i32 to index
      %get3A_94 = arith.constant 16 : index
      %get3A_95 = tpu.vector_load %arg14[%get3A_93, %get3A_94] {strides = array<i32>} : memref<1x128xf32, #tpu.memory_space<vmem>>, vector<16xf32>,
      %get3A_96 = arith.constant 0 : i32
      %get3A_97 = arith.index_cast %get3A_96 : i32 to index
      %get3A_98 = arith.constant 16 : index
      %get3A_99 = tpu.vector_load %arg15[%get3A_97, %get3A_98] {strides = array<i32>} : memref<1x128xf32, #tpu.memory_space<vmem>>, vector<16xf32>,
      %add3A_100 = arith.addf %get3A_95, %get3A_99 : vector<16xf32>
      %get3A_101 = arith.constant 0 : i32
      %get3A_102 = arith.index_cast %get3A_101 : i32 to index
      %get3A_103 = arith.constant 32 : index
      %get3A_104 = tpu.vector_load %arg14[%get3A_102, %get3A_103] {strides = array<i32>} : memref<1x128xf32, #tpu.memory_space<vmem>>, vector<16xf32>,
      %get3A_105 = arith.constant 0 : i32
      %get3A_106 = arith.index_cast %get3A_105 : i32 to index
      %get3A_107 = arith.constant 32 : index
      %get3A_108 = tpu.vector_load %arg15[%get3A_106, %get3A_107] {strides = array<i32>} : memref<1x128xf32, #tpu.memory_space<vmem>>, vector<16xf32>,
      %add3A_109 = arith.addf %get3A_104, %get3A_108 : vector<16xf32>
      %get3A_110 = arith.constant 0 : i32
      %get3A_111 = arith.index_cast %get3A_110 : i32 to index
      %get3A_112 = arith.constant 48 : index
      %get3A_113 = tpu.vector_load %arg14[%get3A_111, %get3A_112] {strides = array<i32>} : memref<1x128xf32, #tpu.memory_space<vmem>>, vector<16xf32>,
      %get3A_114 = arith.constant 0 : i32
      %get3A_115 = arith.index_cast %get3A_114 : i32 to index
      %get3A_116 = arith.constant 48 : index
      %get3A_117 = tpu.vector_load %arg15[%get3A_115, %get3A_116] {strides = array<i32>} : memref<1x128xf32, #tpu.memory_space<vmem>>, vector<16xf32>,
      %add3A_118 = arith.addf %get3A_113, %get3A_117 : vector<16xf32>
      %get3A_119 = arith.constant 0 : i32
      %get3A_120 = arith.index_cast %get3A_119 : i32 to index
      %get3A_121 = arith.constant 64 : index
      %get3A_122 = tpu.vector_load %arg14[%get3A_120, %get3A_121] {strides = array<i32>} : memref<1x128xf32, #tpu.memory_space<vmem>>, vector<16xf32>,
      %get3A_123 = arith.constant 0 : i32
      %get3A_124 = arith.index_cast %get3A_123 : i32 to index
      %get3A_125 = arith.constant 64 : index
      %get3A_126 = tpu.vector_load %arg15[%get3A_124, %get3A_125] {strides = array<i32>} : memref<1x128xf32, #tpu.memory_space<vmem>>, vector<16xf32>,
      %add3A_127 = arith.addf %get3A_122, %get3A_126 : vector<16xf32>
      %get3A_128 = arith.constant 0 : i32
      %get3A_129 = arith.index_cast %get3A_128 : i32 to index
      %get3A_130 = arith.constant 80 : index
      %get3A_131 = tpu.vector_load %arg14[%get3A_129, %get3A_130] {strides = array<i32>} : memref<1x128xf32, #tpu.memory_space<vmem>>, vector<16xf32>,
      %get3A_132 = arith.constant 0 : i32
      %get3A_133 = arith.index_cast %get3A_132 : i32 to index
      %get3A_134 = arith.constant 80 : index
      %get3A_135 = tpu.vector_load %arg15[%get3A_133, %get3A_134] {strides = array<i32>} : memref<1x128xf32, #tpu.memory_space<vmem>>, vector<16xf32>,
      %add3A_136 = arith.addf %get3A_131, %get3A_135 : vector<16xf32>
      %get3A_137 = arith.constant 0 : i32
      %get3A_138 = arith.index_cast %get3A_137 : i32 to index
      %get3A_139 = arith.constant 96 : index
      %get3A_140 = tpu.vector_load %arg14[%get3A_138, %get3A_139] {strides = array<i32>} : memref<1x128xf32, #tpu.memory_space<vmem>>, vector<16xf32>,
      %get3A_141 = arith.constant 0 : i32
      %get3A_142 = arith.index_cast %get3A_141 : i32 to index
      %get3A_143 = arith.constant 96 : index
      %get3A_144 = tpu.vector_load %arg15[%get3A_142, %get3A_143] {strides = array<i32>} : memref<1x128xf32, #tpu.memory_space<vmem>>, vector<16xf32>,
      %add3A_145 = arith.addf %get3A_140, %get3A_144 : vector<16xf32>
      %get3A_146 = arith.constant 0 : i32
      %get3A_147 = arith.index_cast %get3A_146 : i32 to index
      %get3A_148 = arith.constant 112 : index
      %get3A_149 = tpu.vector_load %arg14[%get3A_147, %get3A_148] {strides = array<i32>} : memref<1x128xf32, #tpu.memory_space<vmem>>, vector<16xf32>,
      %get3A_150 = arith.constant 0 : i32
      %get3A_151 = arith.index_cast %get3A_150 : i32 to index
      %get3A_152 = arith.constant 112 : index
      %get3A_153 = tpu.vector_load %arg15[%get3A_151, %get3A_152] {strides = array<i32>} : memref<1x128xf32, #tpu.memory_space<vmem>>, vector<16xf32>,
      %add3A_154 = arith.addf %get3A_149, %get3A_153 : vector<16xf32>
      %get3A_155 = arith.constant 0 : i32
      %get3A_156 = arith.index_cast %get3A_155 : i32 to index
      %get3A_157 = arith.constant 0 : index
      %get3A_158 = tpu.vector_load %arg12[%get3A_156, %get3A_157] {strides = array<i32>} : memref<256x128xf32, #tpu.memory_space<vmem>>, vector<16xf32>,
      %add3A_159 = arith.addf %get3A_158, %add3A_91 : vector<16xf32>
      %get3A_160 = arith.constant 0 : i32
      %get3A_161 = arith.index_cast %get3A_160 : i32 to index
      %get3A_162 = arith.constant 16 : index
      %get3A_163 = tpu.vector_load %arg12[%get3A_161, %get3A_162] {strides = array<i32>} : memref<256x128xf32, #tpu.memory_space<vmem>>, vector<16xf32>,
      %add3A_164 = arith.addf %get3A_163, %add3A_100 : vector<16xf32>
      %get3A_165 = arith.constant 0 : i32
      %get3A_166 = arith.index_cast %get3A_165 : i32 to index
      %get3A_167 = arith.constant 32 : index
      %get3A_168 = tpu.vector_load %arg12[%get3A_166, %get3A_167] {strides = array<i32>} : memref<256x128xf32, #tpu.memory_space<vmem>>, vector<16xf32>,
      %add3A_169 = arith.addf %get3A_168, %add3A_109 : vector<16xf32>
      %get3A_170 = arith.constant 0 : i32
      %get3A_171 = arith.index_cast %get3A_170 : i32 to index
      %get3A_172 = arith.constant 48 : index
      %get3A_173 = tpu.vector_load %arg12[%get3A_171, %get3A_172] {strides = array<i32>} : memref<256x128xf32, #tpu.memory_space<vmem>>, vector<16xf32>,
      %add3A_174 = arith.addf %get3A_173, %add3A_118 : vector<16xf32>
      %get3A_175 = arith.constant 0 : i32
      %get3A_176 = arith.index_cast %get3A_175 : i32 to index
      %get3A_177 = arith.constant 64 : index
      %get3A_178 = tpu.vector_load %arg12[%get3A_176, %get3A_177] {strides = array<i32>} : memref<256x128xf32, #tpu.memory_space<vmem>>, vector<16xf32>,
      %add3A_179 = arith.addf %get3A_178, %add3A_127 : vector<16xf32>
      %get3A_180 = arith.constant 0 : i32
      %get3A_181 = arith.index_cast %get3A_180 : i32 to index
      %get3A_182 = arith.constant 80 : index
      %get3A_183 = tpu.vector_load %arg12[%get3A_181, %get3A_182] {strides = array<i32>} : memref<256x128xf32, #tpu.memory_space<vmem>>, vector<16xf32>,
      %add3A_184 = arith.addf %get3A_183, %add3A_136 : vector<16xf32>
      %get3A_185 = arith.constant 0 : i32
      %get3A_186 = arith.index_cast %get3A_185 : i32 to index
      %get3A_187 = arith.constant 96 : index
      %get3A_188 = tpu.vector_load %arg12[%get3A_186, %get3A_187] {strides = array<i32>} : memref<256x128xf32, #tpu.memory_space<vmem>>, vector<16xf32>,
      %add3A_189 = arith.addf %get3A_188, %add3A_145 : vector<16xf32>
      %get3A_190 = arith.constant 0 : i32
      %get3A_191 = arith.index_cast %get3A_190 : i32 to index
      %get3A_192 = arith.constant 112 : index
      %get3A_193 = tpu.vector_load %arg12[%get3A_191, %get3A_192] {strides = array<i32>} : memref<256x128xf32, #tpu.memory_space<vmem>>, vector<16xf32>,
      %add3A_194 = arith.addf %get3A_193, %add3A_154 : vector<16xf32>
      %mul3A_195 = arith.mulf %add3A_159, %add3A_159 : vector<16xf32>
      %add3A_196 = arith.addf %add3A_159, %add3A_164 : vector<16xf32>
      %mul3A_197 = arith.mulf %add3A_164, %add3A_164 : vector<16xf32>
      %add3A_198 = arith.addf %mul3A_195, %mul3A_197 : vector<16xf32>
      %add3A_199 = arith.addf %add3A_196, %add3A_169 : vector<16xf32>
      %mul3A_200 = arith.mulf %add3A_169, %add3A_169 : vector<16xf32>
      %add3A_201 = arith.addf %add3A_198, %mul3A_200 : vector<16xf32>
      %add3A_202 = arith.addf %add3A_199, %add3A_174 : vector<16xf32>
      %mul3A_203 = arith.mulf %add3A_174, %add3A_174 : vector<16xf32>
      %add3A_204 = arith.addf %add3A_201, %mul3A_203 : vector<16xf32>
      %add3A_205 = arith.addf %add3A_202, %add3A_179 : vector<16xf32>
      %mul3A_206 = arith.mulf %add3A_179, %add3A_179 : vector<16xf32>
      %add3A_207 = arith.addf %add3A_204, %mul3A_206 : vector<16xf32>
      %add3A_208 = arith.addf %add3A_205, %add3A_184 : vector<16xf32>
      %mul3A_209 = arith.mulf %add3A_184, %add3A_184 : vector<16xf32>
      %add3A_210 = arith.addf %add3A_207, %mul3A_209 : vector<16xf32>
      %add3A_211 = arith.addf %add3A_208, %add3A_189 : vector<16xf32>
      %mul3A_212 = arith.mulf %add3A_189, %add3A_189 : vector<16xf32>
      %add3A_213 = arith.addf %add3A_210, %mul3A_212 : vector<16xf32>
      %add3A_214 = arith.addf %add3A_211, %add3A_194 : vector<16xf32>
      %mul3A_215 = arith.mulf %add3A_194, %add3A_194 : vector<16xf32>
      %add3A_216 = arith.addf %add3A_213, %mul3A_215 : vector<16xf32>
      %reduce_sum3A = arith.constant true
      %reduce_sum3A_217 = vector.broadcast %reduce_sum3A : i1 to vector<16xi1>
      %reduce_sum3A_218 = tpu.scan <sum>, %add3A_214 masked %reduce_sum3A_217 : vector<16xf32>, vector<16xi1> -> vector<16xf32>
      %reduce_sum3A_219 = vector.extract %reduce_sum3A_218[15] : f32 from vector<16xf32>
      %reduce_sum3A_220 = arith.constant true
      %reduce_sum3A_221 = vector.broadcast %reduce_sum3A_220 : i1 to vector<16xi1>
      %reduce_sum3A_222 = tpu.scan <sum>, %add3A_216 masked %reduce_sum3A_221 : vector<16xf32>, vector<16xi1> -> vector<16xf32>
      %reduce_sum3A_223 = vector.extract %reduce_sum3A_222[15] : f32 from vector<16xf32>
      %mul3A_224 = arith.constant 7.812500e-03 : f32
      %mul3A_225 = arith.mulf %reduce_sum3A_219, %mul3A_224 : f32
      %mul3A_226 = arith.constant 7.812500e-03 : f32
      %mul3A_227 = arith.mulf %reduce_sum3A_223, %mul3A_226 : f32
      %mul3A_228 = arith.mulf %mul3A_225, %mul3A_225 : f32
      %sub3A = arith.subf %mul3A_227, %mul3A_228 : f32
      %add3A_229 = arith.constant 9.99999996E-13 : f32
      %add3A_230 = arith.addf %sub3A, %add3A_229 : f32
      %bitcast_convert_type3A = arith.bitcast %add3A_230 : f32 to i32
      %shift_right_logical3A = arith.constant 1 : i32
      %shift_right_logical3A_231 = arith.shrui %bitcast_convert_type3A, %shift_right_logical3A : i32
      %sub3A_232 = arith.constant 1597463007 : i32
      %sub3A_233 = arith.subi %sub3A_232, %shift_right_logical3A_231 : i32
      %bitcast_convert_type3A_234 = arith.bitcast %sub3A_233 : i32 to f32
      %mul3A_235 = arith.constant 5.000000e-01 : f32
      %mul3A_236 = arith.mulf %mul3A_235, %add3A_230 : f32
      %mul3A_237 = arith.mulf %mul3A_236, %bitcast_convert_type3A_234 : f32
      %mul3A_238 = arith.mulf %mul3A_237, %bitcast_convert_type3A_234 : f32
      %sub3A_239 = arith.constant 1.500000e+00 : f32
      %sub3A_240 = arith.subf %sub3A_239, %mul3A_238 : f32
      %mul3A_241 = arith.mulf %bitcast_convert_type3A_234, %sub3A_240 : f32
      %mul3A_242 = arith.constant 5.000000e-01 : f32
      %mul3A_243 = arith.mulf %mul3A_242, %add3A_230 : f32
      %mul3A_244 = arith.mulf %mul3A_243, %mul3A_241 : f32
      %mul3A_245 = arith.mulf %mul3A_244, %mul3A_241 : f32
      %sub3A_246 = arith.constant 1.500000e+00 : f32
      %sub3A_247 = arith.subf %sub3A_246, %mul3A_245 : f32
      %mul3A_248 = arith.mulf %mul3A_241, %sub3A_247 : f32
      %mul3A_249 = arith.constant 5.000000e-01 : f32
      %mul3A_250 = arith.mulf %mul3A_249, %add3A_230 : f32
      %mul3A_251 = arith.mulf %mul3A_250, %mul3A_248 : f32
      %mul3A_252 = arith.mulf %mul3A_251, %mul3A_248 : f32
      %sub3A_253 = arith.constant 1.500000e+00 : f32
      %sub3A_254 = arith.subf %sub3A_253, %mul3A_252 : f32
      %mul3A_255 = arith.mulf %mul3A_248, %sub3A_254 : f32
      %sub3A_256 = vector.broadcast %mul3A_225 : f32 to vector<16xf32>
      %sub3A_257 = arith.subf %add3A_159, %sub3A_256 : vector<16xf32>
      %mul3A_258 = vector.broadcast %mul3A_255 : f32 to vector<16xf32>
      %mul3A_259 = arith.mulf %sub3A_257, %mul3A_258 : vector<16xf32>
      %mul3A_260 = arith.mulf %mul3A_259, %get3A_3 : vector<16xf32>
      %add3A_261 = arith.addf %mul3A_260, %get3A_35 : vector<16xf32>
      %swap3A = arith.constant 0 : i32
      %swap3A_262 = arith.index_cast %swap3A : i32 to index
      %swap3A_263 = arith.constant 0 : index
      %swap3A_264 = tpu.vector_load %arg13[%swap3A_262, %swap3A_263] {strides = array<i32>} : memref<256x128xf32, #tpu.memory_space<vmem>>, vector<16xf32>,
      tpu.vector_store %arg13[%swap3A_262, %swap3A_263], %add3A_261 {strides = array<i32>} : memref<256x128xf32, #tpu.memory_space<vmem>>, vector<16xf32>,
      %sub3A_265 = vector.broadcast %mul3A_225 : f32 to vector<16xf32>
      %sub3A_266 = arith.subf %add3A_164, %sub3A_265 : vector<16xf32>
      %mul3A_267 = vector.broadcast %mul3A_255 : f32 to vector<16xf32>
      %mul3A_268 = arith.mulf %sub3A_266, %mul3A_267 : vector<16xf32>
      %mul3A_269 = arith.mulf %mul3A_268, %get3A_7 : vector<16xf32>
      %add3A_270 = arith.addf %mul3A_269, %get3A_39 : vector<16xf32>
      %swap3A_271 = arith.constant 0 : i32
      %swap3A_272 = arith.index_cast %swap3A_271 : i32 to index
      %swap3A_273 = arith.constant 16 : index
      %swap3A_274 = tpu.vector_load %arg13[%swap3A_272, %swap3A_273] {strides = array<i32>} : memref<256x128xf32, #tpu.memory_space<vmem>>, vector<16xf32>,
      tpu.vector_store %arg13[%swap3A_272, %swap3A_273], %add3A_270 {strides = array<i32>} : memref<256x128xf32, #tpu.memory_space<vmem>>, vector<16xf32>,
      %sub3A_275 = vector.broadcast %mul3A_225 : f32 to vector<16xf32>
      %sub3A_276 = arith.subf %add3A_169, %sub3A_275 : vector<16xf32>
      %mul3A_277 = vector.broadcast %mul3A_255 : f32 to vector<16xf32>
      %mul3A_278 = arith.mulf %sub3A_276, %mul3A_277 : vector<16xf32>
      %mul3A_279 = arith.mulf %mul3A_278, %get3A_11 : vector<16xf32>
      %add3A_280 = arith.addf %mul3A_279, %get3A_43 : vector<16xf32>
      %swap3A_281 = arith.constant 0 : i32
      %swap3A_282 = arith.index_cast %swap3A_281 : i32 to index
      %swap3A_283 = arith.constant 32 : index
      %swap3A_284 = tpu.vector_load %arg13[%swap3A_282, %swap3A_283] {strides = array<i32>} : memref<256x128xf32, #tpu.memory_space<vmem>>, vector<16xf32>,
      tpu.vector_store %arg13[%swap3A_282, %swap3A_283], %add3A_280 {strides = array<i32>} : memref<256x128xf32, #tpu.memory_space<vmem>>, vector<16xf32>,
      %sub3A_285 = vector.broadcast %mul3A_225 : f32 to vector<16xf32>
      %sub3A_286 = arith.subf %add3A_174, %sub3A_285 : vector<16xf32>
      %mul3A_287 = vector.broadcast %mul3A_255 : f32 to vector<16xf32>
      %mul3A_288 = arith.mulf %sub3A_286, %mul3A_287 : vector<16xf32>
      %mul3A_289 = arith.mulf %mul3A_288, %get3A_15 : vector<16xf32>
      %add3A_290 = arith.addf %mul3A_289, %get3A_47 : vector<16xf32>
      %swap3A_291 = arith.constant 0 : i32
      %swap3A_292 = arith.index_cast %swap3A_291 : i32 to index
      %swap3A_293 = arith.constant 48 : index
      %swap3A_294 = tpu.vector_load %arg13[%swap3A_292, %swap3A_293] {strides = array<i32>} : memref<256x128xf32, #tpu.memory_space<vmem>>, vector<16xf32>,
      tpu.vector_store %arg13[%swap3A_292, %swap3A_293], %add3A_290 {strides = array<i32>} : memref<256x128xf32, #tpu.memory_space<vmem>>, vector<16xf32>,
      %sub3A_295 = vector.broadcast %mul3A_225 : f32 to vector<16xf32>
      %sub3A_296 = arith.subf %add3A_179, %sub3A_295 : vector<16xf32>
      %mul3A_297 = vector.broadcast %mul3A_255 : f32 to vector<16xf32>
      %mul3A_298 = arith.mulf %sub3A_296, %mul3A_297 : vector<16xf32>
      %mul3A_299 = arith.mulf %mul3A_298, %get3A_19 : vector<16xf32>
      %add3A_300 = arith.addf %mul3A_299, %get3A_51 : vector<16xf32>
      %swap3A_301 = arith.constant 0 : i32
      %swap3A_302 = arith.index_cast %swap3A_301 : i32 to index
      %swap3A_303 = arith.constant 64 : index
      %swap3A_304 = tpu.vector_load %arg13[%swap3A_302, %swap3A_303] {strides = array<i32>} : memref<256x128xf32, #tpu.memory_space<vmem>>, vector<16xf32>,
      tpu.vector_store %arg13[%swap3A_302, %swap3A_303], %add3A_300 {strides = array<i32>} : memref<256x128xf32, #tpu.memory_space<vmem>>, vector<16xf32>,
      %sub3A_305 = vector.broadcast %mul3A_225 : f32 to vector<16xf32>
      %sub3A_306 = arith.subf %add3A_184, %sub3A_305 : vector<16xf32>
      %mul3A_307 = vector.broadcast %mul3A_255 : f32 to vector<16xf32>
      %mul3A_308 = arith.mulf %sub3A_306, %mul3A_307 : vector<16xf32>
      %mul3A_309 = arith.mulf %mul3A_308, %get3A_23 : vector<16xf32>
      %add3A_310 = arith.addf %mul3A_309, %get3A_55 : vector<16xf32>
      %swap3A_311 = arith.constant 0 : i32
      %swap3A_312 = arith.index_cast %swap3A_311 : i32 to index
      %swap3A_313 = arith.constant 80 : index
      %swap3A_314 = tpu.vector_load %arg13[%swap3A_312, %swap3A_313] {strides = array<i32>} : memref<256x128xf32, #tpu.memory_space<vmem>>, vector<16xf32>,
      tpu.vector_store %arg13[%swap3A_312, %swap3A_313], %add3A_310 {strides = array<i32>} : memref<256x128xf32, #tpu.memory_space<vmem>>, vector<16xf32>,
      %sub3A_315 = vector.broadcast %mul3A_225 : f32 to vector<16xf32>
      %sub3A_316 = arith.subf %add3A_189, %sub3A_315 : vector<16xf32>
      %mul3A_317 = vector.broadcast %mul3A_255 : f32 to vector<16xf32>
      %mul3A_318 = arith.mulf %sub3A_316, %mul3A_317 : vector<16xf32>
      %mul3A_319 = arith.mulf %mul3A_318, %get3A_27 : vector<16xf32>
      %add3A_320 = arith.addf %mul3A_319, %get3A_59 : vector<16xf32>
      %swap3A_321 = arith.constant 0 : i32
      %swap3A_322 = arith.index_cast %swap3A_321 : i32 to index
      %swap3A_323 = arith.constant 96 : index
      %swap3A_324 = tpu.vector_load %arg13[%swap3A_322, %swap3A_323] {strides = array<i32>} : memref<256x128xf32, #tpu.memory_space<vmem>>, vector<16xf32>,
      tpu.vector_store %arg13[%swap3A_322, %swap3A_323], %add3A_320 {strides = array<i32>} : memref<256x128xf32, #tpu.memory_space<vmem>>, vector<16xf32>,
      %sub3A_325 = vector.broadcast %mul3A_225 : f32 to vector<16xf32>
      %sub3A_326 = arith.subf %add3A_194, %sub3A_325 : vector<16xf32>
      %mul3A_327 = vector.broadcast %mul3A_255 : f32 to vector<16xf32>
      %mul3A_328 = arith.mulf %sub3A_326, %mul3A_327 : vector<16xf32>
      %mul3A_329 = arith.mulf %mul3A_328, %get3A_31 : vector<16xf32>
      %add3A_330 = arith.addf %mul3A_329, %get3A_63 : vector<16xf32>
      %swap3A_331 = arith.constant 0 : i32
      %swap3A_332 = arith.index_cast %swap3A_331 : i32 to index
      %swap3A_333 = arith.constant 112 : index
      %swap3A_334 = tpu.vector_load %arg13[%swap3A_332, %swap3A_333] {strides = array<i32>} : memref<256x128xf32, #tpu.memory_space<vmem>>, vector<16xf32>,
      tpu.vector_store %arg13[%swap3A_332, %swap3A_333], %add3A_330 {strides = array<i32>} : memref<256x128xf32, #tpu.memory_space<vmem>>, vector<16xf32>,
      %get3A_335 = arith.constant 0 : i32
      %get3A_336 = arith.index_cast %get3A_335 : i32 to index
      %get3A_337 = arith.constant 0 : index
      %get3A_338 = tpu.vector_load %arg13[%get3A_336, %get3A_337] {strides = array<i32>} : memref<256x128xf32, #tpu.memory_space<vmem>>, vector<16xf32>,
      %get3A_339 = arith.constant 0 : i32
      %get3A_340 = arith.index_cast %get3A_339 : i32 to index
      %get3A_341 = arith.constant 16 : index
      %get3A_342 = tpu.vector_load %arg13[%get3A_340, %get3A_341] {strides = array<i32>} : memref<256x128xf32, #tpu.memory_space<vmem>>, vector<16xf32>,
      %get3A_343 = arith.constant 0 : i32
      %get3A_344 = arith.index_cast %get3A_343 : i32 to index
      %get3A_345 = arith.constant 32 : index
      %get3A_346 = tpu.vector_load %arg13[%get3A_344, %get3A_345] {strides = array<i32>} : memref<256x128xf32, #tpu.memory_space<vmem>>, vector<16xf32>,
      %get3A_347 = arith.constant 0 : i32
      %get3A_348 = arith.index_cast %get3A_347 : i32 to index
      %get3A_349 = arith.constant 48 : index
      %get3A_350 = tpu.vector_load %arg13[%get3A_348, %get3A_349] {strides = array<i32>} : memref<256x128xf32, #tpu.memory_space<vmem>>, vector<16xf32>,
      %get3A_351 = arith.constant 0 : i32
      %get3A_352 = arith.index_cast %get3A_351 : i32 to index
      %get3A_353 = arith.constant 64 : index
      %get3A_354 = tpu.vector_load %arg13[%get3A_352, %get3A_353] {strides = array<i32>} : memref<256x128xf32, #tpu.memory_space<vmem>>, vector<16xf32>,
      %get3A_355 = arith.constant 0 : i32
      %get3A_356 = arith.index_cast %get3A_355 : i32 to index
      %get3A_357 = arith.constant 80 : index
      %get3A_358 = tpu.vector_load %arg13[%get3A_356, %get3A_357] {strides = array<i32>} : memref<256x128xf32, #tpu.memory_space<vmem>>, vector<16xf32>,
      %get3A_359 = arith.constant 0 : i32
      %get3A_360 = arith.index_cast %get3A_359 : i32 to index
      %get3A_361 = arith.constant 96 : index
      %get3A_362 = tpu.vector_load %arg13[%get3A_360, %get3A_361] {strides = array<i32>} : memref<256x128xf32, #tpu.memory_space<vmem>>, vector<16xf32>,
      %get3A_363 = arith.constant 0 : i32
      %get3A_364 = arith.index_cast %get3A_363 : i32 to index
      %get3A_365 = arith.constant 112 : index
      %get3A_366 = tpu.vector_load %arg13[%get3A_364, %get3A_365] {strides = array<i32>} : memref<256x128xf32, #tpu.memory_space<vmem>>, vector<16xf32>,
      %scan3A_367 = arith.constant 0 : i32
      %scan3A_368 = arith.constant 1 : i32
      %scan3A_369 = arith.constant 255 : i32
      %scan3A_370 = arith.addi %scan3A_368, %scan3A_369 : i32
      %scan3A_371 = arith.constant 1 : i32
      scf.for %scan3A_377 = %scan3A_368 to %scan3A_370 step %scan3A_371  : i32 {
        %swap3A_378 = arith.index_cast %scan3A_377 : i32 to index
        %swap3A_379 = arith.constant 0 : index
        %swap3A_380 = tpu.vector_load %arg13[%swap3A_378, %swap3A_379] {strides = array<i32>} : memref<256x128xf32, #tpu.memory_space<vmem>>, vector<16xf32>,
        tpu.vector_store %arg13[%swap3A_378, %swap3A_379], %get3A_338 {strides = array<i32>} : memref<256x128xf32, #tpu.memory_space<vmem>>, vector<16xf32>,
        %swap3A_381 = arith.index_cast %scan3A_377 : i32 to index
        %swap3A_382 = arith.constant 16 : index
        %swap3A_383 = tpu.vector_load %arg13[%swap3A_381, %swap3A_382] {strides = array<i32>} : memref<256x128xf32, #tpu.memory_space<vmem>>, vector<16xf32>,
        tpu.vector_store %arg13[%swap3A_381, %swap3A_382], %get3A_342 {strides = array<i32>} : memref<256x128xf32, #tpu.memory_space<vmem>>, vector<16xf32>,
        %swap3A_384 = arith.index_cast %scan3A_377 : i32 to index
        %swap3A_385 = arith.constant 32 : index
        %swap3A_386 = tpu.vector_load %arg13[%swap3A_384, %swap3A_385] {strides = array<i32>} : memref<256x128xf32, #tpu.memory_space<vmem>>, vector<16xf32>,
        tpu.vector_store %arg13[%swap3A_384, %swap3A_385], %get3A_346 {strides = array<i32>} : memref<256x128xf32, #tpu.memory_space<vmem>>, vector<16xf32>,
        %swap3A_387 = arith.index_cast %scan3A_377 : i32 to index
        %swap3A_388 = arith.constant 48 : index
        %swap3A_389 = tpu.vector_load %arg13[%swap3A_387, %swap3A_388] {strides = array<i32>} : memref<256x128xf32, #tpu.memory_space<vmem>>, vector<16xf32>,
        tpu.vector_store %arg13[%swap3A_387, %swap3A_388], %get3A_350 {strides = array<i32>} : memref<256x128xf32, #tpu.memory_space<vmem>>, vector<16xf32>,
        %swap3A_390 = arith.index_cast %scan3A_377 : i32 to index
        %swap3A_391 = arith.constant 64 : index
        %swap3A_392 = tpu.vector_load %arg13[%swap3A_390, %swap3A_391] {strides = array<i32>} : memref<256x128xf32, #tpu.memory_space<vmem>>, vector<16xf32>,
        tpu.vector_store %arg13[%swap3A_390, %swap3A_391], %get3A_354 {strides = array<i32>} : memref<256x128xf32, #tpu.memory_space<vmem>>, vector<16xf32>,
        %swap3A_393 = arith.index_cast %scan3A_377 : i32 to index
        %swap3A_394 = arith.constant 80 : index
        %swap3A_395 = tpu.vector_load %arg13[%swap3A_393, %swap3A_394] {strides = array<i32>} : memref<256x128xf32, #tpu.memory_space<vmem>>, vector<16xf32>,
        tpu.vector_store %arg13[%swap3A_393, %swap3A_394], %get3A_358 {strides = array<i32>} : memref<256x128xf32, #tpu.memory_space<vmem>>, vector<16xf32>,
        %swap3A_396 = arith.index_cast %scan3A_377 : i32 to index
        %swap3A_397 = arith.constant 96 : index
        %swap3A_398 = tpu.vector_load %arg13[%swap3A_396, %swap3A_397] {strides = array<i32>} : memref<256x128xf32, #tpu.memory_space<vmem>>, vector<16xf32>,
        tpu.vector_store %arg13[%swap3A_396, %swap3A_397], %get3A_362 {strides = array<i32>} : memref<256x128xf32, #tpu.memory_space<vmem>>, vector<16xf32>,
        %swap3A_399 = arith.index_cast %scan3A_377 : i32 to index
        %swap3A_400 = arith.constant 112 : index
        %swap3A_401 = tpu.vector_load %arg13[%swap3A_399, %swap3A_400] {strides = array<i32>} : memref<256x128xf32, #tpu.memory_space<vmem>>, vector<16xf32>,
        tpu.vector_store %arg13[%swap3A_399, %swap3A_400], %get3A_366 {strides = array<i32>} : memref<256x128xf32, #tpu.memory_space<vmem>>, vector<16xf32>,
      }
      %scan3A_372 = arith.constant 255 : i32
      %mul3A_373 = arith.constant 256 : i32
      %mul3A_374 = arith.muli %add3A, %mul3A_373 : i32
      %add3A_375 = arith.constant 0 : i32
      %add3A_376 = arith.addi %add3A_375, %mul3A_374 : i32
      "tpu.region"() ({
        %run_scoped3A = tpu.sem_alloc : memref<!tpu.dma_semaphore, #tpu.memory_space<semaphore_mem>>
        %dma_start3A = arith.constant 0 : i32
        %dma_start3A_377 = tpu.memref_slice %arg11[%add3A_376, %dma_start3A] : memref<256000x128xf32, #tpu.memory_space<hbm>> -> memref<256x128xf32, #tpu.memory_space<hbm>>
        %dma_start3A_378 = arith.constant 0 : i32
        %dma_start3A_379 = tpu.memref_slice %arg11[%add3A_376, %dma_start3A_378] : memref<256000x128xf32, #tpu.memory_space<hbm>> -> memref<256x128xf32, #tpu.memory_space<hbm>>
        tpu.enqueue_dma source(%arg13 : memref<256x128xf32, #tpu.memory_space<vmem>>) target(%dma_start3A_379 : memref<256x128xf32, #tpu.memory_space<hbm>>) target_semaphore(%run_scoped3A : memref<!tpu.dma_semaphore, #tpu.memory_space<semaphore_mem>>)
        %dma_wait3A = arith.constant 0 : i32
        %dma_wait3A_380 = tpu.memref_slice %arg11[%add3A_376, %dma_wait3A] : memref<256000x128xf32, #tpu.memory_space<hbm>> -> memref<256x128xf32, #tpu.memory_space<hbm>>
        %dma_wait3A_381 = arith.constant 0 : i32
        %dma_wait3A_382 = tpu.memref_slice %arg11[%add3A_376, %dma_wait3A_381] : memref<256000x128xf32, #tpu.memory_space<hbm>> -> memref<256x128xf32, #tpu.memory_space<hbm>>
        tpu.wait_dma2 semaphore(%run_scoped3A : memref<!tpu.dma_semaphore, #tpu.memory_space<semaphore_mem>>) src(%arg13 : memref<256x128xf32, #tpu.memory_space<vmem>>) dst(%dma_wait3A_382 : memref<256x128xf32, #tpu.memory_space<hbm>>)
        tpu.yield
      }) : () -> ()
    } else {
    }
    %ge3A = arith.constant 4 : i32
    %ge3A_66 = arith.cmpi sge, %add3A, %ge3A : i32
    %lt3A_67 = arith.constant 8 : i32
    %lt3A_68 = arith.cmpi slt, %add3A, %lt3A_67 : i32
    %and3A = arith.andi %ge3A_66, %lt3A_68 : i1
    %convert_element_type3A_69 = arith.extui %and3A : i1 to i32
    %cond3A_70 = arith.constant 0 : i32
    %cond3A_71 = arith.cmpi ne, %convert_element_type3A_69, %cond3A_70 : i32
    scf.if %cond3A_71 {
      %sub3A = arith.constant 4 : i32
      %sub3A_83 = arith.subi %add3A, %sub3A : i32
      "tpu.region"() ({
        %run_scoped3A = tpu.sem_alloc : memref<!tpu.dma_semaphore, #tpu.memory_space<semaphore_mem>>
        %dma_start3A = arith.constant 0 : i32
        %dma_start3A_379 = arith.constant 0 : i32
        %dma_start3A_380 = tpu.memref_slice %arg12[%dma_start3A, %dma_start3A_379] : memref<256x128xf32, #tpu.memory_space<vmem>> -> memref<1x128xf32, #tpu.memory_space<vmem>>
        %dma_start3A_381 = arith.constant 0 : i32
        %dma_start3A_382 = arith.constant 0 : i32
        %dma_start3A_383 = tpu.memref_slice %arg12[%dma_start3A_381, %dma_start3A_382] : memref<256x128xf32, #tpu.memory_space<vmem>> -> memref<1x128xf32, #tpu.memory_space<vmem>>
        tpu.enqueue_dma source(%arg8 : memref<1x128xf32, #tpu.memory_space<hbm>>) target(%dma_start3A_383 : memref<1x128xf32, #tpu.memory_space<vmem>>) target_semaphore(%run_scoped3A : memref<!tpu.dma_semaphore, #tpu.memory_space<semaphore_mem>>)
        %dma_wait3A = arith.constant 0 : i32
        %dma_wait3A_384 = arith.constant 0 : i32
        %dma_wait3A_385 = tpu.memref_slice %arg12[%dma_wait3A, %dma_wait3A_384] : memref<256x128xf32, #tpu.memory_space<vmem>> -> memref<1x128xf32, #tpu.memory_space<vmem>>
        %dma_wait3A_386 = arith.constant 0 : i32
        %dma_wait3A_387 = arith.constant 0 : i32
        %dma_wait3A_388 = tpu.memref_slice %arg12[%dma_wait3A_386, %dma_wait3A_387] : memref<256x128xf32, #tpu.memory_space<vmem>> -> memref<1x128xf32, #tpu.memory_space<vmem>>
        tpu.wait_dma2 semaphore(%run_scoped3A : memref<!tpu.dma_semaphore, #tpu.memory_space<semaphore_mem>>) src(%arg8 : memref<1x128xf32, #tpu.memory_space<hbm>>) dst(%dma_wait3A_388 : memref<1x128xf32, #tpu.memory_space<vmem>>)
        tpu.yield
      }) : () -> ()
      "tpu.region"() ({
        %run_scoped3A = tpu.sem_alloc : memref<!tpu.dma_semaphore, #tpu.memory_space<semaphore_mem>>
        %dma_start3A = arith.constant 0 : i32
        %dma_start3A_379 = arith.constant 0 : i32
        %dma_start3A_380 = tpu.memref_slice %arg5[%dma_start3A, %dma_start3A_379] : memref<200x128xf32, #tpu.memory_space<hbm>> -> memref<1x128xf32, #tpu.memory_space<hbm>>
        %dma_start3A_381 = arith.constant 0 : i32
        %dma_start3A_382 = arith.constant 0 : i32
        %dma_start3A_383 = tpu.memref_slice %arg5[%dma_start3A_381, %dma_start3A_382] : memref<200x128xf32, #tpu.memory_space<hbm>> -> memref<1x128xf32, #tpu.memory_space<hbm>>
        tpu.enqueue_dma source(%dma_start3A_383 : memref<1x128xf32, #tpu.memory_space<hbm>>) target(%arg14 : memref<1x128xf32, #tpu.memory_space<vmem>>) target_semaphore(%run_scoped3A : memref<!tpu.dma_semaphore, #tpu.memory_space<semaphore_mem>>)
        %dma_wait3A = arith.constant 0 : i32
        %dma_wait3A_384 = arith.constant 0 : i32
        %dma_wait3A_385 = tpu.memref_slice %arg5[%dma_wait3A, %dma_wait3A_384] : memref<200x128xf32, #tpu.memory_space<hbm>> -> memref<1x128xf32, #tpu.memory_space<hbm>>
        %dma_wait3A_386 = arith.constant 0 : i32
        %dma_wait3A_387 = arith.constant 0 : i32
        %dma_wait3A_388 = tpu.memref_slice %arg5[%dma_wait3A_386, %dma_wait3A_387] : memref<200x128xf32, #tpu.memory_space<hbm>> -> memref<1x128xf32, #tpu.memory_space<hbm>>
        tpu.wait_dma2 semaphore(%run_scoped3A : memref<!tpu.dma_semaphore, #tpu.memory_space<semaphore_mem>>) src(%dma_wait3A_388 : memref<1x128xf32, #tpu.memory_space<hbm>>) dst(%arg14 : memref<1x128xf32, #tpu.memory_space<vmem>>)
        tpu.yield
      }) : () -> ()
      "tpu.region"() ({
        %run_scoped3A = tpu.sem_alloc : memref<!tpu.dma_semaphore, #tpu.memory_space<semaphore_mem>>
        %dma_start3A = arith.constant 1 : i32
        %dma_start3A_379 = arith.constant 0 : i32
        %dma_start3A_380 = tpu.memref_slice %arg6[%dma_start3A, %dma_start3A_379] : memref<2x128xf32, #tpu.memory_space<hbm>> -> memref<1x128xf32, #tpu.memory_space<hbm>>
        %dma_start3A_381 = arith.constant 1 : i32
        %dma_start3A_382 = arith.constant 0 : i32
        %dma_start3A_383 = tpu.memref_slice %arg6[%dma_start3A_381, %dma_start3A_382] : memref<2x128xf32, #tpu.memory_space<hbm>> -> memref<1x128xf32, #tpu.memory_space<hbm>>
        tpu.enqueue_dma source(%dma_start3A_383 : memref<1x128xf32, #tpu.memory_space<hbm>>) target(%arg15 : memref<1x128xf32, #tpu.memory_space<vmem>>) target_semaphore(%run_scoped3A : memref<!tpu.dma_semaphore, #tpu.memory_space<semaphore_mem>>)
        %dma_wait3A = arith.constant 1 : i32
        %dma_wait3A_384 = arith.constant 0 : i32
        %dma_wait3A_385 = tpu.memref_slice %arg6[%dma_wait3A, %dma_wait3A_384] : memref<2x128xf32, #tpu.memory_space<hbm>> -> memref<1x128xf32, #tpu.memory_space<hbm>>
        %dma_wait3A_386 = arith.constant 1 : i32
        %dma_wait3A_387 = arith.constant 0 : i32
        %dma_wait3A_388 = tpu.memref_slice %arg6[%dma_wait3A_386, %dma_wait3A_387] : memref<2x128xf32, #tpu.memory_space<hbm>> -> memref<1x128xf32, #tpu.memory_space<hbm>>
        tpu.wait_dma2 semaphore(%run_scoped3A : memref<!tpu.dma_semaphore, #tpu.memory_space<semaphore_mem>>) src(%dma_wait3A_388 : memref<1x128xf32, #tpu.memory_space<hbm>>) dst(%arg15 : memref<1x128xf32, #tpu.memory_space<vmem>>)
        tpu.yield
      }) : () -> ()
      %get3A_84 = arith.constant 0 : i32
      %get3A_85 = arith.index_cast %get3A_84 : i32 to index
      %get3A_86 = arith.constant 0 : index
      %get3A_87 = tpu.vector_load %arg14[%get3A_85, %get3A_86] {strides = array<i32>} : memref<1x128xf32, #tpu.memory_space<vmem>>, vector<16xf32>,
      %get3A_88 = arith.constant 0 : i32
      %get3A_89 = arith.index_cast %get3A_88 : i32 to index
      %get3A_90 = arith.constant 0 : index
      %get3A_91 = tpu.vector_load %arg15[%get3A_89, %get3A_90] {strides = array<i32>} : memref<1x128xf32, #tpu.memory_space<vmem>>, vector<16xf32>,
      %add3A_92 = arith.addf %get3A_87, %get3A_91 : vector<16xf32>
      %get3A_93 = arith.constant 0 : i32
      %get3A_94 = arith.index_cast %get3A_93 : i32 to index
      %get3A_95 = arith.constant 16 : index
      %get3A_96 = tpu.vector_load %arg14[%get3A_94, %get3A_95] {strides = array<i32>} : memref<1x128xf32, #tpu.memory_space<vmem>>, vector<16xf32>,
      %get3A_97 = arith.constant 0 : i32
      %get3A_98 = arith.index_cast %get3A_97 : i32 to index
      %get3A_99 = arith.constant 16 : index
      %get3A_100 = tpu.vector_load %arg15[%get3A_98, %get3A_99] {strides = array<i32>} : memref<1x128xf32, #tpu.memory_space<vmem>>, vector<16xf32>,
      %add3A_101 = arith.addf %get3A_96, %get3A_100 : vector<16xf32>
      %get3A_102 = arith.constant 0 : i32
      %get3A_103 = arith.index_cast %get3A_102 : i32 to index
      %get3A_104 = arith.constant 32 : index
      %get3A_105 = tpu.vector_load %arg14[%get3A_103, %get3A_104] {strides = array<i32>} : memref<1x128xf32, #tpu.memory_space<vmem>>, vector<16xf32>,
      %get3A_106 = arith.constant 0 : i32
      %get3A_107 = arith.index_cast %get3A_106 : i32 to index
      %get3A_108 = arith.constant 32 : index
      %get3A_109 = tpu.vector_load %arg15[%get3A_107, %get3A_108] {strides = array<i32>} : memref<1x128xf32, #tpu.memory_space<vmem>>, vector<16xf32>,
      %add3A_110 = arith.addf %get3A_105, %get3A_109 : vector<16xf32>
      %get3A_111 = arith.constant 0 : i32
      %get3A_112 = arith.index_cast %get3A_111 : i32 to index
      %get3A_113 = arith.constant 48 : index
      %get3A_114 = tpu.vector_load %arg14[%get3A_112, %get3A_113] {strides = array<i32>} : memref<1x128xf32, #tpu.memory_space<vmem>>, vector<16xf32>,
      %get3A_115 = arith.constant 0 : i32
      %get3A_116 = arith.index_cast %get3A_115 : i32 to index
      %get3A_117 = arith.constant 48 : index
      %get3A_118 = tpu.vector_load %arg15[%get3A_116, %get3A_117] {strides = array<i32>} : memref<1x128xf32, #tpu.memory_space<vmem>>, vector<16xf32>,
      %add3A_119 = arith.addf %get3A_114, %get3A_118 : vector<16xf32>
      %get3A_120 = arith.constant 0 : i32
      %get3A_121 = arith.index_cast %get3A_120 : i32 to index
      %get3A_122 = arith.constant 64 : index
      %get3A_123 = tpu.vector_load %arg14[%get3A_121, %get3A_122] {strides = array<i32>} : memref<1x128xf32, #tpu.memory_space<vmem>>, vector<16xf32>,
      %get3A_124 = arith.constant 0 : i32
      %get3A_125 = arith.index_cast %get3A_124 : i32 to index
      %get3A_126 = arith.constant 64 : index
      %get3A_127 = tpu.vector_load %arg15[%get3A_125, %get3A_126] {strides = array<i32>} : memref<1x128xf32, #tpu.memory_space<vmem>>, vector<16xf32>,
      %add3A_128 = arith.addf %get3A_123, %get3A_127 : vector<16xf32>
      %get3A_129 = arith.constant 0 : i32
      %get3A_130 = arith.index_cast %get3A_129 : i32 to index
      %get3A_131 = arith.constant 80 : index
      %get3A_132 = tpu.vector_load %arg14[%get3A_130, %get3A_131] {strides = array<i32>} : memref<1x128xf32, #tpu.memory_space<vmem>>, vector<16xf32>,
      %get3A_133 = arith.constant 0 : i32
      %get3A_134 = arith.index_cast %get3A_133 : i32 to index
      %get3A_135 = arith.constant 80 : index
      %get3A_136 = tpu.vector_load %arg15[%get3A_134, %get3A_135] {strides = array<i32>} : memref<1x128xf32, #tpu.memory_space<vmem>>, vector<16xf32>,
      %add3A_137 = arith.addf %get3A_132, %get3A_136 : vector<16xf32>
      %get3A_138 = arith.constant 0 : i32
      %get3A_139 = arith.index_cast %get3A_138 : i32 to index
      %get3A_140 = arith.constant 96 : index
      %get3A_141 = tpu.vector_load %arg14[%get3A_139, %get3A_140] {strides = array<i32>} : memref<1x128xf32, #tpu.memory_space<vmem>>, vector<16xf32>,
      %get3A_142 = arith.constant 0 : i32
      %get3A_143 = arith.index_cast %get3A_142 : i32 to index
      %get3A_144 = arith.constant 96 : index
      %get3A_145 = tpu.vector_load %arg15[%get3A_143, %get3A_144] {strides = array<i32>} : memref<1x128xf32, #tpu.memory_space<vmem>>, vector<16xf32>,
      %add3A_146 = arith.addf %get3A_141, %get3A_145 : vector<16xf32>
      %get3A_147 = arith.constant 0 : i32
      %get3A_148 = arith.index_cast %get3A_147 : i32 to index
      %get3A_149 = arith.constant 112 : index
      %get3A_150 = tpu.vector_load %arg14[%get3A_148, %get3A_149] {strides = array<i32>} : memref<1x128xf32, #tpu.memory_space<vmem>>, vector<16xf32>,
      %get3A_151 = arith.constant 0 : i32
      %get3A_152 = arith.index_cast %get3A_151 : i32 to index
      %get3A_153 = arith.constant 112 : index
      %get3A_154 = tpu.vector_load %arg15[%get3A_152, %get3A_153] {strides = array<i32>} : memref<1x128xf32, #tpu.memory_space<vmem>>, vector<16xf32>,
      %add3A_155 = arith.addf %get3A_150, %get3A_154 : vector<16xf32>
      %get3A_156 = arith.constant 0 : i32
      %get3A_157 = arith.index_cast %get3A_156 : i32 to index
      %get3A_158 = arith.constant 0 : index
      %get3A_159 = tpu.vector_load %arg12[%get3A_157, %get3A_158] {strides = array<i32>} : memref<256x128xf32, #tpu.memory_space<vmem>>, vector<16xf32>,
      %add3A_160 = arith.addf %get3A_159, %add3A_92 : vector<16xf32>
      %get3A_161 = arith.constant 0 : i32
      %get3A_162 = arith.index_cast %get3A_161 : i32 to index
      %get3A_163 = arith.constant 16 : index
      %get3A_164 = tpu.vector_load %arg12[%get3A_162, %get3A_163] {strides = array<i32>} : memref<256x128xf32, #tpu.memory_space<vmem>>, vector<16xf32>,
      %add3A_165 = arith.addf %get3A_164, %add3A_101 : vector<16xf32>
      %get3A_166 = arith.constant 0 : i32
      %get3A_167 = arith.index_cast %get3A_166 : i32 to index
      %get3A_168 = arith.constant 32 : index
      %get3A_169 = tpu.vector_load %arg12[%get3A_167, %get3A_168] {strides = array<i32>} : memref<256x128xf32, #tpu.memory_space<vmem>>, vector<16xf32>,
      %add3A_170 = arith.addf %get3A_169, %add3A_110 : vector<16xf32>
      %get3A_171 = arith.constant 0 : i32
      %get3A_172 = arith.index_cast %get3A_171 : i32 to index
      %get3A_173 = arith.constant 48 : index
      %get3A_174 = tpu.vector_load %arg12[%get3A_172, %get3A_173] {strides = array<i32>} : memref<256x128xf32, #tpu.memory_space<vmem>>, vector<16xf32>,
      %add3A_175 = arith.addf %get3A_174, %add3A_119 : vector<16xf32>
      %get3A_176 = arith.constant 0 : i32
      %get3A_177 = arith.index_cast %get3A_176 : i32 to index
      %get3A_178 = arith.constant 64 : index
      %get3A_179 = tpu.vector_load %arg12[%get3A_177, %get3A_178] {strides = array<i32>} : memref<256x128xf32, #tpu.memory_space<vmem>>, vector<16xf32>,
      %add3A_180 = arith.addf %get3A_179, %add3A_128 : vector<16xf32>
      %get3A_181 = arith.constant 0 : i32
      %get3A_182 = arith.index_cast %get3A_181 : i32 to index
      %get3A_183 = arith.constant 80 : index
      %get3A_184 = tpu.vector_load %arg12[%get3A_182, %get3A_183] {strides = array<i32>} : memref<256x128xf32, #tpu.memory_space<vmem>>, vector<16xf32>,
      %add3A_185 = arith.addf %get3A_184, %add3A_137 : vector<16xf32>
      %get3A_186 = arith.constant 0 : i32
      %get3A_187 = arith.index_cast %get3A_186 : i32 to index
      %get3A_188 = arith.constant 96 : index
      %get3A_189 = tpu.vector_load %arg12[%get3A_187, %get3A_188] {strides = array<i32>} : memref<256x128xf32, #tpu.memory_space<vmem>>, vector<16xf32>,
      %add3A_190 = arith.addf %get3A_189, %add3A_146 : vector<16xf32>
      %get3A_191 = arith.constant 0 : i32
      %get3A_192 = arith.index_cast %get3A_191 : i32 to index
      %get3A_193 = arith.constant 112 : index
      %get3A_194 = tpu.vector_load %arg12[%get3A_192, %get3A_193] {strides = array<i32>} : memref<256x128xf32, #tpu.memory_space<vmem>>, vector<16xf32>,
      %add3A_195 = arith.addf %get3A_194, %add3A_155 : vector<16xf32>
      %mul3A_196 = arith.mulf %add3A_160, %add3A_160 : vector<16xf32>
      %add3A_197 = arith.addf %add3A_160, %add3A_165 : vector<16xf32>
      %mul3A_198 = arith.mulf %add3A_165, %add3A_165 : vector<16xf32>
      %add3A_199 = arith.addf %mul3A_196, %mul3A_198 : vector<16xf32>
      %add3A_200 = arith.addf %add3A_197, %add3A_170 : vector<16xf32>
      %mul3A_201 = arith.mulf %add3A_170, %add3A_170 : vector<16xf32>
      %add3A_202 = arith.addf %add3A_199, %mul3A_201 : vector<16xf32>
      %add3A_203 = arith.addf %add3A_200, %add3A_175 : vector<16xf32>
      %mul3A_204 = arith.mulf %add3A_175, %add3A_175 : vector<16xf32>
      %add3A_205 = arith.addf %add3A_202, %mul3A_204 : vector<16xf32>
      %add3A_206 = arith.addf %add3A_203, %add3A_180 : vector<16xf32>
      %mul3A_207 = arith.mulf %add3A_180, %add3A_180 : vector<16xf32>
      %add3A_208 = arith.addf %add3A_205, %mul3A_207 : vector<16xf32>
      %add3A_209 = arith.addf %add3A_206, %add3A_185 : vector<16xf32>
      %mul3A_210 = arith.mulf %add3A_185, %add3A_185 : vector<16xf32>
      %add3A_211 = arith.addf %add3A_208, %mul3A_210 : vector<16xf32>
      %add3A_212 = arith.addf %add3A_209, %add3A_190 : vector<16xf32>
      %mul3A_213 = arith.mulf %add3A_190, %add3A_190 : vector<16xf32>
      %add3A_214 = arith.addf %add3A_211, %mul3A_213 : vector<16xf32>
      %add3A_215 = arith.addf %add3A_212, %add3A_195 : vector<16xf32>
      %mul3A_216 = arith.mulf %add3A_195, %add3A_195 : vector<16xf32>
      %add3A_217 = arith.addf %add3A_214, %mul3A_216 : vector<16xf32>
      %reduce_sum3A = arith.constant true
      %reduce_sum3A_218 = vector.broadcast %reduce_sum3A : i1 to vector<16xi1>
      %reduce_sum3A_219 = tpu.scan <sum>, %add3A_215 masked %reduce_sum3A_218 : vector<16xf32>, vector<16xi1> -> vector<16xf32>
      %reduce_sum3A_220 = vector.extract %reduce_sum3A_219[15] : f32 from vector<16xf32>
      %reduce_sum3A_221 = arith.constant true
      %reduce_sum3A_222 = vector.broadcast %reduce_sum3A_221 : i1 to vector<16xi1>
      %reduce_sum3A_223 = tpu.scan <sum>, %add3A_217 masked %reduce_sum3A_222 : vector<16xf32>, vector<16xi1> -> vector<16xf32>
      %reduce_sum3A_224 = vector.extract %reduce_sum3A_223[15] : f32 from vector<16xf32>
      %mul3A_225 = arith.constant 7.812500e-03 : f32
      %mul3A_226 = arith.mulf %reduce_sum3A_220, %mul3A_225 : f32
      %mul3A_227 = arith.constant 7.812500e-03 : f32
      %mul3A_228 = arith.mulf %reduce_sum3A_224, %mul3A_227 : f32
      %mul3A_229 = arith.mulf %mul3A_226, %mul3A_226 : f32
      %sub3A_230 = arith.subf %mul3A_228, %mul3A_229 : f32
      %add3A_231 = arith.constant 9.99999996E-13 : f32
      %add3A_232 = arith.addf %sub3A_230, %add3A_231 : f32
      %bitcast_convert_type3A = arith.bitcast %add3A_232 : f32 to i32
      %shift_right_logical3A = arith.constant 1 : i32
      %shift_right_logical3A_233 = arith.shrui %bitcast_convert_type3A, %shift_right_logical3A : i32
      %sub3A_234 = arith.constant 1597463007 : i32
      %sub3A_235 = arith.subi %sub3A_234, %shift_right_logical3A_233 : i32
      %bitcast_convert_type3A_236 = arith.bitcast %sub3A_235 : i32 to f32
      %mul3A_237 = arith.constant 5.000000e-01 : f32
      %mul3A_238 = arith.mulf %mul3A_237, %add3A_232 : f32
      %mul3A_239 = arith.mulf %mul3A_238, %bitcast_convert_type3A_236 : f32
      %mul3A_240 = arith.mulf %mul3A_239, %bitcast_convert_type3A_236 : f32
      %sub3A_241 = arith.constant 1.500000e+00 : f32
      %sub3A_242 = arith.subf %sub3A_241, %mul3A_240 : f32
      %mul3A_243 = arith.mulf %bitcast_convert_type3A_236, %sub3A_242 : f32
      %mul3A_244 = arith.constant 5.000000e-01 : f32
      %mul3A_245 = arith.mulf %mul3A_244, %add3A_232 : f32
      %mul3A_246 = arith.mulf %mul3A_245, %mul3A_243 : f32
      %mul3A_247 = arith.mulf %mul3A_246, %mul3A_243 : f32
      %sub3A_248 = arith.constant 1.500000e+00 : f32
      %sub3A_249 = arith.subf %sub3A_248, %mul3A_247 : f32
      %mul3A_250 = arith.mulf %mul3A_243, %sub3A_249 : f32
      %mul3A_251 = arith.constant 5.000000e-01 : f32
      %mul3A_252 = arith.mulf %mul3A_251, %add3A_232 : f32
      %mul3A_253 = arith.mulf %mul3A_252, %mul3A_250 : f32
      %mul3A_254 = arith.mulf %mul3A_253, %mul3A_250 : f32
      %sub3A_255 = arith.constant 1.500000e+00 : f32
      %sub3A_256 = arith.subf %sub3A_255, %mul3A_254 : f32
      %mul3A_257 = arith.mulf %mul3A_250, %sub3A_256 : f32
      %sub3A_258 = vector.broadcast %mul3A_226 : f32 to vector<16xf32>
      %sub3A_259 = arith.subf %add3A_160, %sub3A_258 : vector<16xf32>
      %mul3A_260 = vector.broadcast %mul3A_257 : f32 to vector<16xf32>
      %mul3A_261 = arith.mulf %sub3A_259, %mul3A_260 : vector<16xf32>
      %mul3A_262 = arith.mulf %mul3A_261, %get3A_3 : vector<16xf32>
      %add3A_263 = arith.addf %mul3A_262, %get3A_35 : vector<16xf32>
      %swap3A = arith.constant 0 : i32
      %swap3A_264 = arith.index_cast %swap3A : i32 to index
      %swap3A_265 = arith.constant 0 : index
      %swap3A_266 = tpu.vector_load %arg13[%swap3A_264, %swap3A_265] {strides = array<i32>} : memref<256x128xf32, #tpu.memory_space<vmem>>, vector<16xf32>,
      tpu.vector_store %arg13[%swap3A_264, %swap3A_265], %add3A_263 {strides = array<i32>} : memref<256x128xf32, #tpu.memory_space<vmem>>, vector<16xf32>,
      %sub3A_267 = vector.broadcast %mul3A_226 : f32 to vector<16xf32>
      %sub3A_268 = arith.subf %add3A_165, %sub3A_267 : vector<16xf32>
      %mul3A_269 = vector.broadcast %mul3A_257 : f32 to vector<16xf32>
      %mul3A_270 = arith.mulf %sub3A_268, %mul3A_269 : vector<16xf32>
      %mul3A_271 = arith.mulf %mul3A_270, %get3A_7 : vector<16xf32>
      %add3A_272 = arith.addf %mul3A_271, %get3A_39 : vector<16xf32>
      %swap3A_273 = arith.constant 0 : i32
      %swap3A_274 = arith.index_cast %swap3A_273 : i32 to index
      %swap3A_275 = arith.constant 16 : index
      %swap3A_276 = tpu.vector_load %arg13[%swap3A_274, %swap3A_275] {strides = array<i32>} : memref<256x128xf32, #tpu.memory_space<vmem>>, vector<16xf32>,
      tpu.vector_store %arg13[%swap3A_274, %swap3A_275], %add3A_272 {strides = array<i32>} : memref<256x128xf32, #tpu.memory_space<vmem>>, vector<16xf32>,
      %sub3A_277 = vector.broadcast %mul3A_226 : f32 to vector<16xf32>
      %sub3A_278 = arith.subf %add3A_170, %sub3A_277 : vector<16xf32>
      %mul3A_279 = vector.broadcast %mul3A_257 : f32 to vector<16xf32>
      %mul3A_280 = arith.mulf %sub3A_278, %mul3A_279 : vector<16xf32>
      %mul3A_281 = arith.mulf %mul3A_280, %get3A_11 : vector<16xf32>
      %add3A_282 = arith.addf %mul3A_281, %get3A_43 : vector<16xf32>
      %swap3A_283 = arith.constant 0 : i32
      %swap3A_284 = arith.index_cast %swap3A_283 : i32 to index
      %swap3A_285 = arith.constant 32 : index
      %swap3A_286 = tpu.vector_load %arg13[%swap3A_284, %swap3A_285] {strides = array<i32>} : memref<256x128xf32, #tpu.memory_space<vmem>>, vector<16xf32>,
      tpu.vector_store %arg13[%swap3A_284, %swap3A_285], %add3A_282 {strides = array<i32>} : memref<256x128xf32, #tpu.memory_space<vmem>>, vector<16xf32>,
      %sub3A_287 = vector.broadcast %mul3A_226 : f32 to vector<16xf32>
      %sub3A_288 = arith.subf %add3A_175, %sub3A_287 : vector<16xf32>
      %mul3A_289 = vector.broadcast %mul3A_257 : f32 to vector<16xf32>
      %mul3A_290 = arith.mulf %sub3A_288, %mul3A_289 : vector<16xf32>
      %mul3A_291 = arith.mulf %mul3A_290, %get3A_15 : vector<16xf32>
      %add3A_292 = arith.addf %mul3A_291, %get3A_47 : vector<16xf32>
      %swap3A_293 = arith.constant 0 : i32
      %swap3A_294 = arith.index_cast %swap3A_293 : i32 to index
      %swap3A_295 = arith.constant 48 : index
      %swap3A_296 = tpu.vector_load %arg13[%swap3A_294, %swap3A_295] {strides = array<i32>} : memref<256x128xf32, #tpu.memory_space<vmem>>, vector<16xf32>,
      tpu.vector_store %arg13[%swap3A_294, %swap3A_295], %add3A_292 {strides = array<i32>} : memref<256x128xf32, #tpu.memory_space<vmem>>, vector<16xf32>,
      %sub3A_297 = vector.broadcast %mul3A_226 : f32 to vector<16xf32>
      %sub3A_298 = arith.subf %add3A_180, %sub3A_297 : vector<16xf32>
      %mul3A_299 = vector.broadcast %mul3A_257 : f32 to vector<16xf32>
      %mul3A_300 = arith.mulf %sub3A_298, %mul3A_299 : vector<16xf32>
      %mul3A_301 = arith.mulf %mul3A_300, %get3A_19 : vector<16xf32>
      %add3A_302 = arith.addf %mul3A_301, %get3A_51 : vector<16xf32>
      %swap3A_303 = arith.constant 0 : i32
      %swap3A_304 = arith.index_cast %swap3A_303 : i32 to index
      %swap3A_305 = arith.constant 64 : index
      %swap3A_306 = tpu.vector_load %arg13[%swap3A_304, %swap3A_305] {strides = array<i32>} : memref<256x128xf32, #tpu.memory_space<vmem>>, vector<16xf32>,
      tpu.vector_store %arg13[%swap3A_304, %swap3A_305], %add3A_302 {strides = array<i32>} : memref<256x128xf32, #tpu.memory_space<vmem>>, vector<16xf32>,
      %sub3A_307 = vector.broadcast %mul3A_226 : f32 to vector<16xf32>
      %sub3A_308 = arith.subf %add3A_185, %sub3A_307 : vector<16xf32>
      %mul3A_309 = vector.broadcast %mul3A_257 : f32 to vector<16xf32>
      %mul3A_310 = arith.mulf %sub3A_308, %mul3A_309 : vector<16xf32>
      %mul3A_311 = arith.mulf %mul3A_310, %get3A_23 : vector<16xf32>
      %add3A_312 = arith.addf %mul3A_311, %get3A_55 : vector<16xf32>
      %swap3A_313 = arith.constant 0 : i32
      %swap3A_314 = arith.index_cast %swap3A_313 : i32 to index
      %swap3A_315 = arith.constant 80 : index
      %swap3A_316 = tpu.vector_load %arg13[%swap3A_314, %swap3A_315] {strides = array<i32>} : memref<256x128xf32, #tpu.memory_space<vmem>>, vector<16xf32>,
      tpu.vector_store %arg13[%swap3A_314, %swap3A_315], %add3A_312 {strides = array<i32>} : memref<256x128xf32, #tpu.memory_space<vmem>>, vector<16xf32>,
      %sub3A_317 = vector.broadcast %mul3A_226 : f32 to vector<16xf32>
      %sub3A_318 = arith.subf %add3A_190, %sub3A_317 : vector<16xf32>
      %mul3A_319 = vector.broadcast %mul3A_257 : f32 to vector<16xf32>
      %mul3A_320 = arith.mulf %sub3A_318, %mul3A_319 : vector<16xf32>
      %mul3A_321 = arith.mulf %mul3A_320, %get3A_27 : vector<16xf32>
      %add3A_322 = arith.addf %mul3A_321, %get3A_59 : vector<16xf32>
      %swap3A_323 = arith.constant 0 : i32
      %swap3A_324 = arith.index_cast %swap3A_323 : i32 to index
      %swap3A_325 = arith.constant 96 : index
      %swap3A_326 = tpu.vector_load %arg13[%swap3A_324, %swap3A_325] {strides = array<i32>} : memref<256x128xf32, #tpu.memory_space<vmem>>, vector<16xf32>,
      tpu.vector_store %arg13[%swap3A_324, %swap3A_325], %add3A_322 {strides = array<i32>} : memref<256x128xf32, #tpu.memory_space<vmem>>, vector<16xf32>,
      %sub3A_327 = vector.broadcast %mul3A_226 : f32 to vector<16xf32>
      %sub3A_328 = arith.subf %add3A_195, %sub3A_327 : vector<16xf32>
      %mul3A_329 = vector.broadcast %mul3A_257 : f32 to vector<16xf32>
      %mul3A_330 = arith.mulf %sub3A_328, %mul3A_329 : vector<16xf32>
      %mul3A_331 = arith.mulf %mul3A_330, %get3A_31 : vector<16xf32>
      %add3A_332 = arith.addf %mul3A_331, %get3A_63 : vector<16xf32>
      %swap3A_333 = arith.constant 0 : i32
      %swap3A_334 = arith.index_cast %swap3A_333 : i32 to index
      %swap3A_335 = arith.constant 112 : index
      %swap3A_336 = tpu.vector_load %arg13[%swap3A_334, %swap3A_335] {strides = array<i32>} : memref<256x128xf32, #tpu.memory_space<vmem>>, vector<16xf32>,
      tpu.vector_store %arg13[%swap3A_334, %swap3A_335], %add3A_332 {strides = array<i32>} : memref<256x128xf32, #tpu.memory_space<vmem>>, vector<16xf32>,
      %get3A_337 = arith.constant 0 : i32
      %get3A_338 = arith.index_cast %get3A_337 : i32 to index
      %get3A_339 = arith.constant 0 : index
      %get3A_340 = tpu.vector_load %arg13[%get3A_338, %get3A_339] {strides = array<i32>} : memref<256x128xf32, #tpu.memory_space<vmem>>, vector<16xf32>,
      %get3A_341 = arith.constant 0 : i32
      %get3A_342 = arith.index_cast %get3A_341 : i32 to index
      %get3A_343 = arith.constant 16 : index
      %get3A_344 = tpu.vector_load %arg13[%get3A_342, %get3A_343] {strides = array<i32>} : memref<256x128xf32, #tpu.memory_space<vmem>>, vector<16xf32>,
      %get3A_345 = arith.constant 0 : i32
      %get3A_346 = arith.index_cast %get3A_345 : i32 to index
      %get3A_347 = arith.constant 32 : index
      %get3A_348 = tpu.vector_load %arg13[%get3A_346, %get3A_347] {strides = array<i32>} : memref<256x128xf32, #tpu.memory_space<vmem>>, vector<16xf32>,
      %get3A_349 = arith.constant 0 : i32
      %get3A_350 = arith.index_cast %get3A_349 : i32 to index
      %get3A_351 = arith.constant 48 : index
      %get3A_352 = tpu.vector_load %arg13[%get3A_350, %get3A_351] {strides = array<i32>} : memref<256x128xf32, #tpu.memory_space<vmem>>, vector<16xf32>,
      %get3A_353 = arith.constant 0 : i32
      %get3A_354 = arith.index_cast %get3A_353 : i32 to index
      %get3A_355 = arith.constant 64 : index
      %get3A_356 = tpu.vector_load %arg13[%get3A_354, %get3A_355] {strides = array<i32>} : memref<256x128xf32, #tpu.memory_space<vmem>>, vector<16xf32>,
      %get3A_357 = arith.constant 0 : i32
      %get3A_358 = arith.index_cast %get3A_357 : i32 to index
      %get3A_359 = arith.constant 80 : index
      %get3A_360 = tpu.vector_load %arg13[%get3A_358, %get3A_359] {strides = array<i32>} : memref<256x128xf32, #tpu.memory_space<vmem>>, vector<16xf32>,
      %get3A_361 = arith.constant 0 : i32
      %get3A_362 = arith.index_cast %get3A_361 : i32 to index
      %get3A_363 = arith.constant 96 : index
      %get3A_364 = tpu.vector_load %arg13[%get3A_362, %get3A_363] {strides = array<i32>} : memref<256x128xf32, #tpu.memory_space<vmem>>, vector<16xf32>,
      %get3A_365 = arith.constant 0 : i32
      %get3A_366 = arith.index_cast %get3A_365 : i32 to index
      %get3A_367 = arith.constant 112 : index
      %get3A_368 = tpu.vector_load %arg13[%get3A_366, %get3A_367] {strides = array<i32>} : memref<256x128xf32, #tpu.memory_space<vmem>>, vector<16xf32>,
      %scan3A_369 = arith.constant 0 : i32
      %scan3A_370 = arith.constant 1 : i32
      %scan3A_371 = arith.constant 255 : i32
      %scan3A_372 = arith.addi %scan3A_370, %scan3A_371 : i32
      %scan3A_373 = arith.constant 1 : i32
      scf.for %scan3A_379 = %scan3A_370 to %scan3A_372 step %scan3A_373  : i32 {
        %swap3A_380 = arith.index_cast %scan3A_379 : i32 to index
        %swap3A_381 = arith.constant 0 : index
        %swap3A_382 = tpu.vector_load %arg13[%swap3A_380, %swap3A_381] {strides = array<i32>} : memref<256x128xf32, #tpu.memory_space<vmem>>, vector<16xf32>,
        tpu.vector_store %arg13[%swap3A_380, %swap3A_381], %get3A_340 {strides = array<i32>} : memref<256x128xf32, #tpu.memory_space<vmem>>, vector<16xf32>,
        %swap3A_383 = arith.index_cast %scan3A_379 : i32 to index
        %swap3A_384 = arith.constant 16 : index
        %swap3A_385 = tpu.vector_load %arg13[%swap3A_383, %swap3A_384] {strides = array<i32>} : memref<256x128xf32, #tpu.memory_space<vmem>>, vector<16xf32>,
        tpu.vector_store %arg13[%swap3A_383, %swap3A_384], %get3A_344 {strides = array<i32>} : memref<256x128xf32, #tpu.memory_space<vmem>>, vector<16xf32>,
        %swap3A_386 = arith.index_cast %scan3A_379 : i32 to index
        %swap3A_387 = arith.constant 32 : index
        %swap3A_388 = tpu.vector_load %arg13[%swap3A_386, %swap3A_387] {strides = array<i32>} : memref<256x128xf32, #tpu.memory_space<vmem>>, vector<16xf32>,
        tpu.vector_store %arg13[%swap3A_386, %swap3A_387], %get3A_348 {strides = array<i32>} : memref<256x128xf32, #tpu.memory_space<vmem>>, vector<16xf32>,
        %swap3A_389 = arith.index_cast %scan3A_379 : i32 to index
        %swap3A_390 = arith.constant 48 : index
        %swap3A_391 = tpu.vector_load %arg13[%swap3A_389, %swap3A_390] {strides = array<i32>} : memref<256x128xf32, #tpu.memory_space<vmem>>, vector<16xf32>,
        tpu.vector_store %arg13[%swap3A_389, %swap3A_390], %get3A_352 {strides = array<i32>} : memref<256x128xf32, #tpu.memory_space<vmem>>, vector<16xf32>,
        %swap3A_392 = arith.index_cast %scan3A_379 : i32 to index
        %swap3A_393 = arith.constant 64 : index
        %swap3A_394 = tpu.vector_load %arg13[%swap3A_392, %swap3A_393] {strides = array<i32>} : memref<256x128xf32, #tpu.memory_space<vmem>>, vector<16xf32>,
        tpu.vector_store %arg13[%swap3A_392, %swap3A_393], %get3A_356 {strides = array<i32>} : memref<256x128xf32, #tpu.memory_space<vmem>>, vector<16xf32>,
        %swap3A_395 = arith.index_cast %scan3A_379 : i32 to index
        %swap3A_396 = arith.constant 80 : index
        %swap3A_397 = tpu.vector_load %arg13[%swap3A_395, %swap3A_396] {strides = array<i32>} : memref<256x128xf32, #tpu.memory_space<vmem>>, vector<16xf32>,
        tpu.vector_store %arg13[%swap3A_395, %swap3A_396], %get3A_360 {strides = array<i32>} : memref<256x128xf32, #tpu.memory_space<vmem>>, vector<16xf32>,
        %swap3A_398 = arith.index_cast %scan3A_379 : i32 to index
        %swap3A_399 = arith.constant 96 : index
        %swap3A_400 = tpu.vector_load %arg13[%swap3A_398, %swap3A_399] {strides = array<i32>} : memref<256x128xf32, #tpu.memory_space<vmem>>, vector<16xf32>,
        tpu.vector_store %arg13[%swap3A_398, %swap3A_399], %get3A_364 {strides = array<i32>} : memref<256x128xf32, #tpu.memory_space<vmem>>, vector<16xf32>,
        %swap3A_401 = arith.index_cast %scan3A_379 : i32 to index
        %swap3A_402 = arith.constant 112 : index
        %swap3A_403 = tpu.vector_load %arg13[%swap3A_401, %swap3A_402] {strides = array<i32>} : memref<256x128xf32, #tpu.memory_space<vmem>>, vector<16xf32>,
        tpu.vector_store %arg13[%swap3A_401, %swap3A_402], %get3A_368 {strides = array<i32>} : memref<256x128xf32, #tpu.memory_space<vmem>>, vector<16xf32>,
      }
      %scan3A_374 = arith.constant 255 : i32
      %mul3A_375 = arith.constant 256 : i32
      %mul3A_376 = arith.muli %sub3A_83, %mul3A_375 : i32
      %add3A_377 = arith.constant 51200 : i32
      %add3A_378 = arith.addi %add3A_377, %mul3A_376 : i32
      "tpu.region"() ({
        %run_scoped3A = tpu.sem_alloc : memref<!tpu.dma_semaphore, #tpu.memory_space<semaphore_mem>>
        %dma_start3A = arith.constant 0 : i32
        %dma_start3A_379 = tpu.memref_slice %arg11[%add3A_378, %dma_start3A] : memref<256000x128xf32, #tpu.memory_space<hbm>> -> memref<256x128xf32, #tpu.memory_space<hbm>>
        %dma_start3A_380 = arith.constant 0 : i32
        %dma_start3A_381 = tpu.memref_slice %arg11[%add3A_378, %dma_start3A_380] : memref<256000x128xf32, #tpu.memory_space<hbm>> -> memref<256x128xf32, #tpu.memory_space<hbm>>
        tpu.enqueue_dma source(%arg13 : memref<256x128xf32, #tpu.memory_space<vmem>>) target(%dma_start3A_381 : memref<256x128xf32, #tpu.memory_space<hbm>>) target_semaphore(%run_scoped3A : memref<!tpu.dma_semaphore, #tpu.memory_space<semaphore_mem>>)
        %dma_wait3A = arith.constant 0 : i32
        %dma_wait3A_382 = tpu.memref_slice %arg11[%add3A_378, %dma_wait3A] : memref<256000x128xf32, #tpu.memory_space<hbm>> -> memref<256x128xf32, #tpu.memory_space<hbm>>
        %dma_wait3A_383 = arith.constant 0 : i32
        %dma_wait3A_384 = tpu.memref_slice %arg11[%add3A_378, %dma_wait3A_383] : memref<256000x128xf32, #tpu.memory_space<hbm>> -> memref<256x128xf32, #tpu.memory_space<hbm>>
        tpu.wait_dma2 semaphore(%run_scoped3A : memref<!tpu.dma_semaphore, #tpu.memory_space<semaphore_mem>>) src(%arg13 : memref<256x128xf32, #tpu.memory_space<vmem>>) dst(%dma_wait3A_384 : memref<256x128xf32, #tpu.memory_space<hbm>>)
        tpu.yield
      }) : () -> ()
    } else {
    }
    %scan3A = arith.constant 0 : i32
    %scan3A_72 = arith.constant 0 : i32
    %scan3A_73 = arith.constant 7 : i32
    %scan3A_74 = arith.addi %scan3A_72, %scan3A_73 : i32
    %scan3A_75 = arith.constant 1 : i32
    scf.for %scan3A_83 = %scan3A_72 to %scan3A_74 step %scan3A_75  : i32 {
      %mul3A_84 = arith.constant 32 : i32
      %mul3A_85 = arith.muli %scan3A_83, %mul3A_84 : i32
      %add3A_86 = arith.addi %add3A, %mul3A_85 : i32
      %lt3A_87 = arith.constant 196 : i32
      %lt3A_88 = arith.cmpi slt, %add3A_86, %lt3A_87 : i32
      %convert_element_type3A_89 = arith.extui %lt3A_88 : i1 to i32
      %cond3A_90 = arith.constant 0 : i32
      %cond3A_91 = arith.cmpi ne, %convert_element_type3A_89, %cond3A_90 : i32
      scf.if %cond3A_91 {
        %jit3A = arith.constant 4 : i32
        %div3A = arith.divsi %add3A_86, %jit3A : i32
        %sign3A = arith.constant 0 : i32
        %sign3A_92 = arith.cmpi sgt, %add3A_86, %sign3A : i32
        %sign3A_93 = arith.extui %sign3A_92 : i1 to i32
        %sign3A_94 = arith.constant 0 : i32
        %sign3A_95 = arith.cmpi slt, %add3A_86, %sign3A_94 : i32
        %sign3A_96 = arith.extui %sign3A_95 : i1 to i32
        %sign3A_97 = arith.subi %sign3A_93, %sign3A_96 : i32
        %sign3A_98 = arith.constant 0 : i32
        %sign3A_99 = arith.cmpi sgt, %jit3A, %sign3A_98 : i32
        %sign3A_100 = arith.extui %sign3A_99 : i1 to i32
        %sign3A_101 = arith.constant 0 : i32
        %sign3A_102 = arith.cmpi slt, %jit3A, %sign3A_101 : i32
        %sign3A_103 = arith.extui %sign3A_102 : i1 to i32
        %sign3A_104 = arith.subi %sign3A_100, %sign3A_103 : i32
        %ne3A = arith.cmpi ne, %sign3A_97, %sign3A_104 : i32
        %rem3A = arith.remsi %add3A_86, %jit3A : i32
        %ne3A_105 = arith.constant 0 : i32
        %ne3A_106 = arith.cmpi ne, %rem3A, %ne3A_105 : i32
        %and3A_107 = arith.andi %ne3A, %ne3A_106 : i1
        %sub3A = arith.constant 1 : i32
        %sub3A_108 = arith.subi %div3A, %sub3A : i32
        %select_n3A = arith.select %and3A_107, %sub3A_108, %div3A : i32
        %jit3A_109 = arith.constant 4 : i32
        %eq3A = arith.constant 0 : i32
        %eq3A_110 = arith.cmpi eq, %jit3A_109, %eq3A : i32
        %jit3A_111 = arith.constant 1 : i32
        %select_n3A_112 = arith.select %eq3A_110, %jit3A_111, %jit3A_109 : i32
        %rem3A_113 = arith.remsi %add3A_86, %select_n3A_112 : i32
        %ne3A_114 = arith.constant 0 : i32
        %ne3A_115 = arith.cmpi ne, %rem3A_113, %ne3A_114 : i32
        %lt3A_116 = arith.constant 0 : i32
        %lt3A_117 = arith.cmpi slt, %rem3A_113, %lt3A_116 : i32
        %lt3A_118 = arith.constant 0 : i32
        %lt3A_119 = arith.cmpi slt, %select_n3A_112, %lt3A_118 : i32
        %ne3A_120 = arith.xori %lt3A_117, %lt3A_119 : i1
        %and3A_121 = arith.andi %ne3A_120, %ne3A_115 : i1
        %add3A_122 = arith.addi %rem3A_113, %select_n3A_112 : i32
        %select_n3A_123 = arith.select %and3A_121, %add3A_122, %rem3A_113 : i32
        %mul3A_124 = arith.constant 256 : i32
        %mul3A_125 = arith.muli %select_n3A_123, %mul3A_124 : i32
        %mul3A_126 = arith.constant 1024 : i32
        %mul3A_127 = arith.muli %select_n3A, %mul3A_126 : i32
        %add3A_128 = arith.addi %mul3A_127, %mul3A_125 : i32
        "tpu.region"() ({
          %run_scoped3A = tpu.sem_alloc : memref<!tpu.dma_semaphore, #tpu.memory_space<semaphore_mem>>
          %dma_start3A = arith.constant 0 : i32
          %dma_start3A_214 = tpu.memref_slice %arg2[%add3A_128, %dma_start3A] : memref<50176x128xf32, #tpu.memory_space<hbm>> -> memref<256x128xf32, #tpu.memory_space<hbm>>
          %dma_start3A_215 = arith.constant 0 : i32
          %dma_start3A_216 = tpu.memref_slice %arg2[%add3A_128, %dma_start3A_215] : memref<50176x128xf32, #tpu.memory_space<hbm>> -> memref<256x128xf32, #tpu.memory_space<hbm>>
          tpu.enqueue_dma source(%dma_start3A_216 : memref<256x128xf32, #tpu.memory_space<hbm>>) target(%arg12 : memref<256x128xf32, #tpu.memory_space<vmem>>) target_semaphore(%run_scoped3A : memref<!tpu.dma_semaphore, #tpu.memory_space<semaphore_mem>>)
          %dma_wait3A = arith.constant 0 : i32
          %dma_wait3A_217 = tpu.memref_slice %arg2[%add3A_128, %dma_wait3A] : memref<50176x128xf32, #tpu.memory_space<hbm>> -> memref<256x128xf32, #tpu.memory_space<hbm>>
          %dma_wait3A_218 = arith.constant 0 : i32
          %dma_wait3A_219 = tpu.memref_slice %arg2[%add3A_128, %dma_wait3A_218] : memref<50176x128xf32, #tpu.memory_space<hbm>> -> memref<256x128xf32, #tpu.memory_space<hbm>>
          tpu.wait_dma2 semaphore(%run_scoped3A : memref<!tpu.dma_semaphore, #tpu.memory_space<semaphore_mem>>) src(%dma_wait3A_219 : memref<256x128xf32, #tpu.memory_space<hbm>>) dst(%arg12 : memref<256x128xf32, #tpu.memory_space<vmem>>)
          tpu.yield
        }) : () -> ()
        %add3A_129 = arith.constant 1 : i32
        %add3A_130 = arith.addi %add3A_129, %select_n3A : i32
        "tpu.region"() ({
          %run_scoped3A = tpu.sem_alloc : memref<!tpu.dma_semaphore, #tpu.memory_space<semaphore_mem>>
          %dma_start3A = arith.constant 0 : i32
          %dma_start3A_214 = tpu.memref_slice %arg4[%add3A_130, %dma_start3A] : memref<50x128xf32, #tpu.memory_space<hbm>> -> memref<1x128xf32, #tpu.memory_space<hbm>>
          %dma_start3A_215 = arith.constant 0 : i32
          %dma_start3A_216 = tpu.memref_slice %arg4[%add3A_130, %dma_start3A_215] : memref<50x128xf32, #tpu.memory_space<hbm>> -> memref<1x128xf32, #tpu.memory_space<hbm>>
          tpu.enqueue_dma source(%dma_start3A_216 : memref<1x128xf32, #tpu.memory_space<hbm>>) target(%arg14 : memref<1x128xf32, #tpu.memory_space<vmem>>) target_semaphore(%run_scoped3A : memref<!tpu.dma_semaphore, #tpu.memory_space<semaphore_mem>>)
          %dma_wait3A = arith.constant 0 : i32
          %dma_wait3A_217 = tpu.memref_slice %arg4[%add3A_130, %dma_wait3A] : memref<50x128xf32, #tpu.memory_space<hbm>> -> memref<1x128xf32, #tpu.memory_space<hbm>>
          %dma_wait3A_218 = arith.constant 0 : i32
          %dma_wait3A_219 = tpu.memref_slice %arg4[%add3A_130, %dma_wait3A_218] : memref<50x128xf32, #tpu.memory_space<hbm>> -> memref<1x128xf32, #tpu.memory_space<hbm>>
          tpu.wait_dma2 semaphore(%run_scoped3A : memref<!tpu.dma_semaphore, #tpu.memory_space<semaphore_mem>>) src(%dma_wait3A_219 : memref<1x128xf32, #tpu.memory_space<hbm>>) dst(%arg14 : memref<1x128xf32, #tpu.memory_space<vmem>>)
          tpu.yield
        }) : () -> ()
        "tpu.region"() ({
          %run_scoped3A = tpu.sem_alloc : memref<!tpu.dma_semaphore, #tpu.memory_space<semaphore_mem>>
          %dma_start3A = arith.constant 0 : i32
          %dma_start3A_214 = arith.constant 0 : i32
          %dma_start3A_215 = tpu.memref_slice %arg6[%dma_start3A, %dma_start3A_214] : memref<2x128xf32, #tpu.memory_space<hbm>> -> memref<1x128xf32, #tpu.memory_space<hbm>>
          %dma_start3A_216 = arith.constant 0 : i32
          %dma_start3A_217 = arith.constant 0 : i32
          %dma_start3A_218 = tpu.memref_slice %arg6[%dma_start3A_216, %dma_start3A_217] : memref<2x128xf32, #tpu.memory_space<hbm>> -> memref<1x128xf32, #tpu.memory_space<hbm>>
          tpu.enqueue_dma source(%dma_start3A_218 : memref<1x128xf32, #tpu.memory_space<hbm>>) target(%arg15 : memref<1x128xf32, #tpu.memory_space<vmem>>) target_semaphore(%run_scoped3A : memref<!tpu.dma_semaphore, #tpu.memory_space<semaphore_mem>>)
          %dma_wait3A = arith.constant 0 : i32
          %dma_wait3A_219 = arith.constant 0 : i32
          %dma_wait3A_220 = tpu.memref_slice %arg6[%dma_wait3A, %dma_wait3A_219] : memref<2x128xf32, #tpu.memory_space<hbm>> -> memref<1x128xf32, #tpu.memory_space<hbm>>
          %dma_wait3A_221 = arith.constant 0 : i32
          %dma_wait3A_222 = arith.constant 0 : i32
          %dma_wait3A_223 = tpu.memref_slice %arg6[%dma_wait3A_221, %dma_wait3A_222] : memref<2x128xf32, #tpu.memory_space<hbm>> -> memref<1x128xf32, #tpu.memory_space<hbm>>
          tpu.wait_dma2 semaphore(%run_scoped3A : memref<!tpu.dma_semaphore, #tpu.memory_space<semaphore_mem>>) src(%dma_wait3A_223 : memref<1x128xf32, #tpu.memory_space<hbm>>) dst(%arg15 : memref<1x128xf32, #tpu.memory_space<vmem>>)
          tpu.yield
        }) : () -> ()
        %get3A_131 = arith.constant 0 : i32
        %get3A_132 = arith.index_cast %get3A_131 : i32 to index
        %get3A_133 = arith.constant 0 : index
        %get3A_134 = tpu.vector_load %arg14[%get3A_132, %get3A_133] {strides = array<i32>} : memref<1x128xf32, #tpu.memory_space<vmem>>, vector<16xf32>,
        %get3A_135 = arith.constant 0 : i32
        %get3A_136 = arith.index_cast %get3A_135 : i32 to index
        %get3A_137 = arith.constant 0 : index
        %get3A_138 = tpu.vector_load %arg15[%get3A_136, %get3A_137] {strides = array<i32>} : memref<1x128xf32, #tpu.memory_space<vmem>>, vector<16xf32>,
        %add3A_139 = arith.addf %get3A_134, %get3A_138 : vector<16xf32>
        %get3A_140 = arith.constant 0 : i32
        %get3A_141 = arith.index_cast %get3A_140 : i32 to index
        %get3A_142 = arith.constant 16 : index
        %get3A_143 = tpu.vector_load %arg14[%get3A_141, %get3A_142] {strides = array<i32>} : memref<1x128xf32, #tpu.memory_space<vmem>>, vector<16xf32>,
        %get3A_144 = arith.constant 0 : i32
        %get3A_145 = arith.index_cast %get3A_144 : i32 to index
        %get3A_146 = arith.constant 16 : index
        %get3A_147 = tpu.vector_load %arg15[%get3A_145, %get3A_146] {strides = array<i32>} : memref<1x128xf32, #tpu.memory_space<vmem>>, vector<16xf32>,
        %add3A_148 = arith.addf %get3A_143, %get3A_147 : vector<16xf32>
        %get3A_149 = arith.constant 0 : i32
        %get3A_150 = arith.index_cast %get3A_149 : i32 to index
        %get3A_151 = arith.constant 32 : index
        %get3A_152 = tpu.vector_load %arg14[%get3A_150, %get3A_151] {strides = array<i32>} : memref<1x128xf32, #tpu.memory_space<vmem>>, vector<16xf32>,
        %get3A_153 = arith.constant 0 : i32
        %get3A_154 = arith.index_cast %get3A_153 : i32 to index
        %get3A_155 = arith.constant 32 : index
        %get3A_156 = tpu.vector_load %arg15[%get3A_154, %get3A_155] {strides = array<i32>} : memref<1x128xf32, #tpu.memory_space<vmem>>, vector<16xf32>,
        %add3A_157 = arith.addf %get3A_152, %get3A_156 : vector<16xf32>
        %get3A_158 = arith.constant 0 : i32
        %get3A_159 = arith.index_cast %get3A_158 : i32 to index
        %get3A_160 = arith.constant 48 : index
        %get3A_161 = tpu.vector_load %arg14[%get3A_159, %get3A_160] {strides = array<i32>} : memref<1x128xf32, #tpu.memory_space<vmem>>, vector<16xf32>,
        %get3A_162 = arith.constant 0 : i32
        %get3A_163 = arith.index_cast %get3A_162 : i32 to index
        %get3A_164 = arith.constant 48 : index
        %get3A_165 = tpu.vector_load %arg15[%get3A_163, %get3A_164] {strides = array<i32>} : memref<1x128xf32, #tpu.memory_space<vmem>>, vector<16xf32>,
        %add3A_166 = arith.addf %get3A_161, %get3A_165 : vector<16xf32>
        %get3A_167 = arith.constant 0 : i32
        %get3A_168 = arith.index_cast %get3A_167 : i32 to index
        %get3A_169 = arith.constant 64 : index
        %get3A_170 = tpu.vector_load %arg14[%get3A_168, %get3A_169] {strides = array<i32>} : memref<1x128xf32, #tpu.memory_space<vmem>>, vector<16xf32>,
        %get3A_171 = arith.constant 0 : i32
        %get3A_172 = arith.index_cast %get3A_171 : i32 to index
        %get3A_173 = arith.constant 64 : index
        %get3A_174 = tpu.vector_load %arg15[%get3A_172, %get3A_173] {strides = array<i32>} : memref<1x128xf32, #tpu.memory_space<vmem>>, vector<16xf32>,
        %add3A_175 = arith.addf %get3A_170, %get3A_174 : vector<16xf32>
        %get3A_176 = arith.constant 0 : i32
        %get3A_177 = arith.index_cast %get3A_176 : i32 to index
        %get3A_178 = arith.constant 80 : index
        %get3A_179 = tpu.vector_load %arg14[%get3A_177, %get3A_178] {strides = array<i32>} : memref<1x128xf32, #tpu.memory_space<vmem>>, vector<16xf32>,
        %get3A_180 = arith.constant 0 : i32
        %get3A_181 = arith.index_cast %get3A_180 : i32 to index
        %get3A_182 = arith.constant 80 : index
        %get3A_183 = tpu.vector_load %arg15[%get3A_181, %get3A_182] {strides = array<i32>} : memref<1x128xf32, #tpu.memory_space<vmem>>, vector<16xf32>,
        %add3A_184 = arith.addf %get3A_179, %get3A_183 : vector<16xf32>
        %get3A_185 = arith.constant 0 : i32
        %get3A_186 = arith.index_cast %get3A_185 : i32 to index
        %get3A_187 = arith.constant 96 : index
        %get3A_188 = tpu.vector_load %arg14[%get3A_186, %get3A_187] {strides = array<i32>} : memref<1x128xf32, #tpu.memory_space<vmem>>, vector<16xf32>,
        %get3A_189 = arith.constant 0 : i32
        %get3A_190 = arith.index_cast %get3A_189 : i32 to index
        %get3A_191 = arith.constant 96 : index
        %get3A_192 = tpu.vector_load %arg15[%get3A_190, %get3A_191] {strides = array<i32>} : memref<1x128xf32, #tpu.memory_space<vmem>>, vector<16xf32>,
        %add3A_193 = arith.addf %get3A_188, %get3A_192 : vector<16xf32>
        %get3A_194 = arith.constant 0 : i32
        %get3A_195 = arith.index_cast %get3A_194 : i32 to index
        %get3A_196 = arith.constant 112 : index
        %get3A_197 = tpu.vector_load %arg14[%get3A_195, %get3A_196] {strides = array<i32>} : memref<1x128xf32, #tpu.memory_space<vmem>>, vector<16xf32>,
        %get3A_198 = arith.constant 0 : i32
        %get3A_199 = arith.index_cast %get3A_198 : i32 to index
        %get3A_200 = arith.constant 112 : index
        %get3A_201 = tpu.vector_load %arg15[%get3A_199, %get3A_200] {strides = array<i32>} : memref<1x128xf32, #tpu.memory_space<vmem>>, vector<16xf32>,
        %add3A_202 = arith.addf %get3A_197, %get3A_201 : vector<16xf32>
        %scan3A_203 = arith.constant 0 : i32
        %scan3A_204 = arith.constant 0 : i32
        %scan3A_205 = arith.constant 256 : i32
        %scan3A_206 = arith.addi %scan3A_204, %scan3A_205 : i32
        %scan3A_207 = arith.constant 1 : i32
        scf.for %scan3A_214 = %scan3A_204 to %scan3A_206 step %scan3A_207  : i32 {
          %get3A_215 = arith.index_cast %scan3A_214 : i32 to index
          %get3A_216 = arith.constant 0 : index
          %get3A_217 = tpu.vector_load %arg12[%get3A_215, %get3A_216] {strides = array<i32>} : memref<256x128xf32, #tpu.memory_space<vmem>>, vector<16xf32>,
          %add3A_218 = arith.addf %get3A_217, %add3A_139 : vector<16xf32>
          %get3A_219 = arith.index_cast %scan3A_214 : i32 to index
          %get3A_220 = arith.constant 16 : index
          %get3A_221 = tpu.vector_load %arg12[%get3A_219, %get3A_220] {strides = array<i32>} : memref<256x128xf32, #tpu.memory_space<vmem>>, vector<16xf32>,
          %add3A_222 = arith.addf %get3A_221, %add3A_148 : vector<16xf32>
          %get3A_223 = arith.index_cast %scan3A_214 : i32 to index
          %get3A_224 = arith.constant 32 : index
          %get3A_225 = tpu.vector_load %arg12[%get3A_223, %get3A_224] {strides = array<i32>} : memref<256x128xf32, #tpu.memory_space<vmem>>, vector<16xf32>,
          %add3A_226 = arith.addf %get3A_225, %add3A_157 : vector<16xf32>
          %get3A_227 = arith.index_cast %scan3A_214 : i32 to index
          %get3A_228 = arith.constant 48 : index
          %get3A_229 = tpu.vector_load %arg12[%get3A_227, %get3A_228] {strides = array<i32>} : memref<256x128xf32, #tpu.memory_space<vmem>>, vector<16xf32>,
          %add3A_230 = arith.addf %get3A_229, %add3A_166 : vector<16xf32>
          %get3A_231 = arith.index_cast %scan3A_214 : i32 to index
          %get3A_232 = arith.constant 64 : index
          %get3A_233 = tpu.vector_load %arg12[%get3A_231, %get3A_232] {strides = array<i32>} : memref<256x128xf32, #tpu.memory_space<vmem>>, vector<16xf32>,
          %add3A_234 = arith.addf %get3A_233, %add3A_175 : vector<16xf32>
          %get3A_235 = arith.index_cast %scan3A_214 : i32 to index
          %get3A_236 = arith.constant 80 : index
          %get3A_237 = tpu.vector_load %arg12[%get3A_235, %get3A_236] {strides = array<i32>} : memref<256x128xf32, #tpu.memory_space<vmem>>, vector<16xf32>,
          %add3A_238 = arith.addf %get3A_237, %add3A_184 : vector<16xf32>
          %get3A_239 = arith.index_cast %scan3A_214 : i32 to index
          %get3A_240 = arith.constant 96 : index
          %get3A_241 = tpu.vector_load %arg12[%get3A_239, %get3A_240] {strides = array<i32>} : memref<256x128xf32, #tpu.memory_space<vmem>>, vector<16xf32>,
          %add3A_242 = arith.addf %get3A_241, %add3A_193 : vector<16xf32>
          %get3A_243 = arith.index_cast %scan3A_214 : i32 to index
          %get3A_244 = arith.constant 112 : index
          %get3A_245 = tpu.vector_load %arg12[%get3A_243, %get3A_244] {strides = array<i32>} : memref<256x128xf32, #tpu.memory_space<vmem>>, vector<16xf32>,
          %add3A_246 = arith.addf %get3A_245, %add3A_202 : vector<16xf32>
          %mul3A_247 = arith.mulf %add3A_218, %add3A_218 : vector<16xf32>
          %add3A_248 = arith.addf %add3A_218, %add3A_222 : vector<16xf32>
          %mul3A_249 = arith.mulf %add3A_222, %add3A_222 : vector<16xf32>
          %add3A_250 = arith.addf %mul3A_247, %mul3A_249 : vector<16xf32>
          %add3A_251 = arith.addf %add3A_248, %add3A_226 : vector<16xf32>
          %mul3A_252 = arith.mulf %add3A_226, %add3A_226 : vector<16xf32>
          %add3A_253 = arith.addf %add3A_250, %mul3A_252 : vector<16xf32>
          %add3A_254 = arith.addf %add3A_251, %add3A_230 : vector<16xf32>
          %mul3A_255 = arith.mulf %add3A_230, %add3A_230 : vector<16xf32>
          %add3A_256 = arith.addf %add3A_253, %mul3A_255 : vector<16xf32>
          %add3A_257 = arith.addf %add3A_254, %add3A_234 : vector<16xf32>
          %mul3A_258 = arith.mulf %add3A_234, %add3A_234 : vector<16xf32>
          %add3A_259 = arith.addf %add3A_256, %mul3A_258 : vector<16xf32>
          %add3A_260 = arith.addf %add3A_257, %add3A_238 : vector<16xf32>
          %mul3A_261 = arith.mulf %add3A_238, %add3A_238 : vector<16xf32>
          %add3A_262 = arith.addf %add3A_259, %mul3A_261 : vector<16xf32>
          %add3A_263 = arith.addf %add3A_260, %add3A_242 : vector<16xf32>
          %mul3A_264 = arith.mulf %add3A_242, %add3A_242 : vector<16xf32>
          %add3A_265 = arith.addf %add3A_262, %mul3A_264 : vector<16xf32>
          %add3A_266 = arith.addf %add3A_263, %add3A_246 : vector<16xf32>
          %mul3A_267 = arith.mulf %add3A_246, %add3A_246 : vector<16xf32>
          %add3A_268 = arith.addf %add3A_265, %mul3A_267 : vector<16xf32>
          %reduce_sum3A = arith.constant true
          %reduce_sum3A_269 = vector.broadcast %reduce_sum3A : i1 to vector<16xi1>
          %reduce_sum3A_270 = tpu.scan <sum>, %add3A_266 masked %reduce_sum3A_269 : vector<16xf32>, vector<16xi1> -> vector<16xf32>
          %reduce_sum3A_271 = vector.extract %reduce_sum3A_270[15] : f32 from vector<16xf32>
          %reduce_sum3A_272 = arith.constant true
          %reduce_sum3A_273 = vector.broadcast %reduce_sum3A_272 : i1 to vector<16xi1>
          %reduce_sum3A_274 = tpu.scan <sum>, %add3A_268 masked %reduce_sum3A_273 : vector<16xf32>, vector<16xi1> -> vector<16xf32>
          %reduce_sum3A_275 = vector.extract %reduce_sum3A_274[15] : f32 from vector<16xf32>
          %mul3A_276 = arith.constant 7.812500e-03 : f32
          %mul3A_277 = arith.mulf %reduce_sum3A_271, %mul3A_276 : f32
          %mul3A_278 = arith.constant 7.812500e-03 : f32
          %mul3A_279 = arith.mulf %reduce_sum3A_275, %mul3A_278 : f32
          %mul3A_280 = arith.mulf %mul3A_277, %mul3A_277 : f32
          %sub3A_281 = arith.subf %mul3A_279, %mul3A_280 : f32
          %add3A_282 = arith.constant 9.99999996E-13 : f32
          %add3A_283 = arith.addf %sub3A_281, %add3A_282 : f32
          %bitcast_convert_type3A = arith.bitcast %add3A_283 : f32 to i32
          %shift_right_logical3A = arith.constant 1 : i32
          %shift_right_logical3A_284 = arith.shrui %bitcast_convert_type3A, %shift_right_logical3A : i32
          %sub3A_285 = arith.constant 1597463007 : i32
          %sub3A_286 = arith.subi %sub3A_285, %shift_right_logical3A_284 : i32
          %bitcast_convert_type3A_287 = arith.bitcast %sub3A_286 : i32 to f32
          %mul3A_288 = arith.constant 5.000000e-01 : f32
          %mul3A_289 = arith.mulf %mul3A_288, %add3A_283 : f32
          %mul3A_290 = arith.mulf %mul3A_289, %bitcast_convert_type3A_287 : f32
          %mul3A_291 = arith.mulf %mul3A_290, %bitcast_convert_type3A_287 : f32
          %sub3A_292 = arith.constant 1.500000e+00 : f32
          %sub3A_293 = arith.subf %sub3A_292, %mul3A_291 : f32
          %mul3A_294 = arith.mulf %bitcast_convert_type3A_287, %sub3A_293 : f32
          %mul3A_295 = arith.constant 5.000000e-01 : f32
          %mul3A_296 = arith.mulf %mul3A_295, %add3A_283 : f32
          %mul3A_297 = arith.mulf %mul3A_296, %mul3A_294 : f32
          %mul3A_298 = arith.mulf %mul3A_297, %mul3A_294 : f32
          %sub3A_299 = arith.constant 1.500000e+00 : f32
          %sub3A_300 = arith.subf %sub3A_299, %mul3A_298 : f32
          %mul3A_301 = arith.mulf %mul3A_294, %sub3A_300 : f32
          %mul3A_302 = arith.constant 5.000000e-01 : f32
          %mul3A_303 = arith.mulf %mul3A_302, %add3A_283 : f32
          %mul3A_304 = arith.mulf %mul3A_303, %mul3A_301 : f32
          %mul3A_305 = arith.mulf %mul3A_304, %mul3A_301 : f32
          %sub3A_306 = arith.constant 1.500000e+00 : f32
          %sub3A_307 = arith.subf %sub3A_306, %mul3A_305 : f32
          %mul3A_308 = arith.mulf %mul3A_301, %sub3A_307 : f32
          %sub3A_309 = vector.broadcast %mul3A_277 : f32 to vector<16xf32>
          %sub3A_310 = arith.subf %add3A_218, %sub3A_309 : vector<16xf32>
          %mul3A_311 = vector.broadcast %mul3A_308 : f32 to vector<16xf32>
          %mul3A_312 = arith.mulf %sub3A_310, %mul3A_311 : vector<16xf32>
          %mul3A_313 = arith.mulf %mul3A_312, %get3A_3 : vector<16xf32>
          %add3A_314 = arith.addf %mul3A_313, %get3A_35 : vector<16xf32>
          %swap3A = arith.index_cast %scan3A_214 : i32 to index
          %swap3A_315 = arith.constant 0 : index
          %swap3A_316 = tpu.vector_load %arg13[%swap3A, %swap3A_315] {strides = array<i32>} : memref<256x128xf32, #tpu.memory_space<vmem>>, vector<16xf32>,
          tpu.vector_store %arg13[%swap3A, %swap3A_315], %add3A_314 {strides = array<i32>} : memref<256x128xf32, #tpu.memory_space<vmem>>, vector<16xf32>,
          %sub3A_317 = vector.broadcast %mul3A_277 : f32 to vector<16xf32>
          %sub3A_318 = arith.subf %add3A_222, %sub3A_317 : vector<16xf32>
          %mul3A_319 = vector.broadcast %mul3A_308 : f32 to vector<16xf32>
          %mul3A_320 = arith.mulf %sub3A_318, %mul3A_319 : vector<16xf32>
          %mul3A_321 = arith.mulf %mul3A_320, %get3A_7 : vector<16xf32>
          %add3A_322 = arith.addf %mul3A_321, %get3A_39 : vector<16xf32>
          %swap3A_323 = arith.index_cast %scan3A_214 : i32 to index
          %swap3A_324 = arith.constant 16 : index
          %swap3A_325 = tpu.vector_load %arg13[%swap3A_323, %swap3A_324] {strides = array<i32>} : memref<256x128xf32, #tpu.memory_space<vmem>>, vector<16xf32>,
          tpu.vector_store %arg13[%swap3A_323, %swap3A_324], %add3A_322 {strides = array<i32>} : memref<256x128xf32, #tpu.memory_space<vmem>>, vector<16xf32>,
          %sub3A_326 = vector.broadcast %mul3A_277 : f32 to vector<16xf32>
          %sub3A_327 = arith.subf %add3A_226, %sub3A_326 : vector<16xf32>
          %mul3A_328 = vector.broadcast %mul3A_308 : f32 to vector<16xf32>
          %mul3A_329 = arith.mulf %sub3A_327, %mul3A_328 : vector<16xf32>
          %mul3A_330 = arith.mulf %mul3A_329, %get3A_11 : vector<16xf32>
          %add3A_331 = arith.addf %mul3A_330, %get3A_43 : vector<16xf32>
          %swap3A_332 = arith.index_cast %scan3A_214 : i32 to index
          %swap3A_333 = arith.constant 32 : index
          %swap3A_334 = tpu.vector_load %arg13[%swap3A_332, %swap3A_333] {strides = array<i32>} : memref<256x128xf32, #tpu.memory_space<vmem>>, vector<16xf32>,
          tpu.vector_store %arg13[%swap3A_332, %swap3A_333], %add3A_331 {strides = array<i32>} : memref<256x128xf32, #tpu.memory_space<vmem>>, vector<16xf32>,
          %sub3A_335 = vector.broadcast %mul3A_277 : f32 to vector<16xf32>
          %sub3A_336 = arith.subf %add3A_230, %sub3A_335 : vector<16xf32>
          %mul3A_337 = vector.broadcast %mul3A_308 : f32 to vector<16xf32>
          %mul3A_338 = arith.mulf %sub3A_336, %mul3A_337 : vector<16xf32>
          %mul3A_339 = arith.mulf %mul3A_338, %get3A_15 : vector<16xf32>
          %add3A_340 = arith.addf %mul3A_339, %get3A_47 : vector<16xf32>
          %swap3A_341 = arith.index_cast %scan3A_214 : i32 to index
          %swap3A_342 = arith.constant 48 : index
          %swap3A_343 = tpu.vector_load %arg13[%swap3A_341, %swap3A_342] {strides = array<i32>} : memref<256x128xf32, #tpu.memory_space<vmem>>, vector<16xf32>,
          tpu.vector_store %arg13[%swap3A_341, %swap3A_342], %add3A_340 {strides = array<i32>} : memref<256x128xf32, #tpu.memory_space<vmem>>, vector<16xf32>,
          %sub3A_344 = vector.broadcast %mul3A_277 : f32 to vector<16xf32>
          %sub3A_345 = arith.subf %add3A_234, %sub3A_344 : vector<16xf32>
          %mul3A_346 = vector.broadcast %mul3A_308 : f32 to vector<16xf32>
          %mul3A_347 = arith.mulf %sub3A_345, %mul3A_346 : vector<16xf32>
          %mul3A_348 = arith.mulf %mul3A_347, %get3A_19 : vector<16xf32>
          %add3A_349 = arith.addf %mul3A_348, %get3A_51 : vector<16xf32>
          %swap3A_350 = arith.index_cast %scan3A_214 : i32 to index
          %swap3A_351 = arith.constant 64 : index
          %swap3A_352 = tpu.vector_load %arg13[%swap3A_350, %swap3A_351] {strides = array<i32>} : memref<256x128xf32, #tpu.memory_space<vmem>>, vector<16xf32>,
          tpu.vector_store %arg13[%swap3A_350, %swap3A_351], %add3A_349 {strides = array<i32>} : memref<256x128xf32, #tpu.memory_space<vmem>>, vector<16xf32>,
          %sub3A_353 = vector.broadcast %mul3A_277 : f32 to vector<16xf32>
          %sub3A_354 = arith.subf %add3A_238, %sub3A_353 : vector<16xf32>
          %mul3A_355 = vector.broadcast %mul3A_308 : f32 to vector<16xf32>
          %mul3A_356 = arith.mulf %sub3A_354, %mul3A_355 : vector<16xf32>
          %mul3A_357 = arith.mulf %mul3A_356, %get3A_23 : vector<16xf32>
          %add3A_358 = arith.addf %mul3A_357, %get3A_55 : vector<16xf32>
          %swap3A_359 = arith.index_cast %scan3A_214 : i32 to index
          %swap3A_360 = arith.constant 80 : index
          %swap3A_361 = tpu.vector_load %arg13[%swap3A_359, %swap3A_360] {strides = array<i32>} : memref<256x128xf32, #tpu.memory_space<vmem>>, vector<16xf32>,
          tpu.vector_store %arg13[%swap3A_359, %swap3A_360], %add3A_358 {strides = array<i32>} : memref<256x128xf32, #tpu.memory_space<vmem>>, vector<16xf32>,
          %sub3A_362 = vector.broadcast %mul3A_277 : f32 to vector<16xf32>
          %sub3A_363 = arith.subf %add3A_242, %sub3A_362 : vector<16xf32>
          %mul3A_364 = vector.broadcast %mul3A_308 : f32 to vector<16xf32>
          %mul3A_365 = arith.mulf %sub3A_363, %mul3A_364 : vector<16xf32>
          %mul3A_366 = arith.mulf %mul3A_365, %get3A_27 : vector<16xf32>
          %add3A_367 = arith.addf %mul3A_366, %get3A_59 : vector<16xf32>
          %swap3A_368 = arith.index_cast %scan3A_214 : i32 to index
          %swap3A_369 = arith.constant 96 : index
          %swap3A_370 = tpu.vector_load %arg13[%swap3A_368, %swap3A_369] {strides = array<i32>} : memref<256x128xf32, #tpu.memory_space<vmem>>, vector<16xf32>,
          tpu.vector_store %arg13[%swap3A_368, %swap3A_369], %add3A_367 {strides = array<i32>} : memref<256x128xf32, #tpu.memory_space<vmem>>, vector<16xf32>,
          %sub3A_371 = vector.broadcast %mul3A_277 : f32 to vector<16xf32>
          %sub3A_372 = arith.subf %add3A_246, %sub3A_371 : vector<16xf32>
          %mul3A_373 = vector.broadcast %mul3A_308 : f32 to vector<16xf32>
          %mul3A_374 = arith.mulf %sub3A_372, %mul3A_373 : vector<16xf32>
          %mul3A_375 = arith.mulf %mul3A_374, %get3A_31 : vector<16xf32>
          %add3A_376 = arith.addf %mul3A_375, %get3A_63 : vector<16xf32>
          %swap3A_377 = arith.index_cast %scan3A_214 : i32 to index
          %swap3A_378 = arith.constant 112 : index
          %swap3A_379 = tpu.vector_load %arg13[%swap3A_377, %swap3A_378] {strides = array<i32>} : memref<256x128xf32, #tpu.memory_space<vmem>>, vector<16xf32>,
          tpu.vector_store %arg13[%swap3A_377, %swap3A_378], %add3A_376 {strides = array<i32>} : memref<256x128xf32, #tpu.memory_space<vmem>>, vector<16xf32>,
        }
        %scan3A_208 = arith.constant 256 : i32
        %add3A_209 = arith.constant 1 : i32
        %add3A_210 = arith.addi %add3A_209, %select_n3A : i32
        %mul3A_211 = arith.constant 1024 : i32
        %mul3A_212 = arith.muli %add3A_210, %mul3A_211 : i32
        %add3A_213 = arith.addi %mul3A_212, %mul3A_125 : i32
        "tpu.region"() ({
          %run_scoped3A = tpu.sem_alloc : memref<!tpu.dma_semaphore, #tpu.memory_space<semaphore_mem>>
          %dma_start3A = arith.constant 0 : i32
          %dma_start3A_214 = tpu.memref_slice %arg11[%add3A_213, %dma_start3A] : memref<256000x128xf32, #tpu.memory_space<hbm>> -> memref<256x128xf32, #tpu.memory_space<hbm>>
          %dma_start3A_215 = arith.constant 0 : i32
          %dma_start3A_216 = tpu.memref_slice %arg11[%add3A_213, %dma_start3A_215] : memref<256000x128xf32, #tpu.memory_space<hbm>> -> memref<256x128xf32, #tpu.memory_space<hbm>>
          tpu.enqueue_dma source(%arg13 : memref<256x128xf32, #tpu.memory_space<vmem>>) target(%dma_start3A_216 : memref<256x128xf32, #tpu.memory_space<hbm>>) target_semaphore(%run_scoped3A : memref<!tpu.dma_semaphore, #tpu.memory_space<semaphore_mem>>)
          %dma_wait3A = arith.constant 0 : i32
          %dma_wait3A_217 = tpu.memref_slice %arg11[%add3A_213, %dma_wait3A] : memref<256000x128xf32, #tpu.memory_space<hbm>> -> memref<256x128xf32, #tpu.memory_space<hbm>>
          %dma_wait3A_218 = arith.constant 0 : i32
          %dma_wait3A_219 = tpu.memref_slice %arg11[%add3A_213, %dma_wait3A_218] : memref<256000x128xf32, #tpu.memory_space<hbm>> -> memref<256x128xf32, #tpu.memory_space<hbm>>
          tpu.wait_dma2 semaphore(%run_scoped3A : memref<!tpu.dma_semaphore, #tpu.memory_space<semaphore_mem>>) src(%arg13 : memref<256x128xf32, #tpu.memory_space<vmem>>) dst(%dma_wait3A_219 : memref<256x128xf32, #tpu.memory_space<hbm>>)
          tpu.yield
        }) : () -> ()
      } else {
      }
    }
    %scan3A_76 = arith.constant 7 : i32
    %scan3A_77 = arith.constant 0 : i32
    %scan3A_78 = arith.constant 0 : i32
    %scan3A_79 = arith.constant 25 : i32
    %scan3A_80 = arith.addi %scan3A_78, %scan3A_79 : i32
    %scan3A_81 = arith.constant 1 : i32
    scf.for %scan3A_83 = %scan3A_78 to %scan3A_80 step %scan3A_81  : i32 {
      %mul3A_84 = arith.constant 32 : i32
      %mul3A_85 = arith.muli %scan3A_83, %mul3A_84 : i32
      %add3A_86 = arith.addi %add3A, %mul3A_85 : i32
      %lt3A_87 = arith.constant 796 : i32
      %lt3A_88 = arith.cmpi slt, %add3A_86, %lt3A_87 : i32
      %convert_element_type3A_89 = arith.extui %lt3A_88 : i1 to i32
      %cond3A_90 = arith.constant 0 : i32
      %cond3A_91 = arith.cmpi ne, %convert_element_type3A_89, %cond3A_90 : i32
      scf.if %cond3A_91 {
        %jit3A = arith.constant 4 : i32
        %div3A = arith.divsi %add3A_86, %jit3A : i32
        %sign3A = arith.constant 0 : i32
        %sign3A_92 = arith.cmpi sgt, %add3A_86, %sign3A : i32
        %sign3A_93 = arith.extui %sign3A_92 : i1 to i32
        %sign3A_94 = arith.constant 0 : i32
        %sign3A_95 = arith.cmpi slt, %add3A_86, %sign3A_94 : i32
        %sign3A_96 = arith.extui %sign3A_95 : i1 to i32
        %sign3A_97 = arith.subi %sign3A_93, %sign3A_96 : i32
        %sign3A_98 = arith.constant 0 : i32
        %sign3A_99 = arith.cmpi sgt, %jit3A, %sign3A_98 : i32
        %sign3A_100 = arith.extui %sign3A_99 : i1 to i32
        %sign3A_101 = arith.constant 0 : i32
        %sign3A_102 = arith.cmpi slt, %jit3A, %sign3A_101 : i32
        %sign3A_103 = arith.extui %sign3A_102 : i1 to i32
        %sign3A_104 = arith.subi %sign3A_100, %sign3A_103 : i32
        %ne3A = arith.cmpi ne, %sign3A_97, %sign3A_104 : i32
        %rem3A = arith.remsi %add3A_86, %jit3A : i32
        %ne3A_105 = arith.constant 0 : i32
        %ne3A_106 = arith.cmpi ne, %rem3A, %ne3A_105 : i32
        %and3A_107 = arith.andi %ne3A, %ne3A_106 : i1
        %sub3A = arith.constant 1 : i32
        %sub3A_108 = arith.subi %div3A, %sub3A : i32
        %select_n3A = arith.select %and3A_107, %sub3A_108, %div3A : i32
        %jit3A_109 = arith.constant 4 : i32
        %eq3A = arith.constant 0 : i32
        %eq3A_110 = arith.cmpi eq, %jit3A_109, %eq3A : i32
        %jit3A_111 = arith.constant 1 : i32
        %select_n3A_112 = arith.select %eq3A_110, %jit3A_111, %jit3A_109 : i32
        %rem3A_113 = arith.remsi %add3A_86, %select_n3A_112 : i32
        %ne3A_114 = arith.constant 0 : i32
        %ne3A_115 = arith.cmpi ne, %rem3A_113, %ne3A_114 : i32
        %lt3A_116 = arith.constant 0 : i32
        %lt3A_117 = arith.cmpi slt, %rem3A_113, %lt3A_116 : i32
        %lt3A_118 = arith.constant 0 : i32
        %lt3A_119 = arith.cmpi slt, %select_n3A_112, %lt3A_118 : i32
        %ne3A_120 = arith.xori %lt3A_117, %lt3A_119 : i1
        %and3A_121 = arith.andi %ne3A_120, %ne3A_115 : i1
        %add3A_122 = arith.addi %rem3A_113, %select_n3A_112 : i32
        %select_n3A_123 = arith.select %and3A_121, %add3A_122, %rem3A_113 : i32
        %mul3A_124 = arith.constant 256 : i32
        %mul3A_125 = arith.muli %select_n3A_123, %mul3A_124 : i32
        %mul3A_126 = arith.constant 1024 : i32
        %mul3A_127 = arith.muli %select_n3A, %mul3A_126 : i32
        %add3A_128 = arith.addi %mul3A_127, %mul3A_125 : i32
        "tpu.region"() ({
          %run_scoped3A = tpu.sem_alloc : memref<!tpu.dma_semaphore, #tpu.memory_space<semaphore_mem>>
          %dma_start3A = arith.constant 0 : i32
          %dma_start3A_214 = tpu.memref_slice %arg3[%add3A_128, %dma_start3A] : memref<203776x128xf32, #tpu.memory_space<hbm>> -> memref<256x128xf32, #tpu.memory_space<hbm>>
          %dma_start3A_215 = arith.constant 0 : i32
          %dma_start3A_216 = tpu.memref_slice %arg3[%add3A_128, %dma_start3A_215] : memref<203776x128xf32, #tpu.memory_space<hbm>> -> memref<256x128xf32, #tpu.memory_space<hbm>>
          tpu.enqueue_dma source(%dma_start3A_216 : memref<256x128xf32, #tpu.memory_space<hbm>>) target(%arg12 : memref<256x128xf32, #tpu.memory_space<vmem>>) target_semaphore(%run_scoped3A : memref<!tpu.dma_semaphore, #tpu.memory_space<semaphore_mem>>)
          %dma_wait3A = arith.constant 0 : i32
          %dma_wait3A_217 = tpu.memref_slice %arg3[%add3A_128, %dma_wait3A] : memref<203776x128xf32, #tpu.memory_space<hbm>> -> memref<256x128xf32, #tpu.memory_space<hbm>>
          %dma_wait3A_218 = arith.constant 0 : i32
          %dma_wait3A_219 = tpu.memref_slice %arg3[%add3A_128, %dma_wait3A_218] : memref<203776x128xf32, #tpu.memory_space<hbm>> -> memref<256x128xf32, #tpu.memory_space<hbm>>
          tpu.wait_dma2 semaphore(%run_scoped3A : memref<!tpu.dma_semaphore, #tpu.memory_space<semaphore_mem>>) src(%dma_wait3A_219 : memref<256x128xf32, #tpu.memory_space<hbm>>) dst(%arg12 : memref<256x128xf32, #tpu.memory_space<vmem>>)
          tpu.yield
        }) : () -> ()
        %add3A_129 = arith.constant 1 : i32
        %add3A_130 = arith.addi %add3A_129, %select_n3A : i32
        "tpu.region"() ({
          %run_scoped3A = tpu.sem_alloc : memref<!tpu.dma_semaphore, #tpu.memory_space<semaphore_mem>>
          %dma_start3A = arith.constant 0 : i32
          %dma_start3A_214 = tpu.memref_slice %arg5[%add3A_130, %dma_start3A] : memref<200x128xf32, #tpu.memory_space<hbm>> -> memref<1x128xf32, #tpu.memory_space<hbm>>
          %dma_start3A_215 = arith.constant 0 : i32
          %dma_start3A_216 = tpu.memref_slice %arg5[%add3A_130, %dma_start3A_215] : memref<200x128xf32, #tpu.memory_space<hbm>> -> memref<1x128xf32, #tpu.memory_space<hbm>>
          tpu.enqueue_dma source(%dma_start3A_216 : memref<1x128xf32, #tpu.memory_space<hbm>>) target(%arg14 : memref<1x128xf32, #tpu.memory_space<vmem>>) target_semaphore(%run_scoped3A : memref<!tpu.dma_semaphore, #tpu.memory_space<semaphore_mem>>)
          %dma_wait3A = arith.constant 0 : i32
          %dma_wait3A_217 = tpu.memref_slice %arg5[%add3A_130, %dma_wait3A] : memref<200x128xf32, #tpu.memory_space<hbm>> -> memref<1x128xf32, #tpu.memory_space<hbm>>
          %dma_wait3A_218 = arith.constant 0 : i32
          %dma_wait3A_219 = tpu.memref_slice %arg5[%add3A_130, %dma_wait3A_218] : memref<200x128xf32, #tpu.memory_space<hbm>> -> memref<1x128xf32, #tpu.memory_space<hbm>>
          tpu.wait_dma2 semaphore(%run_scoped3A : memref<!tpu.dma_semaphore, #tpu.memory_space<semaphore_mem>>) src(%dma_wait3A_219 : memref<1x128xf32, #tpu.memory_space<hbm>>) dst(%arg14 : memref<1x128xf32, #tpu.memory_space<vmem>>)
          tpu.yield
        }) : () -> ()
        "tpu.region"() ({
          %run_scoped3A = tpu.sem_alloc : memref<!tpu.dma_semaphore, #tpu.memory_space<semaphore_mem>>
          %dma_start3A = arith.constant 1 : i32
          %dma_start3A_214 = arith.constant 0 : i32
          %dma_start3A_215 = tpu.memref_slice %arg6[%dma_start3A, %dma_start3A_214] : memref<2x128xf32, #tpu.memory_space<hbm>> -> memref<1x128xf32, #tpu.memory_space<hbm>>
          %dma_start3A_216 = arith.constant 1 : i32
          %dma_start3A_217 = arith.constant 0 : i32
          %dma_start3A_218 = tpu.memref_slice %arg6[%dma_start3A_216, %dma_start3A_217] : memref<2x128xf32, #tpu.memory_space<hbm>> -> memref<1x128xf32, #tpu.memory_space<hbm>>
          tpu.enqueue_dma source(%dma_start3A_218 : memref<1x128xf32, #tpu.memory_space<hbm>>) target(%arg15 : memref<1x128xf32, #tpu.memory_space<vmem>>) target_semaphore(%run_scoped3A : memref<!tpu.dma_semaphore, #tpu.memory_space<semaphore_mem>>)
          %dma_wait3A = arith.constant 1 : i32
          %dma_wait3A_219 = arith.constant 0 : i32
          %dma_wait3A_220 = tpu.memref_slice %arg6[%dma_wait3A, %dma_wait3A_219] : memref<2x128xf32, #tpu.memory_space<hbm>> -> memref<1x128xf32, #tpu.memory_space<hbm>>
          %dma_wait3A_221 = arith.constant 1 : i32
          %dma_wait3A_222 = arith.constant 0 : i32
          %dma_wait3A_223 = tpu.memref_slice %arg6[%dma_wait3A_221, %dma_wait3A_222] : memref<2x128xf32, #tpu.memory_space<hbm>> -> memref<1x128xf32, #tpu.memory_space<hbm>>
          tpu.wait_dma2 semaphore(%run_scoped3A : memref<!tpu.dma_semaphore, #tpu.memory_space<semaphore_mem>>) src(%dma_wait3A_223 : memref<1x128xf32, #tpu.memory_space<hbm>>) dst(%arg15 : memref<1x128xf32, #tpu.memory_space<vmem>>)
          tpu.yield
        }) : () -> ()
        %get3A_131 = arith.constant 0 : i32
        %get3A_132 = arith.index_cast %get3A_131 : i32 to index
        %get3A_133 = arith.constant 0 : index
        %get3A_134 = tpu.vector_load %arg14[%get3A_132, %get3A_133] {strides = array<i32>} : memref<1x128xf32, #tpu.memory_space<vmem>>, vector<16xf32>,
        %get3A_135 = arith.constant 0 : i32
        %get3A_136 = arith.index_cast %get3A_135 : i32 to index
        %get3A_137 = arith.constant 0 : index
        %get3A_138 = tpu.vector_load %arg15[%get3A_136, %get3A_137] {strides = array<i32>} : memref<1x128xf32, #tpu.memory_space<vmem>>, vector<16xf32>,
        %add3A_139 = arith.addf %get3A_134, %get3A_138 : vector<16xf32>
        %get3A_140 = arith.constant 0 : i32
        %get3A_141 = arith.index_cast %get3A_140 : i32 to index
        %get3A_142 = arith.constant 16 : index
        %get3A_143 = tpu.vector_load %arg14[%get3A_141, %get3A_142] {strides = array<i32>} : memref<1x128xf32, #tpu.memory_space<vmem>>, vector<16xf32>,
        %get3A_144 = arith.constant 0 : i32
        %get3A_145 = arith.index_cast %get3A_144 : i32 to index
        %get3A_146 = arith.constant 16 : index
        %get3A_147 = tpu.vector_load %arg15[%get3A_145, %get3A_146] {strides = array<i32>} : memref<1x128xf32, #tpu.memory_space<vmem>>, vector<16xf32>,
        %add3A_148 = arith.addf %get3A_143, %get3A_147 : vector<16xf32>
        %get3A_149 = arith.constant 0 : i32
        %get3A_150 = arith.index_cast %get3A_149 : i32 to index
        %get3A_151 = arith.constant 32 : index
        %get3A_152 = tpu.vector_load %arg14[%get3A_150, %get3A_151] {strides = array<i32>} : memref<1x128xf32, #tpu.memory_space<vmem>>, vector<16xf32>,
        %get3A_153 = arith.constant 0 : i32
        %get3A_154 = arith.index_cast %get3A_153 : i32 to index
        %get3A_155 = arith.constant 32 : index
        %get3A_156 = tpu.vector_load %arg15[%get3A_154, %get3A_155] {strides = array<i32>} : memref<1x128xf32, #tpu.memory_space<vmem>>, vector<16xf32>,
        %add3A_157 = arith.addf %get3A_152, %get3A_156 : vector<16xf32>
        %get3A_158 = arith.constant 0 : i32
        %get3A_159 = arith.index_cast %get3A_158 : i32 to index
        %get3A_160 = arith.constant 48 : index
        %get3A_161 = tpu.vector_load %arg14[%get3A_159, %get3A_160] {strides = array<i32>} : memref<1x128xf32, #tpu.memory_space<vmem>>, vector<16xf32>,
        %get3A_162 = arith.constant 0 : i32
        %get3A_163 = arith.index_cast %get3A_162 : i32 to index
        %get3A_164 = arith.constant 48 : index
        %get3A_165 = tpu.vector_load %arg15[%get3A_163, %get3A_164] {strides = array<i32>} : memref<1x128xf32, #tpu.memory_space<vmem>>, vector<16xf32>,
        %add3A_166 = arith.addf %get3A_161, %get3A_165 : vector<16xf32>
        %get3A_167 = arith.constant 0 : i32
        %get3A_168 = arith.index_cast %get3A_167 : i32 to index
        %get3A_169 = arith.constant 64 : index
        %get3A_170 = tpu.vector_load %arg14[%get3A_168, %get3A_169] {strides = array<i32>} : memref<1x128xf32, #tpu.memory_space<vmem>>, vector<16xf32>,
        %get3A_171 = arith.constant 0 : i32
        %get3A_172 = arith.index_cast %get3A_171 : i32 to index
        %get3A_173 = arith.constant 64 : index
        %get3A_174 = tpu.vector_load %arg15[%get3A_172, %get3A_173] {strides = array<i32>} : memref<1x128xf32, #tpu.memory_space<vmem>>, vector<16xf32>,
        %add3A_175 = arith.addf %get3A_170, %get3A_174 : vector<16xf32>
        %get3A_176 = arith.constant 0 : i32
        %get3A_177 = arith.index_cast %get3A_176 : i32 to index
        %get3A_178 = arith.constant 80 : index
        %get3A_179 = tpu.vector_load %arg14[%get3A_177, %get3A_178] {strides = array<i32>} : memref<1x128xf32, #tpu.memory_space<vmem>>, vector<16xf32>,
        %get3A_180 = arith.constant 0 : i32
        %get3A_181 = arith.index_cast %get3A_180 : i32 to index
        %get3A_182 = arith.constant 80 : index
        %get3A_183 = tpu.vector_load %arg15[%get3A_181, %get3A_182] {strides = array<i32>} : memref<1x128xf32, #tpu.memory_space<vmem>>, vector<16xf32>,
        %add3A_184 = arith.addf %get3A_179, %get3A_183 : vector<16xf32>
        %get3A_185 = arith.constant 0 : i32
        %get3A_186 = arith.index_cast %get3A_185 : i32 to index
        %get3A_187 = arith.constant 96 : index
        %get3A_188 = tpu.vector_load %arg14[%get3A_186, %get3A_187] {strides = array<i32>} : memref<1x128xf32, #tpu.memory_space<vmem>>, vector<16xf32>,
        %get3A_189 = arith.constant 0 : i32
        %get3A_190 = arith.index_cast %get3A_189 : i32 to index
        %get3A_191 = arith.constant 96 : index
        %get3A_192 = tpu.vector_load %arg15[%get3A_190, %get3A_191] {strides = array<i32>} : memref<1x128xf32, #tpu.memory_space<vmem>>, vector<16xf32>,
        %add3A_193 = arith.addf %get3A_188, %get3A_192 : vector<16xf32>
        %get3A_194 = arith.constant 0 : i32
        %get3A_195 = arith.index_cast %get3A_194 : i32 to index
        %get3A_196 = arith.constant 112 : index
        %get3A_197 = tpu.vector_load %arg14[%get3A_195, %get3A_196] {strides = array<i32>} : memref<1x128xf32, #tpu.memory_space<vmem>>, vector<16xf32>,
        %get3A_198 = arith.constant 0 : i32
        %get3A_199 = arith.index_cast %get3A_198 : i32 to index
        %get3A_200 = arith.constant 112 : index
        %get3A_201 = tpu.vector_load %arg15[%get3A_199, %get3A_200] {strides = array<i32>} : memref<1x128xf32, #tpu.memory_space<vmem>>, vector<16xf32>,
        %add3A_202 = arith.addf %get3A_197, %get3A_201 : vector<16xf32>
        %scan3A_203 = arith.constant 0 : i32
        %scan3A_204 = arith.constant 0 : i32
        %scan3A_205 = arith.constant 256 : i32
        %scan3A_206 = arith.addi %scan3A_204, %scan3A_205 : i32
        %scan3A_207 = arith.constant 1 : i32
        scf.for %scan3A_214 = %scan3A_204 to %scan3A_206 step %scan3A_207  : i32 {
          %get3A_215 = arith.index_cast %scan3A_214 : i32 to index
          %get3A_216 = arith.constant 0 : index
          %get3A_217 = tpu.vector_load %arg12[%get3A_215, %get3A_216] {strides = array<i32>} : memref<256x128xf32, #tpu.memory_space<vmem>>, vector<16xf32>,
          %add3A_218 = arith.addf %get3A_217, %add3A_139 : vector<16xf32>
          %get3A_219 = arith.index_cast %scan3A_214 : i32 to index
          %get3A_220 = arith.constant 16 : index
          %get3A_221 = tpu.vector_load %arg12[%get3A_219, %get3A_220] {strides = array<i32>} : memref<256x128xf32, #tpu.memory_space<vmem>>, vector<16xf32>,
          %add3A_222 = arith.addf %get3A_221, %add3A_148 : vector<16xf32>
          %get3A_223 = arith.index_cast %scan3A_214 : i32 to index
          %get3A_224 = arith.constant 32 : index
          %get3A_225 = tpu.vector_load %arg12[%get3A_223, %get3A_224] {strides = array<i32>} : memref<256x128xf32, #tpu.memory_space<vmem>>, vector<16xf32>,
          %add3A_226 = arith.addf %get3A_225, %add3A_157 : vector<16xf32>
          %get3A_227 = arith.index_cast %scan3A_214 : i32 to index
          %get3A_228 = arith.constant 48 : index
          %get3A_229 = tpu.vector_load %arg12[%get3A_227, %get3A_228] {strides = array<i32>} : memref<256x128xf32, #tpu.memory_space<vmem>>, vector<16xf32>,
          %add3A_230 = arith.addf %get3A_229, %add3A_166 : vector<16xf32>
          %get3A_231 = arith.index_cast %scan3A_214 : i32 to index
          %get3A_232 = arith.constant 64 : index
          %get3A_233 = tpu.vector_load %arg12[%get3A_231, %get3A_232] {strides = array<i32>} : memref<256x128xf32, #tpu.memory_space<vmem>>, vector<16xf32>,
          %add3A_234 = arith.addf %get3A_233, %add3A_175 : vector<16xf32>
          %get3A_235 = arith.index_cast %scan3A_214 : i32 to index
          %get3A_236 = arith.constant 80 : index
          %get3A_237 = tpu.vector_load %arg12[%get3A_235, %get3A_236] {strides = array<i32>} : memref<256x128xf32, #tpu.memory_space<vmem>>, vector<16xf32>,
          %add3A_238 = arith.addf %get3A_237, %add3A_184 : vector<16xf32>
          %get3A_239 = arith.index_cast %scan3A_214 : i32 to index
          %get3A_240 = arith.constant 96 : index
          %get3A_241 = tpu.vector_load %arg12[%get3A_239, %get3A_240] {strides = array<i32>} : memref<256x128xf32, #tpu.memory_space<vmem>>, vector<16xf32>,
          %add3A_242 = arith.addf %get3A_241, %add3A_193 : vector<16xf32>
          %get3A_243 = arith.index_cast %scan3A_214 : i32 to index
          %get3A_244 = arith.constant 112 : index
          %get3A_245 = tpu.vector_load %arg12[%get3A_243, %get3A_244] {strides = array<i32>} : memref<256x128xf32, #tpu.memory_space<vmem>>, vector<16xf32>,
          %add3A_246 = arith.addf %get3A_245, %add3A_202 : vector<16xf32>
          %mul3A_247 = arith.mulf %add3A_218, %add3A_218 : vector<16xf32>
          %add3A_248 = arith.addf %add3A_218, %add3A_222 : vector<16xf32>
          %mul3A_249 = arith.mulf %add3A_222, %add3A_222 : vector<16xf32>
          %add3A_250 = arith.addf %mul3A_247, %mul3A_249 : vector<16xf32>
          %add3A_251 = arith.addf %add3A_248, %add3A_226 : vector<16xf32>
          %mul3A_252 = arith.mulf %add3A_226, %add3A_226 : vector<16xf32>
          %add3A_253 = arith.addf %add3A_250, %mul3A_252 : vector<16xf32>
          %add3A_254 = arith.addf %add3A_251, %add3A_230 : vector<16xf32>
          %mul3A_255 = arith.mulf %add3A_230, %add3A_230 : vector<16xf32>
          %add3A_256 = arith.addf %add3A_253, %mul3A_255 : vector<16xf32>
          %add3A_257 = arith.addf %add3A_254, %add3A_234 : vector<16xf32>
          %mul3A_258 = arith.mulf %add3A_234, %add3A_234 : vector<16xf32>
          %add3A_259 = arith.addf %add3A_256, %mul3A_258 : vector<16xf32>
          %add3A_260 = arith.addf %add3A_257, %add3A_238 : vector<16xf32>
          %mul3A_261 = arith.mulf %add3A_238, %add3A_238 : vector<16xf32>
          %add3A_262 = arith.addf %add3A_259, %mul3A_261 : vector<16xf32>
          %add3A_263 = arith.addf %add3A_260, %add3A_242 : vector<16xf32>
          %mul3A_264 = arith.mulf %add3A_242, %add3A_242 : vector<16xf32>
          %add3A_265 = arith.addf %add3A_262, %mul3A_264 : vector<16xf32>
          %add3A_266 = arith.addf %add3A_263, %add3A_246 : vector<16xf32>
          %mul3A_267 = arith.mulf %add3A_246, %add3A_246 : vector<16xf32>
          %add3A_268 = arith.addf %add3A_265, %mul3A_267 : vector<16xf32>
          %reduce_sum3A = arith.constant true
          %reduce_sum3A_269 = vector.broadcast %reduce_sum3A : i1 to vector<16xi1>
          %reduce_sum3A_270 = tpu.scan <sum>, %add3A_266 masked %reduce_sum3A_269 : vector<16xf32>, vector<16xi1> -> vector<16xf32>
          %reduce_sum3A_271 = vector.extract %reduce_sum3A_270[15] : f32 from vector<16xf32>
          %reduce_sum3A_272 = arith.constant true
          %reduce_sum3A_273 = vector.broadcast %reduce_sum3A_272 : i1 to vector<16xi1>
          %reduce_sum3A_274 = tpu.scan <sum>, %add3A_268 masked %reduce_sum3A_273 : vector<16xf32>, vector<16xi1> -> vector<16xf32>
          %reduce_sum3A_275 = vector.extract %reduce_sum3A_274[15] : f32 from vector<16xf32>
          %mul3A_276 = arith.constant 7.812500e-03 : f32
          %mul3A_277 = arith.mulf %reduce_sum3A_271, %mul3A_276 : f32
          %mul3A_278 = arith.constant 7.812500e-03 : f32
          %mul3A_279 = arith.mulf %reduce_sum3A_275, %mul3A_278 : f32
          %mul3A_280 = arith.mulf %mul3A_277, %mul3A_277 : f32
          %sub3A_281 = arith.subf %mul3A_279, %mul3A_280 : f32
          %add3A_282 = arith.constant 9.99999996E-13 : f32
          %add3A_283 = arith.addf %sub3A_281, %add3A_282 : f32
          %bitcast_convert_type3A = arith.bitcast %add3A_283 : f32 to i32
          %shift_right_logical3A = arith.constant 1 : i32
          %shift_right_logical3A_284 = arith.shrui %bitcast_convert_type3A, %shift_right_logical3A : i32
          %sub3A_285 = arith.constant 1597463007 : i32
          %sub3A_286 = arith.subi %sub3A_285, %shift_right_logical3A_284 : i32
          %bitcast_convert_type3A_287 = arith.bitcast %sub3A_286 : i32 to f32
          %mul3A_288 = arith.constant 5.000000e-01 : f32
          %mul3A_289 = arith.mulf %mul3A_288, %add3A_283 : f32
          %mul3A_290 = arith.mulf %mul3A_289, %bitcast_convert_type3A_287 : f32
          %mul3A_291 = arith.mulf %mul3A_290, %bitcast_convert_type3A_287 : f32
          %sub3A_292 = arith.constant 1.500000e+00 : f32
          %sub3A_293 = arith.subf %sub3A_292, %mul3A_291 : f32
          %mul3A_294 = arith.mulf %bitcast_convert_type3A_287, %sub3A_293 : f32
          %mul3A_295 = arith.constant 5.000000e-01 : f32
          %mul3A_296 = arith.mulf %mul3A_295, %add3A_283 : f32
          %mul3A_297 = arith.mulf %mul3A_296, %mul3A_294 : f32
          %mul3A_298 = arith.mulf %mul3A_297, %mul3A_294 : f32
          %sub3A_299 = arith.constant 1.500000e+00 : f32
          %sub3A_300 = arith.subf %sub3A_299, %mul3A_298 : f32
          %mul3A_301 = arith.mulf %mul3A_294, %sub3A_300 : f32
          %mul3A_302 = arith.constant 5.000000e-01 : f32
          %mul3A_303 = arith.mulf %mul3A_302, %add3A_283 : f32
          %mul3A_304 = arith.mulf %mul3A_303, %mul3A_301 : f32
          %mul3A_305 = arith.mulf %mul3A_304, %mul3A_301 : f32
          %sub3A_306 = arith.constant 1.500000e+00 : f32
          %sub3A_307 = arith.subf %sub3A_306, %mul3A_305 : f32
          %mul3A_308 = arith.mulf %mul3A_301, %sub3A_307 : f32
          %sub3A_309 = vector.broadcast %mul3A_277 : f32 to vector<16xf32>
          %sub3A_310 = arith.subf %add3A_218, %sub3A_309 : vector<16xf32>
          %mul3A_311 = vector.broadcast %mul3A_308 : f32 to vector<16xf32>
          %mul3A_312 = arith.mulf %sub3A_310, %mul3A_311 : vector<16xf32>
          %mul3A_313 = arith.mulf %mul3A_312, %get3A_3 : vector<16xf32>
          %add3A_314 = arith.addf %mul3A_313, %get3A_35 : vector<16xf32>
          %swap3A = arith.index_cast %scan3A_214 : i32 to index
          %swap3A_315 = arith.constant 0 : index
          %swap3A_316 = tpu.vector_load %arg13[%swap3A, %swap3A_315] {strides = array<i32>} : memref<256x128xf32, #tpu.memory_space<vmem>>, vector<16xf32>,
          tpu.vector_store %arg13[%swap3A, %swap3A_315], %add3A_314 {strides = array<i32>} : memref<256x128xf32, #tpu.memory_space<vmem>>, vector<16xf32>,
          %sub3A_317 = vector.broadcast %mul3A_277 : f32 to vector<16xf32>
          %sub3A_318 = arith.subf %add3A_222, %sub3A_317 : vector<16xf32>
          %mul3A_319 = vector.broadcast %mul3A_308 : f32 to vector<16xf32>
          %mul3A_320 = arith.mulf %sub3A_318, %mul3A_319 : vector<16xf32>
          %mul3A_321 = arith.mulf %mul3A_320, %get3A_7 : vector<16xf32>
          %add3A_322 = arith.addf %mul3A_321, %get3A_39 : vector<16xf32>
          %swap3A_323 = arith.index_cast %scan3A_214 : i32 to index
          %swap3A_324 = arith.constant 16 : index
          %swap3A_325 = tpu.vector_load %arg13[%swap3A_323, %swap3A_324] {strides = array<i32>} : memref<256x128xf32, #tpu.memory_space<vmem>>, vector<16xf32>,
          tpu.vector_store %arg13[%swap3A_323, %swap3A_324], %add3A_322 {strides = array<i32>} : memref<256x128xf32, #tpu.memory_space<vmem>>, vector<16xf32>,
          %sub3A_326 = vector.broadcast %mul3A_277 : f32 to vector<16xf32>
          %sub3A_327 = arith.subf %add3A_226, %sub3A_326 : vector<16xf32>
          %mul3A_328 = vector.broadcast %mul3A_308 : f32 to vector<16xf32>
          %mul3A_329 = arith.mulf %sub3A_327, %mul3A_328 : vector<16xf32>
          %mul3A_330 = arith.mulf %mul3A_329, %get3A_11 : vector<16xf32>
          %add3A_331 = arith.addf %mul3A_330, %get3A_43 : vector<16xf32>
          %swap3A_332 = arith.index_cast %scan3A_214 : i32 to index
          %swap3A_333 = arith.constant 32 : index
          %swap3A_334 = tpu.vector_load %arg13[%swap3A_332, %swap3A_333] {strides = array<i32>} : memref<256x128xf32, #tpu.memory_space<vmem>>, vector<16xf32>,
          tpu.vector_store %arg13[%swap3A_332, %swap3A_333], %add3A_331 {strides = array<i32>} : memref<256x128xf32, #tpu.memory_space<vmem>>, vector<16xf32>,
          %sub3A_335 = vector.broadcast %mul3A_277 : f32 to vector<16xf32>
          %sub3A_336 = arith.subf %add3A_230, %sub3A_335 : vector<16xf32>
          %mul3A_337 = vector.broadcast %mul3A_308 : f32 to vector<16xf32>
          %mul3A_338 = arith.mulf %sub3A_336, %mul3A_337 : vector<16xf32>
          %mul3A_339 = arith.mulf %mul3A_338, %get3A_15 : vector<16xf32>
          %add3A_340 = arith.addf %mul3A_339, %get3A_47 : vector<16xf32>
          %swap3A_341 = arith.index_cast %scan3A_214 : i32 to index
          %swap3A_342 = arith.constant 48 : index
          %swap3A_343 = tpu.vector_load %arg13[%swap3A_341, %swap3A_342] {strides = array<i32>} : memref<256x128xf32, #tpu.memory_space<vmem>>, vector<16xf32>,
          tpu.vector_store %arg13[%swap3A_341, %swap3A_342], %add3A_340 {strides = array<i32>} : memref<256x128xf32, #tpu.memory_space<vmem>>, vector<16xf32>,
          %sub3A_344 = vector.broadcast %mul3A_277 : f32 to vector<16xf32>
          %sub3A_345 = arith.subf %add3A_234, %sub3A_344 : vector<16xf32>
          %mul3A_346 = vector.broadcast %mul3A_308 : f32 to vector<16xf32>
          %mul3A_347 = arith.mulf %sub3A_345, %mul3A_346 : vector<16xf32>
          %mul3A_348 = arith.mulf %mul3A_347, %get3A_19 : vector<16xf32>
          %add3A_349 = arith.addf %mul3A_348, %get3A_51 : vector<16xf32>
          %swap3A_350 = arith.index_cast %scan3A_214 : i32 to index
          %swap3A_351 = arith.constant 64 : index
          %swap3A_352 = tpu.vector_load %arg13[%swap3A_350, %swap3A_351] {strides = array<i32>} : memref<256x128xf32, #tpu.memory_space<vmem>>, vector<16xf32>,
          tpu.vector_store %arg13[%swap3A_350, %swap3A_351], %add3A_349 {strides = array<i32>} : memref<256x128xf32, #tpu.memory_space<vmem>>, vector<16xf32>,
          %sub3A_353 = vector.broadcast %mul3A_277 : f32 to vector<16xf32>
          %sub3A_354 = arith.subf %add3A_238, %sub3A_353 : vector<16xf32>
          %mul3A_355 = vector.broadcast %mul3A_308 : f32 to vector<16xf32>
          %mul3A_356 = arith.mulf %sub3A_354, %mul3A_355 : vector<16xf32>
          %mul3A_357 = arith.mulf %mul3A_356, %get3A_23 : vector<16xf32>
          %add3A_358 = arith.addf %mul3A_357, %get3A_55 : vector<16xf32>
          %swap3A_359 = arith.index_cast %scan3A_214 : i32 to index
          %swap3A_360 = arith.constant 80 : index
          %swap3A_361 = tpu.vector_load %arg13[%swap3A_359, %swap3A_360] {strides = array<i32>} : memref<256x128xf32, #tpu.memory_space<vmem>>, vector<16xf32>,
          tpu.vector_store %arg13[%swap3A_359, %swap3A_360], %add3A_358 {strides = array<i32>} : memref<256x128xf32, #tpu.memory_space<vmem>>, vector<16xf32>,
          %sub3A_362 = vector.broadcast %mul3A_277 : f32 to vector<16xf32>
          %sub3A_363 = arith.subf %add3A_242, %sub3A_362 : vector<16xf32>
          %mul3A_364 = vector.broadcast %mul3A_308 : f32 to vector<16xf32>
          %mul3A_365 = arith.mulf %sub3A_363, %mul3A_364 : vector<16xf32>
          %mul3A_366 = arith.mulf %mul3A_365, %get3A_27 : vector<16xf32>
          %add3A_367 = arith.addf %mul3A_366, %get3A_59 : vector<16xf32>
          %swap3A_368 = arith.index_cast %scan3A_214 : i32 to index
          %swap3A_369 = arith.constant 96 : index
          %swap3A_370 = tpu.vector_load %arg13[%swap3A_368, %swap3A_369] {strides = array<i32>} : memref<256x128xf32, #tpu.memory_space<vmem>>, vector<16xf32>,
          tpu.vector_store %arg13[%swap3A_368, %swap3A_369], %add3A_367 {strides = array<i32>} : memref<256x128xf32, #tpu.memory_space<vmem>>, vector<16xf32>,
          %sub3A_371 = vector.broadcast %mul3A_277 : f32 to vector<16xf32>
          %sub3A_372 = arith.subf %add3A_246, %sub3A_371 : vector<16xf32>
          %mul3A_373 = vector.broadcast %mul3A_308 : f32 to vector<16xf32>
          %mul3A_374 = arith.mulf %sub3A_372, %mul3A_373 : vector<16xf32>
          %mul3A_375 = arith.mulf %mul3A_374, %get3A_31 : vector<16xf32>
          %add3A_376 = arith.addf %mul3A_375, %get3A_63 : vector<16xf32>
          %swap3A_377 = arith.index_cast %scan3A_214 : i32 to index
          %swap3A_378 = arith.constant 112 : index
          %swap3A_379 = tpu.vector_load %arg13[%swap3A_377, %swap3A_378] {strides = array<i32>} : memref<256x128xf32, #tpu.memory_space<vmem>>, vector<16xf32>,
          tpu.vector_store %arg13[%swap3A_377, %swap3A_378], %add3A_376 {strides = array<i32>} : memref<256x128xf32, #tpu.memory_space<vmem>>, vector<16xf32>,
        }
        %scan3A_208 = arith.constant 256 : i32
        %add3A_209 = arith.constant 51 : i32
        %add3A_210 = arith.addi %add3A_209, %select_n3A : i32
        %mul3A_211 = arith.constant 1024 : i32
        %mul3A_212 = arith.muli %add3A_210, %mul3A_211 : i32
        %add3A_213 = arith.addi %mul3A_212, %mul3A_125 : i32
        "tpu.region"() ({
          %run_scoped3A = tpu.sem_alloc : memref<!tpu.dma_semaphore, #tpu.memory_space<semaphore_mem>>
          %dma_start3A = arith.constant 0 : i32
          %dma_start3A_214 = tpu.memref_slice %arg11[%add3A_213, %dma_start3A] : memref<256000x128xf32, #tpu.memory_space<hbm>> -> memref<256x128xf32, #tpu.memory_space<hbm>>
          %dma_start3A_215 = arith.constant 0 : i32
          %dma_start3A_216 = tpu.memref_slice %arg11[%add3A_213, %dma_start3A_215] : memref<256000x128xf32, #tpu.memory_space<hbm>> -> memref<256x128xf32, #tpu.memory_space<hbm>>
          tpu.enqueue_dma source(%arg13 : memref<256x128xf32, #tpu.memory_space<vmem>>) target(%dma_start3A_216 : memref<256x128xf32, #tpu.memory_space<hbm>>) target_semaphore(%run_scoped3A : memref<!tpu.dma_semaphore, #tpu.memory_space<semaphore_mem>>)
          %dma_wait3A = arith.constant 0 : i32
          %dma_wait3A_217 = tpu.memref_slice %arg11[%add3A_213, %dma_wait3A] : memref<256000x128xf32, #tpu.memory_space<hbm>> -> memref<256x128xf32, #tpu.memory_space<hbm>>
          %dma_wait3A_218 = arith.constant 0 : i32
          %dma_wait3A_219 = tpu.memref_slice %arg11[%add3A_213, %dma_wait3A_218] : memref<256000x128xf32, #tpu.memory_space<hbm>> -> memref<256x128xf32, #tpu.memory_space<hbm>>
          tpu.wait_dma2 semaphore(%run_scoped3A : memref<!tpu.dma_semaphore, #tpu.memory_space<semaphore_mem>>) src(%arg13 : memref<256x128xf32, #tpu.memory_space<vmem>>) dst(%dma_wait3A_219 : memref<256x128xf32, #tpu.memory_space<hbm>>)
          tpu.yield
        }) : () -> ()
      } else {
      }
    }
    %scan3A_82 = arith.constant 25 : i32
    return
  }
}

</mosaic_0001>

<sc_bundles>
// kernel: kernel.3.cloned.1.call-start
scs
__scs_entry_jumppad:
0x0: {  	(pc) =	sbr.rel $0x88, $3  }
0x1: {  	(tag) =	ssettag $0x0;
	lr =	simm.s32 $0x1  }
0x2: {  	[smem:$0x3F98] =	sst lr;
	_ =	strace $0xD0000000  }
0x3: {  	_ = 	snop  }
0x4: {  	_ = 	snop  }
0x5: {  	_ = 	snop  }
0x6: {  	_ = 	snop  }
0x7: {  	_ = 	snop  }
__scs_overlays_trampoline_lowered:
0x8: {  	[smem:$0x3FA7] =	sst s0  }
0x9: {  	[smem:$0x3FA8] =	sst s1  }
0xa: {  	[smem:$0x3FA9] =	sst s2  }
0xb: {  	[smem:$0x3FAA] =	sst s3  }
0xc: {  	[smem:$0x3FAB] =	sst s4  }
0xd: {  	[smem:$0x3FAC] =	sst s5  }
0xe: {  	[smem:$0x3FAD] =	sst s6  }
0xf: {  	[smem:$0x3FAE] =	sst s7  }
0x10: {  	[smem:$0x3FAF] =	sst s8  }
0x11: {  	[smem:$0x3FB0] =	sst s9;
	s0 =	simm.s32 @!p0 $0x0  }
0x12: {  	s1 =	sld [smem:$0x3F96];
	s0 =	simm.s32 @p0 $0x1  }
0x13: {  	[smem:$0x3FB1] =	sst s0;
	s0 =	simm.s32 @!p1 $0x0  }
0x14: {  	s2 =	sld [smem:$0x3F95];
	s0 =	simm.s32 @p1 $0x1  }
0x15: {  	[smem:$0x3FB2] =	sst s0;
	s0 =	simm.s32 @!p2 $0x0  }
0x16: {  	s3 =	sld [smem:$0x3FDB];
	s0 =	simm.s32 @p2 $0x1  }
0x17: {  	s4 =	simm.s32 $0x1BF5;
	[smem:$0x3FB4] =	sst s0  }
0x18: {  	s0 =	sld [smem:$0x3F97];
	_ =	swait.ge [sflag:s4], $0x0  }
0x19: {  	s7 =	sld [smem:$0x3F98]  }
0x1a: {  	s8 =	sadd.s32 $0xFFFFE003, lr  }
0x1b: {  	s9 =	sadd.s32 $0xFFFFFEF7, lr;
	s5 =	simm.s32 $0xFFFFFFFF;
	p2 =	slt.u32 s8, $0xFFFFF086  }
0x1c: {  	p1 =	slt.u32 s9, $0xF7A;
	s5 =	simm.s32 @!p2 $0x0  }
0x1d: {  	s5 =	simm.s32 @p1 $0x1;
	p0 =	seq.s32 s7, s2  }
0x1e: {  	s7 =	smul.u32 @!p0 $0xF7A, s2;
	p2 =	seq.s32 @!p0 s5, $0x0  }
0x1f: {  	s9 =	smul.u32 $0xF7A, s1;
	s8 =	simm.s32 @!p0 $0x1BF5;
	p2 =	por !p2, p0  }
0x20: {  	[sflag:s8] =	ssyncset.s32 @!p0 $0xFFFFF086;
	s6 =	sadd.s32 @!p0 s3, s7;
	s7 =	simm.s32 @!p0 $0x108  }
0x21: {  	s3 =	sadd.s32 s3, s9;
	s6 =	sadd.s32 @!p0 $0x88, s6;
	s7 =	simm.s32 @p2 $0x1082  }
0x22: {  	[simem:s7], [sflag:s8] =	dma.local @!p0 [hbm:s6], $0xF7A  }
0x23: {  	s9 =	sor.u32 $0xD0000000, s2;
	s6 =	simm.s32 $0x108;
	_ =	swait.ge @!p0 [sflag:s8], $0x0  }
0x24: {  	s3 =	sadd.s32 $0x88, s3;
	s6 =	simm.s32 @!p1 $0x1082;
	[sflag:s4] =	ssyncset.s32 $0xFFFFF086  }
0x25: {  	[simem:s6], [sflag:s4] =	dma.local [hbm:s3], $0xF7A  }
0x26: {  	[smem:$0x3F98] =	sst s1;
	(tag) =	ssettag s2;
	_ =	strace s9  }
0x27: {  	s1 =	sld [smem:$0x3FA8]  }
0x28: {  	s2 =	sld [smem:$0x3FA9]  }
0x29: {  	s4 =	sld [smem:$0x3FAB]  }
0x2a: {  	p0 =	seq.s32 s5, $0x0;
	s5 =	sld [smem:$0x3FAC]  }
0x2b: {  	s6 =	sld [smem:$0x3FAD]  }
0x2c: {  	s7 =	sld [smem:$0x3FAE]  }
0x2d: {  	s3 =	simm.s32 $0x108;
	s8 =	sld [smem:$0x3FAF]  }
0x2e: {  	s3 =	simm.s32 @!p0 $0x1082;
	s9 =	sld [smem:$0x3FB0]  }
0x2f: {  	lr =	sadd.s32 s0, s3;
	s0 =	sld [smem:$0x3FA7]  }
0x30: {  	s3 =	sld [smem:$0x3FAA]  }
0x31: {  	[smem:$0x3FB3] =	sst s10  }
0x32: {  	s10 =	sld [smem:$0x3FB1];
	_ =	sdelay $0x3  }
0x33: {  	p0 =	seq.s32 s10, $0x1;
	s10 =	sld [smem:$0x3FB3];
	_ =	sdelay $0x3  }
0x34: {  	[smem:$0x3FB3] =	sst s10  }
0x35: {  	s10 =	sld [smem:$0x3FB2];
	_ =	sdelay $0x3  }
0x36: {  	p1 =	seq.s32 s10, $0x1;
	s10 =	sld [smem:$0x3FB3];
	_ =	sdelay $0x3  }
0x37: {  	[smem:$0x3FB3] =	sst s10  }
0x38: {  	s10 =	sld [smem:$0x3FB4]  }
0x39: {  	_ = 	snop;
	(pc) =	sbr.ind lr, $3  }
0x3a: {  	_ = 	snop  }
0x3b: {  	_ = 	snop  }
0x3c: {  	p2 =	seq.s32 s10, $0x1;
	s10 =	sld [smem:$0x3FB3]  }
0x3d: {  	_ =	shalt  }
0x3e: {  	_ =	shalt  }
0x3f: {  	_ =	shalt  }
0x40: {  	_ =	shalt  }
0x41: {  	_ =	shalt  }
0x42: {  	_ =	shalt  }
0x43: {  	_ =	shalt  }
0x44: {  	_ =	shalt  }
0x45: {  	_ =	shalt  }
0x46: {  	_ =	shalt  }
0x47: {  	_ =	shalt  }
0x48: {  	_ =	shalt  }
0x49: {  	_ =	shalt  }
0x4a: {  	_ =	shalt  }
0x4b: {  	_ =	shalt  }
0x4c: {  	_ =	shalt  }
0x4d: {  	_ =	shalt  }
0x4e: {  	_ =	shalt  }
0x4f: {  	_ =	shalt  }
0x50: {  	_ =	shalt  }
0x51: {  	_ =	shalt  }
0x52: {  	_ =	shalt  }
0x53: {  	_ =	shalt  }
0x54: {  	_ =	shalt  }
0x55: {  	_ =	shalt  }
0x56: {  	_ =	shalt  }
0x57: {  	_ =	shalt  }
0x58: {  	_ =	shalt  }
0x59: {  	_ =	shalt  }
0x5a: {  	_ =	shalt  }
0x5b: {  	_ =	shalt  }
0x5c: {  	_ =	shalt  }
0x5d: {  	_ =	shalt  }
0x5e: {  	_ =	shalt  }
0x5f: {  	_ =	shalt  }
0x60: {  	_ =	shalt  }
0x61: {  	_ =	shalt  }
0x62: {  	_ =	shalt  }
0x63: {  	_ =	shalt  }
0x64: {  	_ =	shalt  }
0x65: {  	_ =	shalt  }
0x66: {  	_ =	shalt  }
0x67: {  	_ =	shalt  }
0x68: {  	_ =	shalt  }
0x69: {  	_ =	shalt  }
0x6a: {  	_ =	shalt  }
0x6b: {  	_ =	shalt  }
0x6c: {  	_ =	shalt  }
0x6d: {  	_ =	shalt  }
0x6e: {  	_ =	shalt  }
0x6f: {  	_ =	shalt  }
0x70: {  	_ =	shalt  }
0x71: {  	_ =	shalt  }
0x72: {  	_ =	shalt  }
0x73: {  	_ =	shalt  }
0x74: {  	_ =	shalt  }
0x75: {  	_ =	shalt  }
0x76: {  	_ =	shalt  }
0x77: {  	_ =	shalt  }
0x78: {  	_ =	shalt  }
0x79: {  	_ =	shalt  }
0x7a: {  	_ =	shalt  }
0x7b: {  	_ =	shalt  }
0x7c: {  	_ =	shalt  }
0x7d: {  	_ =	shalt  }
0x7e: {  	_ =	shalt  }
0x7f: {  	_ =	shalt  }
0x80: {  	_ =	shalt  }
0x81: {  	_ =	shalt  }
0x82: {  	_ =	shalt  }
0x83: {  	_ =	shalt  }
0x84: {  	_ =	shalt  }
0x85: {  	_ =	shalt  }
0x86: {  	_ =	shalt  }
0x87: {  	_ =	shalt  }
.Lfunc_end0:
.L_simem_size_0:
called_computation_lowered:
.L_overlay_start_0:
0x88: {  	s2 =	sld [smem:$0x3FD9]  }
0x89: {  	s3 =	sld [smem:$0x3FFE];
	_ =	sdelay $0x1  }
0x8a: {  	s1 =	srdreg.scid  }
0x8b: {  	s0 =	sand.u32 $0x1, s1  }
0x8c: {  	s18 =	sshll.u32 s0, $0xA;
	s2 =	sadd.s32 s3, s2  }
0x8d: {  	s2 =	sadd.s32 s2, s18  }
0x8e: {  	[smem:$0x3FBF] =	sst s2  }
0x8f: {  	_ = 	snop  }
0x90: {  	s2 =	sld [smem:$0x3FC9]  }
0x91: {  	s19 =	sld [smem:$0x3FC8]  }
0x92: {  	s4 =	sld [smem:$0x3FC7]  }
0x93: {  	s5 =	sld [smem:$0x3FC6]  }
0x94: {  	s6 =	sld [smem:$0x3FC5]  }
0x95: {  	s7 =	sld [smem:$0x3FC4]  }
0x96: {  	s8 =	sld [smem:$0x3FC3]  }
0x97: {  	s9 =	sld [smem:$0x3FC2]  }
0x98: {  	s10 =	sld [smem:$0x3FC1]  }
0x99: {  	s11 =	sld [smem:$0x3FD0];
	(tm) =	ssettm $0x1  }
0x9a: {  	s12 =	sld [smem:$0x3FFB];
	_ =	sdelay $0x3  }
0x9b: {  	_ =	strace s12  }
0x9c: {  	s12 =	sld [smem:$0x3FFC];
	_ =	sdelay $0x3  }
0x9d: {  	_ =	strace s12  }
0x9e: {  	s12 =	sld [smem:$0x3FFD];
	_ =	sdelay $0x3  }
0x9f: {  	_ =	strace s12  }
0xa0: {  	_ =	strace $0x8FFFFFFF  }
0xa1: {  	s20 =	sld [smem:$0x3FDB];
	_ =	sdelay $0x1  }
0xa2: {  	s13 =	simm.s32 $_scs_section_size  }
0xa3: {  	s14 =	simm.s32 $_size__tile_overlayer_lowered;
	s15 =	simm.s32 $_tile_overlayer_lowered  }
0xa4: {  	s23 =	simm.s32 $0x1BFF;
	s22 =	sshll.u32 s15, $0x1;
	s12 =	sadd.s32 s13, s20  }
0xa5: {  	s16 =	simm.s32 $0x0;
	s21 =	sshll.u32 s14, $0x1;
	s14 =	sadd.s32 s22, s12  }
0xa6: {  	[timem:s16], [sflag:s23] =	dma.local [hbm:s14], s21  }
0xa7: {  	_ =	swait.ge [sflag:s23], s21  }
0xa8: {  	s13 =	ssub.s32 $0x0, s21;
	[sflag:s23] =	ssyncset.done $0x0  }
0xa9: {  	[sflag:s23] =	ssyncadd.s32 s13;
	_ =	sdelay $0x1  }
0xaa: {  	s24 =	simm.s32 $0x1B8B  }
0xab: {  	_ =	swait.ge [sflag:s24], $0x1  }
0xac: {  	[sflag:s24] =	ssyncset.done $0x0  }
0xad: {  	s25 =	simm.s32 $0x1B8E;
	[sflag:s24] =	ssyncadd.s32 $0xFFFFFFFF  }
0xae: {  	s26 =	simm.s32 $execute0_lowered;
	[smem:$0x3FD2] =	sst s25  }
0xaf: {  	s13 =	sshll.u32 s26, $0x1;
	_ =	strace $0x80000046;
	[dreg:$0x1] =	wrdreg $0xFFFFFFFF  }
0xb0: {  	s28 =	simm.s32 $_size_execute0_lowered;
	s12 =	sadd.s32 s12, s13;
	[dreg:$0x0] =	wrdreg $0x0  }
0xb1: {  	s13 =	sshll.u32 s28, $0x1;
	[dreg:$0x2] =	wrdreg s12  }
0xb2: {  	[dreg:$0x3] =	wrdreg s13  }
0xb3: {  	[dreg:$0x4] =	wrdreg $0xC0  }
0xb4: {  	_ =	task [dreg:s16], $0x5FFFF  }
0xb5: {  	[dreg:$0x1] =	wrdreg $0xFFFFFFFF  }
0xb6: {  	[dreg:$0x0] =	wrdreg $0x60  }
0xb7: {  	[dreg:$0x2] =	wrdreg s2  }
0xb8: {  	[dreg:$0x3] =	wrdreg s19  }
0xb9: {  	[dreg:$0x4] =	wrdreg s4  }
0xba: {  	[dreg:$0x5] =	wrdreg s5  }
0xbb: {  	[dreg:$0x6] =	wrdreg s6  }
0xbc: {  	[dreg:$0x7] =	wrdreg s7  }
0xbd: {  	[dreg:$0x8] =	wrdreg s8  }
0xbe: {  	[dreg:$0x9] =	wrdreg s9  }
0xbf: {  	[dreg:$0xa] =	wrdreg s10  }
0xc0: {  	[dreg:$0xb] =	wrdreg s11  }
0xc1: {  	[dreg:$0xc] =	wrdreg $0x9  }
0xc2: {  	_ =	task.clear_ibuf [dreg:s16], $0xDFFFF;
	_ =	strace $0x90000046  }
0xc3: {  	s29 =	simm.s32 $0x9;
	_ =	strace $0x80000048  }
0xc4: {  	_ =	swait.ge [sflag:s29], $0x1  }
0xc5: {  	[sflag:s29] =	ssyncadd.s32 $0xFFFFFFFF  }
0xc6: {  	_ =	strace $0x90000048  }
0xc7: {  	_ =	sfence  }
0xc8: {  	s30 =	sld [smem:$0x0];
	_ =	sdelay $0x2  }
0xc9: {  	s31 =	sshll.u32 s1, $0xD;
	s1 =	sshrl.u32 s1, $0x2  }
0xca: {  	s3 =	sand.u32 $0x4000, s31;
	s1 =	sadd.s32 s1, s30  }
0xcb: {  	s0 =	sor.u32 s3, s0;
	s1 =	sshll.u32 s1, $0x11  }
0xcc: {  	s0 =	sor.u32 s1, s0  }
0xcd: {  	s0 =	sadd.s32 $0x8F2B, s0  }
0xce: {  	[sflag:s0] =	ssyncadd.remote.s32 $0x1  }
0xcf: {  	_ =	sfence.sel $0xFFFF  }
0xd0: {  	[dreg:$0x0] =	wrdreg $0xFFFFFFFF;
	(pc) =	sbr.abs _section_cstart, $3  }
0xd1: {  	[dreg:$0x1] =	wrdreg $0xFFFFFFFF  }
0xd2: {  	_ =	task.clear_ibuf [dreg:s16], $0x2FFFF;
	_ =	strace $0x9FFFFFFF  }
0xd3: {  	(tm) =	ssettm $0x7FFFFFFF  }
tec
execute0_lowered:
.L_overlay_start_1:
0x0: {  	(tag) =	ssettag $0x1  }
0x1: {  	s2 =	rddreg [dreg:$0x2]  }
0x2: {  	s3 =	rddreg [dreg:$0x3]  }
0x3: {  	s4 =	rddreg [dreg:$0x4]  }
0x4: {  	s1 =	rddreg [dreg:$0x9]  }
0x5: {  	s5 =	srdreg.scid;
	s0 =	stileid.u32;
	s12 =	simm.s32 $0x0  }
0x6: {  	s22 =	simm.s32 $0x1;
	s28 =	simm.s32 $0x2;
	s5 =	sand.u32 $0x1, s5  }
0x7: {  	s6 =	sshll.u32 s0, $0x1;
	[smem:$0x7FF] =	sst s12;
	s25 =	sand.u32 $0xE, s0  }
0x8: {  	s15 =	sadd.s32 $0x10, s4;
	p0 =	sgt.u32 s0, $0x1;
	s7 =	ssub.s32 $0x2, s5  }
0x9: {  	s13 =	sor.u32 s5, s6;
	_ =	strace $0x80000047;
	p1 =	sne.s32 s25, $0x2  }
0xa: {  	s25 =	simm.s32 $0x10080;
	s24 =	sshrl.u32 s7, $0x1;
	s6 =	sshll.u32 s13, $0xC  }
0xb: {  	s26 =	sshll.u32 s13, $0x8;
	s29 =	sshll.u32 s13, $0xF;
	s30 =	sand.u32 $0x3, s13  }
0xc: {  	s5 =	ssub.s32 s7, s24;
	s8 =	sadd.s32 s1, s6;
	s7 =	sand.u32 $0x300, s26  }
.Ltmp0:
0xd: {  	s17 =	sand.u32 $0x18000, s29;
	s24 =	simm.s32 $0x10000;
	(pc) =	sbr.rel .LBB2_1-.Ltmp0, $4  }
0xe: {  	p2 =	sne.s32 s30, $0x0;
	s26 =	simm.s32 $0x8000;
	[dreg:$0xb] =	wrdreg s8  }
0xf: {  	s8 =	sadd.s32 $0xC4000, s8;
	s9 =	sshll.u32 s7, $0x4;
	s18 =	sshll.u32 s7, $0x7  }
0x10: {  	s5 =	smax.u32 s5, $0x1;
	[dreg:$0xc] =	wrdreg s8;
	s31 =	sadd.s32 s9, s1  }
0x11: {  	[dreg:$0xd] =	wrdreg s5;
	s1 =	simm.s32 $0x0;
	s20 =	sadd.s32 $0xCC000, s31  }
.LBB2_21:
0x12: {  	s1 =	rddreg [dreg:$0xe]  }
0x13: {  	s0 =	rddreg [dreg:$0xd];
	s1 =	sadd.s32 $0x1, s1  }
0x14: {  	p3 =	sne.s32 s1, s0  }
.Ltmp1:
0x15: {  	_ = 	snop;
	(pc) =	sbr.rel @!p3 .LBB2_22-.Ltmp1, $1  }
0x16: {  	_ =	sdelay $0x3  }
.LBB2_1:
0x17: {  	[dreg:$0xe] =	wrdreg s1  }
0x18: {  	s0 =	rddreg [dreg:$0x7];
	s29 =	simm.s32 $0x10100  }
0x19: {  	[tilespmem:s29], [sflag:$0x1] =	stream.linear.gather [hbm4b:s0+s12], $0x80, $0x38;
	[tilespmem:$0x10200] =	vst v63  }
0x1a: {  	_ =	swait.ge [sflag:s22], $0x80  }
0x1b: {  	[sflag:s22] =	ssyncset.done $0x0  }
0x1c: {  	[sflag:s22] =	ssyncadd.s32 $0xFFFFFF80  }
0x1d: {  	s31 =	simm.s32 $0x10180;
	s30 =	rddreg [dreg:$0x8]  }
0x1e: {  	[tilespmem:s31], [sflag:$0x1] =	stream.linear.gather [hbm4b:s30+s12], $0x80, $0x38;
	[tilespmem:$0x10200] =	vst v63  }
0x1f: {  	_ =	swait.ge [sflag:s22], $0x80  }
0x20: {  	[sflag:s22] =	ssyncset.done $0x0  }
0x21: {  	[sflag:s22] =	ssyncadd.s32 $0xFFFFFF80  }
0x22: {  	v0 =	vld [tilespmem:$0x10110]  }
0x23: {  	v52 =	vld [tilespmem:$0x10100]  }
0x24: {  	v13 =	vld [tilespmem:$0x10120]  }
0x25: {  	v32 =	vld [tilespmem:$0x10130]  }
0x26: {  	v9 =	vld [tilespmem:$0x10140]  }
0x27: {  	[tilespmem:$0x1FFD0] =	vst v0;
	v0 =	vld [tilespmem:$0x101E0]  }
0x28: {  	v60 =	vld [tilespmem:$0x10150]  }
0x29: {  	v11 =	vld [tilespmem:$0x10160]  }
0x2a: {  	v1 =	vld [tilespmem:$0x10170]  }
0x2b: {  	v15 =	vld [tilespmem:$0x10180]  }
0x2c: {  	[tilespmem:$0x1FFE0] =	vst v0;
	v0 =	vld [tilespmem:$0x101F0]  }
.Ltmp2:
0x2d: {  	v47 =	vld [tilespmem:$0x10190];
	(pc) =	sbr.rel @p0 .LBB2_5-.Ltmp2, $4  }
0x2e: {  	v5 =	vld [tilespmem:$0x101A0]  }
0x2f: {  	v3 =	vld [tilespmem:$0x101B0]  }
0x30: {  	v2 =	vld [tilespmem:$0x101C0]  }
0x31: {  	v10 =	vld [tilespmem:$0x101D0];
	[tilespmem:$0x1FFF0] =	vst v0  }
0x32: {  	s5 =	simm.s32 $0x0;
	s0 =	rddreg [dreg:$0x5]  }
0x33: {  	[tilespmem:s5], [sflag:$0x1] =	stream.linear.gather [hbm4b:s0+s5], $0x80, $0x38;
	[tilespmem:$0x10200] =	vst v63  }
0x34: {  	_ =	swait.ge [sflag:s22], $0x80  }
0x35: {  	[sflag:s22] =	ssyncset.done $0x0  }
0x36: {  	[sflag:s22] =	ssyncadd.s32 $0xFFFFFF80  }
0x37: {  	[tilespmem:s24], [sflag:$0x1] =	stream.linear.gather [hbm4b:s2+s5], $0x80, $0x38;
	[tilespmem:$0x10200] =	vst v63  }
0x38: {  	_ =	swait.ge [sflag:s22], $0x80  }
0x39: {  	[sflag:s22] =	ssyncset.done $0x0  }
0x3a: {  	[sflag:s22] =	ssyncadd.s32 $0xFFFFFF80  }
0x3b: {  	[tilespmem:s25], [sflag:$0x1] =	stream.linear.gather [hbm4b:s4+s5], $0x80, $0x38;
	[tilespmem:$0x10200] =	vst v63  }
0x3c: {  	_ =	swait.ge [sflag:s22], $0x80  }
0x3d: {  	[sflag:s22] =	ssyncset.done $0x0  }
0x3e: {  	[sflag:s22] =	ssyncadd.s32 $0xFFFFFF80  }
0x3f: {  	v16 =	vld [tilespmem:$0x10000]  }
0x40: {  	v17 =	vld [tilespmem:$0x10080]  }
0x41: {  	v18 =	vld [tilespmem:$0x10010]  }
0x42: {  	v19 =	vld [tilespmem:$0x10090]  }
0x43: {  	v20 =	vld [tilespmem:$0x10020]  }
0x44: {  	v21 =	vld [tilespmem:$0x100A0]  }
0x45: {  	v22 =	vld [tilespmem:$0x10030]  }
0x46: {  	v23 =	vld [tilespmem:$0x100B0]  }
0x47: {  	v24 =	vld [tilespmem:$0x10040]  }
0x48: {  	v25 =	vld [tilespmem:$0x100C0]  }
0x49: {  	v26 =	vld [tilespmem:$0x10050]  }
0x4a: {  	v27 =	vld [tilespmem:$0x0]  }
0x4b: {  	v28 =	vld [tilespmem:$0x10]  }
0x4c: {  	v29 =	vld [tilespmem:$0x100D0]  }
0x4d: {  	v30 =	vld [tilespmem:$0x20]  }
0x4e: {  	v43 =	vld [tilespmem:$0x10070];
	v16 =	vadd.f32 v17, v16;
	v17 =	vadd.f32 v19, v18  }
0x4f: {  	v19 =	vadd.f32 v21, v20;
	v20 =	vld [tilespmem:$0x30]  }
0x50: {  	v18 =	vld [tilespmem:$0x10060];
	v16 =	vadd.f32 v27, v16;
	v17 =	vadd.f32 v28, v17  }
0x51: {  	v22 =	vadd.f32 v23, v22;
	v23 =	vld [tilespmem:$0x40]  }
0x52: {  	v21 =	vld [tilespmem:$0x100E0];
	v19 =	vadd.f32 v30, v19;
	v44 =	vmul.f32 v16, v16;
	v45 =	vmul.f32 v17, v17  }
0x53: {  	v46 =	vld [tilespmem:$0x50];
	v24 =	vadd.f32 v25, v24;
	v31 =	vadd.f32 v17, v16  }
0x54: {  	v49 =	vld [tilespmem:$0x60];
	v48 =	vmul.f32 v19, v19;
	v20 =	vadd.f32 v20, v22;
	v28 =	vadd.f32 v45, v44  }
0x55: {  	v26 =	vadd.f32 v29, v26;
	v22 =	vld [tilespmem:$0x100F0];
	v31 =	vadd.f32 v19, v31  }
0x56: {  	v23 =	vadd.f32 v23, v24;
	v51 =	vmul.f32 v20, v20;
	v50 =	vadd.f32 v48, v28  }
0x57: {  	v18 =	vadd.f32 v21, v18;
	v21 =	vld [tilespmem:$0x70];
	v53 =	vadd.f32 v20, v31  }
0x58: {  	v25 =	vadd.f32 v46, v26;
	v54 =	vmul.f32 v23, v23;
	v24 =	vadd.f32 v51, v50  }
0x59: {  	v18 =	vadd.f32 v49, v18;
	v55 =	vadd.f32 v23, v53  }
0x5a: {  	v56 =	vmul.f32 v25, v25;
	v22 =	vadd.f32 v22, v43;
	v24 =	vadd.f32 v54, v24  }
0x5b: {  	v27 =	vadd.f32 v25, v55  }
0x5c: {  	v57 =	vmul.f32 v18, v18;
	v21 =	vadd.f32 v21, v22;
	v22 =	vadd.f32 v56, v24  }
0x5d: {  	v58 =	vadd.f32 v18, v27  }
0x5e: {  	v59 =	vmul.f32 v21, v21;
	v22 =	vadd.f32 v57, v22  }
0x5f: {  	v26 =	vadd.f32 v21, v58  }
0x60: {  	v22 =	vadd.f32 v59, v22  }
0x61: {  	(xrf2) =	vadd.scan.msk.f32 $0xffff, v26  }
0x62: {  	(xrf2) =	vadd.scan.msk.f32 $0xffff, v22;
	_ =	sdelay $0x8  }
0x63: {  	v22, _, _ =	vpop (xrf2)  }
0x64: {  	(v2sf) =	vpush v22, $0xF;
	v22, _, _ =	vpop (xrf2)  }
0x65: {  	(v2sf) =	vpush v22, $0xF;
	_ =	sdelay $0xd  }
0x66: {  	s29 =	spop (v2sf)  }
0x67: {  	s5 =	smul.f32 $7.812500000e-03, s29;
	s6 =	spop (v2sf)  }
0x68: {  	s6 =	smul.f32 $7.812500000e-03, s6  }
0x69: {  	s7 =	smul.f32 s5, s5;
	_ =	sdelay $0x1  }
0x6a: {  	s6 =	ssub.f32 s6, s7;
	_ =	sdelay $0x1  }
0x6b: {  	s6 =	sadd.f32 $9.999999960e-13, s6;
	_ =	sdelay $0x1  }
0x6c: {  	s30 =	sshrl.u32 s6, $0x1;
	s6 =	smul.f32 $5.000000000e-01, s6  }
0x6d: {  	s7 =	ssub.s32 $0x5F3759DF, s30  }
0x6e: {  	s8 =	smul.f32 s7, s6;
	_ =	sdelay $0x1  }
0x6f: {  	s8 =	smul.f32 s7, s8;
	_ =	sdelay $0x1  }
0x70: {  	s8 =	ssub.f32 $1.500000000e+00, s8;
	_ =	sdelay $0x1  }
0x71: {  	s7 =	smul.f32 s7, s8;
	_ =	sdelay $0x1  }
0x72: {  	s8 =	smul.f32 s7, s6;
	_ =	sdelay $0x1  }
0x73: {  	s8 =	smul.f32 s8, s7;
	_ =	sdelay $0x1  }
0x74: {  	s8 =	ssub.f32 $1.500000000e+00, s8;
	_ =	sdelay $0x1  }
0x75: {  	s7 =	smul.f32 s8, s7;
	_ =	sdelay $0x1  }
0x76: {  	s6 =	smul.f32 s7, s6;
	_ =	sdelay $0x1  }
0x77: {  	s6 =	smul.f32 s6, s7;
	_ =	sdelay $0x1  }
0x78: {  	s6 =	ssub.f32 $1.500000000e+00, s6  }
0x79: {  	v22 =	vmov s5  }
0x7a: {  	v0 =	vld [tilespmem:$0x1FFD0];
	v16 =	vsub.f32 v16, v22;
	s31 =	smul.f32 s6, s7  }
0x7b: {  	v17 =	vsub.f32 v17, v22;
	v19 =	vsub.f32 v19, v22  }
0x7c: {  	v20 =	vsub.f32 v20, v22;
	v23 =	vsub.f32 v23, v22;
	v16 =	vmul.f32 s31, v16  }
0x7d: {  	v17 =	vmul.f32 s31, v17;
	v19 =	vmul.f32 s31, v19  }
0x7e: {  	v20 =	vmul.f32 s31, v20;
	v23 =	vmul.f32 s31, v23  }
0x7f: {  	v62 =	vsub.f32 v18, v22;
	v16 =	vmul.f32 v16, v52;
	v17 =	vmul.f32 v17, v0  }
0x80: {  	v61 =	vsub.f32 v25, v22;
	v19 =	vmul.f32 v19, v13;
	v20 =	vmul.f32 v20, v32;
	v0 =	vld [tilespmem:$0x1FFE0]  }
0x81: {  	v21 =	vsub.f32 v21, v22;
	v22 =	vmul.f32 v23, v9;
	v23 =	vmul.f32 s31, v62  }
0x82: {  	v16 =	vadd.f32 v16, v15;
	v18 =	vadd.f32 v19, v5  }
0x83: {  	v19 =	vadd.f32 v20, v3;
	v20 =	vadd.f32 v22, v2;
	v22 =	vmul.f32 v23, v11  }
0x84: {  	v24 =	vmul.f32 s31, v61;
	v17 =	vadd.f32 v17, v47  }
0x85: {  	[tilespmem:$0x8000] =	vst v16;
	v22 =	vadd.f32 v22, v0;
	v0 =	vld [tilespmem:$0x1FFF0]  }
0x86: {  	v63 =	vmul.f32 s31, v21;
	v24 =	vmul.f32 v24, v60;
	[tilespmem:$0x8010] =	vst v17  }
0x87: {  	[tilespmem:$0x8020] =	vst v18  }
0x88: {  	v21 =	vadd.f32 v24, v10;
	v23 =	vmul.f32 v63, v1;
	[tilespmem:$0x8030] =	vst v19  }
0x89: {  	[tilespmem:$0x8040] =	vst v20  }
0x8a: {  	[tilespmem:$0x8050] =	vst v21;
	v23 =	vadd.f32 v23, v0  }
0x8b: {  	[tilespmem:$0x8060] =	vst v22  }
0x8c: {  	s5 =	simm.s32 $0x0;
	s6 =	simm.s32 $0x200;
	[tilespmem:$0x8070] =	vst v23  }
.LBB2_3:
0x8d: {  	p3 =	sne.s32 s6, $0x1FC00;
	[tilespmem:s5+$0x80F0] =	vst v23  }
0x8e: {  	[tilespmem:s5+$0x8080] =	vst v16  }
0x8f: {  	[tilespmem:s5+$0x8090] =	vst v17  }
.Ltmp3:
0x90: {  	[tilespmem:s5+$0x80A0] =	vst v18;
	(pc) =	sbr.rel @p3 .LBB2_3-.Ltmp3, $4  }
0x91: {  	[tilespmem:s5+$0x80B0] =	vst v19  }
0x92: {  	[tilespmem:s5+$0x80C0] =	vst v20  }
0x93: {  	[tilespmem:s5+$0x80D0] =	vst v21  }
0x94: {  	[tilespmem:s5+$0x80E0] =	vst v22;
	s5 =	sshra.s32 s6, $0x2;
	s6 =	sadd.s32 $0x200, s6  }
0x95: {  	[tilespmem:s5+$0x80F0] =	vst v23  }
0x96: {  	[tilespmem:s5+$0x8080] =	vst v16  }
0x97: {  	[tilespmem:s5+$0x8090] =	vst v17  }
0x98: {  	[tilespmem:s5+$0x80A0] =	vst v18  }
0x99: {  	[tilespmem:s5+$0x80B0] =	vst v19  }
0x9a: {  	[tilespmem:s5+$0x80C0] =	vst v20  }
0x9b: {  	[tilespmem:s5+$0x80D0] =	vst v21  }
0x9c: {  	[tilespmem:s5+$0x80E0] =	vst v22;
	s0 =	rddreg [dreg:$0xb]  }
0x9d: {  	[hbm4b:s0+s12] =	stream.linear.scatter [tilespmem:s26], [sflag:$0x1], $0x8000, $0x38;
	[tilespmem:$0x10200] =	vst v63  }
0x9e: {  	_ =	swait.ge [sflag:s22], $0x8000  }
0x9f: {  	[sflag:s22] =	ssyncset.done $0x0  }
0xa0: {  	[sflag:s22] =	ssyncadd.s32 $0xFFFF8000  }
.LBB2_5:
.Ltmp4:
0xa1: {  	(pc) =	sbr.rel @p1 .LBB2_9-.Ltmp4, $1  }
0xa2: {  	_ =	sdelay $0x3  }
0xa3: {  	s5 =	simm.s32 $0x0;
	s0 =	rddreg [dreg:$0x6]  }
0xa4: {  	[tilespmem:s5], [sflag:$0x1] =	stream.linear.gather [hbm4b:s0+s5], $0x80, $0x38;
	[tilespmem:$0x10200] =	vst v63  }
0xa5: {  	_ =	swait.ge [sflag:s22], $0x80  }
0xa6: {  	[sflag:s22] =	ssyncset.done $0x0  }
0xa7: {  	[sflag:s22] =	ssyncadd.s32 $0xFFFFFF80  }
0xa8: {  	[tilespmem:s24], [sflag:$0x1] =	stream.linear.gather [hbm4b:s3+s5], $0x80, $0x38;
	[tilespmem:$0x10200] =	vst v63  }
0xa9: {  	_ =	swait.ge [sflag:s22], $0x80  }
0xaa: {  	[sflag:s22] =	ssyncset.done $0x0  }
0xab: {  	[sflag:s22] =	ssyncadd.s32 $0xFFFFFF80  }
0xac: {  	[tilespmem:s25], [sflag:$0x1] =	stream.linear.gather [hbm4b:s15+s5], $0x80, $0x38;
	[tilespmem:$0x10200] =	vst v63  }
0xad: {  	_ =	swait.ge [sflag:s22], $0x80  }
0xae: {  	[sflag:s22] =	ssyncset.done $0x0  }
0xaf: {  	[sflag:s22] =	ssyncadd.s32 $0xFFFFFF80  }
0xb0: {  	v16 =	vld [tilespmem:$0x10000]  }
0xb1: {  	v17 =	vld [tilespmem:$0x10080]  }
0xb2: {  	v18 =	vld [tilespmem:$0x10010]  }
0xb3: {  	v19 =	vld [tilespmem:$0x10090]  }
0xb4: {  	v20 =	vld [tilespmem:$0x10020]  }
0xb5: {  	v21 =	vld [tilespmem:$0x100A0]  }
0xb6: {  	v22 =	vld [tilespmem:$0x10030]  }
0xb7: {  	v23 =	vld [tilespmem:$0x100B0]  }
0xb8: {  	v24 =	vld [tilespmem:$0x10040]  }
0xb9: {  	v25 =	vld [tilespmem:$0x100C0]  }
0xba: {  	v26 =	vld [tilespmem:$0x10050]  }
0xbb: {  	v27 =	vld [tilespmem:$0x0]  }
0xbc: {  	v28 =	vld [tilespmem:$0x10]  }
0xbd: {  	v29 =	vld [tilespmem:$0x100D0]  }
0xbe: {  	v30 =	vld [tilespmem:$0x20]  }
0xbf: {  	v43 =	vld [tilespmem:$0x10070];
	v16 =	vadd.f32 v17, v16;
	v17 =	vadd.f32 v19, v18  }
0xc0: {  	v19 =	vadd.f32 v21, v20;
	v20 =	vld [tilespmem:$0x30]  }
0xc1: {  	v18 =	vld [tilespmem:$0x10060];
	v16 =	vadd.f32 v27, v16;
	v17 =	vadd.f32 v28, v17  }
0xc2: {  	v22 =	vadd.f32 v23, v22;
	v23 =	vld [tilespmem:$0x40]  }
0xc3: {  	v21 =	vld [tilespmem:$0x100E0];
	v19 =	vadd.f32 v30, v19;
	v44 =	vmul.f32 v16, v16;
	v45 =	vmul.f32 v17, v17  }
0xc4: {  	v46 =	vld [tilespmem:$0x50];
	v24 =	vadd.f32 v25, v24;
	v31 =	vadd.f32 v17, v16  }
0xc5: {  	v49 =	vld [tilespmem:$0x60];
	v48 =	vmul.f32 v19, v19;
	v20 =	vadd.f32 v20, v22;
	v28 =	vadd.f32 v45, v44  }
0xc6: {  	v26 =	vadd.f32 v29, v26;
	v22 =	vld [tilespmem:$0x100F0];
	v31 =	vadd.f32 v19, v31  }
0xc7: {  	v23 =	vadd.f32 v23, v24;
	v51 =	vmul.f32 v20, v20;
	v50 =	vadd.f32 v48, v28  }
0xc8: {  	v18 =	vadd.f32 v21, v18;
	v21 =	vld [tilespmem:$0x70];
	v53 =	vadd.f32 v20, v31  }
0xc9: {  	v25 =	vadd.f32 v46, v26;
	v54 =	vmul.f32 v23, v23;
	v24 =	vadd.f32 v51, v50  }
0xca: {  	v18 =	vadd.f32 v49, v18;
	v55 =	vadd.f32 v23, v53  }
0xcb: {  	v56 =	vmul.f32 v25, v25;
	v22 =	vadd.f32 v22, v43;
	v24 =	vadd.f32 v54, v24  }
0xcc: {  	v27 =	vadd.f32 v25, v55  }
0xcd: {  	v57 =	vmul.f32 v18, v18;
	v21 =	vadd.f32 v21, v22;
	v22 =	vadd.f32 v56, v24  }
0xce: {  	v58 =	vadd.f32 v18, v27  }
0xcf: {  	v59 =	vmul.f32 v21, v21;
	v22 =	vadd.f32 v57, v22  }
0xd0: {  	v26 =	vadd.f32 v21, v58  }
0xd1: {  	v22 =	vadd.f32 v59, v22  }
0xd2: {  	(xrf2) =	vadd.scan.msk.f32 $0xffff, v26  }
0xd3: {  	(xrf2) =	vadd.scan.msk.f32 $0xffff, v22;
	_ =	sdelay $0x8  }
0xd4: {  	v22, _, _ =	vpop (xrf2)  }
0xd5: {  	(v2sf) =	vpush v22, $0xF;
	v22, _, _ =	vpop (xrf2)  }
0xd6: {  	(v2sf) =	vpush v22, $0xF;
	_ =	sdelay $0xd  }
0xd7: {  	s29 =	spop (v2sf)  }
0xd8: {  	s5 =	smul.f32 $7.812500000e-03, s29;
	s6 =	spop (v2sf)  }
0xd9: {  	s6 =	smul.f32 $7.812500000e-03, s6  }
0xda: {  	s7 =	smul.f32 s5, s5;
	_ =	sdelay $0x1  }
0xdb: {  	s6 =	ssub.f32 s6, s7;
	_ =	sdelay $0x1  }
0xdc: {  	s6 =	sadd.f32 $9.999999960e-13, s6;
	_ =	sdelay $0x1  }
0xdd: {  	s30 =	sshrl.u32 s6, $0x1;
	s6 =	smul.f32 $5.000000000e-01, s6  }
0xde: {  	s7 =	ssub.s32 $0x5F3759DF, s30  }
0xdf: {  	s8 =	smul.f32 s7, s6;
	_ =	sdelay $0x1  }
0xe0: {  	s8 =	smul.f32 s7, s8;
	_ =	sdelay $0x1  }
0xe1: {  	s8 =	ssub.f32 $1.500000000e+00, s8;
	_ =	sdelay $0x1  }
0xe2: {  	s7 =	smul.f32 s7, s8;
	_ =	sdelay $0x1  }
0xe3: {  	s8 =	smul.f32 s7, s6;
	_ =	sdelay $0x1  }
0xe4: {  	s8 =	smul.f32 s8, s7;
	_ =	sdelay $0x1  }
0xe5: {  	s8 =	ssub.f32 $1.500000000e+00, s8;
	_ =	sdelay $0x1  }
0xe6: {  	s7 =	smul.f32 s8, s7;
	_ =	sdelay $0x1  }
0xe7: {  	s6 =	smul.f32 s7, s6;
	_ =	sdelay $0x1  }
0xe8: {  	s6 =	smul.f32 s6, s7;
	_ =	sdelay $0x1  }
0xe9: {  	s6 =	ssub.f32 $1.500000000e+00, s6  }
0xea: {  	v22 =	vmov s5  }
0xeb: {  	v0 =	vld [tilespmem:$0x1FFD0];
	v16 =	vsub.f32 v16, v22;
	s31 =	smul.f32 s6, s7  }
0xec: {  	v17 =	vsub.f32 v17, v22;
	v19 =	vsub.f32 v19, v22  }
0xed: {  	v20 =	vsub.f32 v20, v22;
	v23 =	vsub.f32 v23, v22;
	v16 =	vmul.f32 s31, v16  }
0xee: {  	v17 =	vmul.f32 s31, v17;
	v19 =	vmul.f32 s31, v19  }
0xef: {  	v20 =	vmul.f32 s31, v20;
	v23 =	vmul.f32 s31, v23  }
0xf0: {  	v62 =	vsub.f32 v18, v22;
	v16 =	vmul.f32 v16, v52;
	v17 =	vmul.f32 v17, v0  }
0xf1: {  	v61 =	vsub.f32 v25, v22;
	v19 =	vmul.f32 v19, v13;
	v20 =	vmul.f32 v20, v32;
	v0 =	vld [tilespmem:$0x1FFE0]  }
0xf2: {  	v21 =	vsub.f32 v21, v22;
	v22 =	vmul.f32 v23, v9;
	v23 =	vmul.f32 s31, v62  }
0xf3: {  	v16 =	vadd.f32 v16, v15;
	v18 =	vadd.f32 v19, v5  }
0xf4: {  	v19 =	vadd.f32 v20, v3;
	v20 =	vadd.f32 v22, v2;
	v22 =	vmul.f32 v23, v11  }
0xf5: {  	v24 =	vmul.f32 s31, v61;
	v17 =	vadd.f32 v17, v47  }
0xf6: {  	[tilespmem:$0x8000] =	vst v16;
	v22 =	vadd.f32 v22, v0;
	v0 =	vld [tilespmem:$0x1FFF0]  }
0xf7: {  	v63 =	vmul.f32 s31, v21;
	v24 =	vmul.f32 v24, v60;
	[tilespmem:$0x8010] =	vst v17  }
0xf8: {  	[tilespmem:$0x8020] =	vst v18  }
0xf9: {  	v21 =	vadd.f32 v24, v10;
	v23 =	vmul.f32 v63, v1;
	[tilespmem:$0x8030] =	vst v19  }
0xfa: {  	[tilespmem:$0x8040] =	vst v20  }
0xfb: {  	[tilespmem:$0x8050] =	vst v21;
	v23 =	vadd.f32 v23, v0  }
0xfc: {  	[tilespmem:$0x8060] =	vst v22  }
0xfd: {  	s5 =	simm.s32 $0x0;
	s6 =	simm.s32 $0x200;
	[tilespmem:$0x8070] =	vst v23  }
.LBB2_7:
0xfe: {  	p3 =	sne.s32 s6, $0x1FC00;
	[tilespmem:s5+$0x80F0] =	vst v23  }
0xff: {  	[tilespmem:s5+$0x8080] =	vst v16  }
0x100: {  	[tilespmem:s5+$0x8090] =	vst v17  }
.Ltmp5:
0x101: {  	[tilespmem:s5+$0x80A0] =	vst v18;
	(pc) =	sbr.rel @p3 .LBB2_7-.Ltmp5, $4  }
0x102: {  	[tilespmem:s5+$0x80B0] =	vst v19  }
0x103: {  	[tilespmem:s5+$0x80C0] =	vst v20  }
0x104: {  	[tilespmem:s5+$0x80D0] =	vst v21  }
0x105: {  	[tilespmem:s5+$0x80E0] =	vst v22;
	s5 =	sshra.s32 s6, $0x2;
	s6 =	sadd.s32 $0x200, s6  }
0x106: {  	[tilespmem:s5+$0x80F0] =	vst v23  }
0x107: {  	[tilespmem:s5+$0x8080] =	vst v16  }
0x108: {  	[tilespmem:s5+$0x8090] =	vst v17  }
0x109: {  	[tilespmem:s5+$0x80A0] =	vst v18  }
0x10a: {  	[tilespmem:s5+$0x80B0] =	vst v19  }
0x10b: {  	[tilespmem:s5+$0x80C0] =	vst v20  }
0x10c: {  	[tilespmem:s5+$0x80D0] =	vst v21  }
0x10d: {  	[tilespmem:s5+$0x80E0] =	vst v22;
	s0 =	rddreg [dreg:$0xc]  }
0x10e: {  	[hbm4b:s0+s12] =	stream.linear.scatter [tilespmem:s26], [sflag:$0x1], $0x8000, $0x38;
	[tilespmem:$0x10200] =	vst v63  }
0x10f: {  	_ =	swait.ge [sflag:s22], $0x8000  }
0x110: {  	[sflag:s22] =	ssyncset.done $0x0  }
0x111: {  	[sflag:s22] =	ssyncadd.s32 $0xFFFF8000  }
.LBB2_9:
0x112: {  	[tilespmem:$0x1FF70] =	vst v47  }
.Ltmp6:
0x113: {  	[tilespmem:$0x1FF90] =	vst v9;
	(pc) =	sbr.rel .LBB2_10-.Ltmp6, $4  }
0x114: {  	[tilespmem:$0x1FFB0] =	vst v60  }
0x115: {  	[tilespmem:$0x1FFC0] =	vst v15  }
0x116: {  	[tilespmem:$0x1FFA0] =	vst v2  }
0x117: {  	s30 =	simm.s32 $0x0;
	[tilespmem:$0x1FF80] =	vst v10  }
.LBB2_14:
0x118: {  	s30 =	sadd.s32 $0x1, s30  }
0x119: {  	p3 =	sne.s32 s30, $0x7  }
.Ltmp7:
0x11a: {  	_ = 	snop;
	(pc) =	sbr.rel @!p3 .LBB2_15-.Ltmp7, $1  }
0x11b: {  	_ =	sdelay $0x3  }
.LBB2_10:
0x11c: {  	s5 =	sshll.u32 s30, $0x5  }
0x11d: {  	s5 =	sor.u32 s13, s5  }
0x11e: {  	p3 =	sgt.u32 s5, $0xC3  }
.Ltmp8:
0x11f: {  	_ = 	snop;
	(pc) =	sbr.rel @p3 .LBB2_14-.Ltmp8, $1  }
0x120: {  	_ =	sdelay $0x3  }
0x121: {  	p3 =	seq.s32 s5, $0x0  }
0x122: {  	p3 =	por !p2, !p3  }
0x123: {  	s6 =	simm.s32 $0x1;
	p3 =	por !p3, !p3  }
0x124: {  	s21 =	sshrl.u32 s5, $0x2;
	s6 =	simm.s32 @!p3 $0x0  }
0x125: {  	s5 =	ssub.s32 s21, s6  }
0x126: {  	s6 =	sshll.u32 s5, $0x11  }
0x127: {  	s6 =	sor.u32 s17, s6  }
0x128: {  	s0 =	rddreg [dreg:$0x0];
	s6 =	sshrl.u32 s6, $0x3  }
0x129: {  	s7 =	simm.s32 $0x0;
	s6 =	sadd.s32 s0, s6  }
0x12a: {  	[tilespmem:s7], [sflag:$0x2] =	stream.linear.gather [hbm4b:s6+s7], $0x8000, $0x38;
	[tilespmem:$0x10200] =	vst v63  }
0x12b: {  	s31 =	sadd.s32 $0x1, s5;
	_ =	swait.ge [sflag:s28], $0x8000  }
0x12c: {  	s5 =	sshll.u32 s31, $0x4;
	[sflag:s28] =	ssyncset.done $0x0  }
0x12d: {  	s5 =	sadd.s32 s2, s5;
	[sflag:s28] =	ssyncadd.s32 $0xFFFF8000  }
0x12e: {  	[tilespmem:s24], [sflag:$0x2] =	stream.linear.gather [hbm4b:s5+s7], $0x80, $0x38;
	[tilespmem:$0x10200] =	vst v63  }
0x12f: {  	_ =	swait.ge [sflag:s28], $0x80  }
0x130: {  	[sflag:s28] =	ssyncset.done $0x0  }
0x131: {  	[sflag:s28] =	ssyncadd.s32 $0xFFFFFF80  }
0x132: {  	[tilespmem:s25], [sflag:$0x2] =	stream.linear.gather [hbm4b:s4+s7], $0x80, $0x38;
	[tilespmem:$0x10200] =	vst v63  }
0x133: {  	_ =	swait.ge [sflag:s28], $0x80  }
0x134: {  	[sflag:s28] =	ssyncset.done $0x0  }
0x135: {  	[sflag:s28] =	ssyncadd.s32 $0xFFFFFF80  }
0x136: {  	v16 =	vld [tilespmem:$0x10000]  }
0x137: {  	v17 =	vld [tilespmem:$0x10080]  }
0x138: {  	v18 =	vld [tilespmem:$0x10010]  }
0x139: {  	v19 =	vld [tilespmem:$0x10090]  }
0x13a: {  	v20 =	vld [tilespmem:$0x10020]  }
0x13b: {  	v21 =	vld [tilespmem:$0x100A0]  }
0x13c: {  	v22 =	vld [tilespmem:$0x10030]  }
0x13d: {  	v23 =	vld [tilespmem:$0x100B0]  }
0x13e: {  	v24 =	vld [tilespmem:$0x10040]  }
0x13f: {  	v25 =	vld [tilespmem:$0x100C0]  }
0x140: {  	s6 =	simm.s32 $0x0;
	v26 =	vld [tilespmem:$0x10050]  }
0x141: {  	v27 =	vld [tilespmem:s6+$0x0]  }
0x142: {  	v28 =	vld [tilespmem:s6+$0x10]  }
0x143: {  	v30 =	vld [tilespmem:$0x100D0]  }
0x144: {  	v29 =	vld [tilespmem:s6+$0x20]  }
0x145: {  	v50 =	vld [tilespmem:$0x10060];
	v14 =	vadd.f32 v17, v16;
	v18 =	vadd.f32 v19, v18  }
0x146: {  	v19 =	vadd.f32 v21, v20;
	v21 =	vld [tilespmem:s6+$0x30]  }
0x147: {  	v34 =	vld [tilespmem:$0x100E0];
	v36 =	vadd.f32 v27, v14;
	v31 =	vadd.f32 v28, v18  }
0x148: {  	v7 =	vadd.f32 v23, v22;
	v22 =	vld [tilespmem:s6+$0x40]  }
0x149: {  	v23 =	vld [tilespmem:$0x10070];
	v29 =	vadd.f32 v29, v19;
	v27 =	vmul.f32 v36, v36;
	v28 =	vmul.f32 v31, v31  }
0x14a: {  	v53 =	vadd.f32 v25, v24;
	v24 =	vld [tilespmem:s6+$0x50]  }
0x14b: {  	v25 =	vld [tilespmem:$0x100F0];
	v37 =	vmul.f32 v29, v29;
	v35 =	vadd.f32 v21, v7;
	v27 =	vadd.f32 v28, v27  }
0x14c: {  	v12 =	vadd.f32 v30, v26;
	v26 =	vadd.f32 v31, v36;
	v28 =	vld [tilespmem:s6+$0x60]  }
0x14d: {  	v33 =	vadd.f32 v22, v53;
	v30 =	vmul.f32 v35, v35;
	v27 =	vadd.f32 v37, v27  }
0x14e: {  	v56 =	vld [tilespmem:s6+$0x70];
	v4 =	vadd.f32 v34, v50;
	v26 =	vadd.f32 v29, v26  }
0x14f: {  	v37 =	vadd.f32 v24, v12;
	v24 =	vadd.f32 v30, v27;
	v27 =	vmul.f32 v33, v33  }
0x150: {  	v0 =	vadd.f32 v25, v23;
	v25 =	vadd.f32 v35, v26  }
0x151: {  	v26 =	vmul.f32 v37, v37;
	v41 =	vadd.f32 v28, v4;
	v24 =	vadd.f32 v27, v24  }
0x152: {  	v25 =	vadd.f32 v33, v25  }
0x153: {  	v43 =	vadd.f32 v56, v0;
	v27 =	vmul.f32 v41, v41;
	v24 =	vadd.f32 v26, v24  }
0x154: {  	v25 =	vadd.f32 v37, v25  }
0x155: {  	s8 =	simm.s32 $0x80;
	v26 =	vmul.f32 v43, v43;
	v24 =	vadd.f32 v27, v24  }
0x156: {  	v28 =	vld [tilespmem:s8+$0x10];
	v25 =	vadd.f32 v41, v25  }
0x157: {  	v27 =	vld [tilespmem:s8+$0x0];
	v24 =	vadd.f32 v26, v24  }
0x158: {  	v25 =	vadd.f32 v43, v25  }
0x159: {  	v26 =	vld [tilespmem:s8+$0x20];
	(xrf2) =	vadd.scan.msk.f32 $0xffff, v24  }
0x15a: {  	(xrf2) =	vadd.scan.msk.f32 $0xffff, v25  }
0x15b: {  	v24 =	vld [tilespmem:s8+$0x30]  }
0x15c: {  	v38 =	vadd.f32 v28, v18;
	v8 =	vadd.f32 v27, v14  }
0x15d: {  	v25 =	vld [tilespmem:s8+$0x40]  }
0x15e: {  	v28 =	vmul.f32 v38, v38;
	v27 =	vld [tilespmem:s8+$0x50];
	v6 =	vadd.f32 v26, v19;
	v26 =	vmul.f32 v8, v8  }
0x15f: {  	v30 =	vld [tilespmem:s8+$0x60]  }
0x160: {  	v16 =	vadd.f32 v24, v7;
	v24 =	vmul.f32 v6, v6;
	v26 =	vadd.f32 v28, v26  }
0x161: {  	v28 =	vadd.f32 v38, v8  }
0x162: {  	v44 =	vadd.f32 v25, v53;
	v24 =	vadd.f32 v24, v26;
	v25 =	vmul.f32 v16, v16  }
0x163: {  	v50 =	vadd.f32 v27, v12;
	v26 =	vadd.f32 v6, v28;
	v28 =	vld [tilespmem:s8+$0x70];
	v27, _, _ =	vpop (xrf2)  }
0x164: {  	v46 =	vadd.f32 v30, v4;
	v24 =	vadd.f32 v25, v24;
	v25 =	vmul.f32 v44, v44;
	v30, _, _ =	vpop (xrf2)  }
0x165: {  	v26 =	vadd.f32 v16, v26;
	(v2sf) =	vpush v30, $0xF  }
0x166: {  	v24 =	vadd.f32 v25, v24;
	v25 =	vmul.f32 v50, v50;
	(v2sf) =	vpush v27, $0xF  }
0x167: {  	v26 =	vadd.f32 v44, v26  }
0x168: {  	v48 =	vadd.f32 v28, v0;
	v27 =	vmul.f32 v46, v46;
	v24 =	vadd.f32 v25, v24  }
0x169: {  	v25 =	vadd.f32 v50, v26  }
0x16a: {  	v26 =	vmul.f32 v48, v48;
	v24 =	vadd.f32 v27, v24  }
0x16b: {  	s5 =	simm.s32 $0x100;
	v25 =	vadd.f32 v46, v25  }
0x16c: {  	v28 =	vld [tilespmem:s5+$0x10];
	v24 =	vadd.f32 v26, v24  }
0x16d: {  	v27 =	vld [tilespmem:s5+$0x0];
	v25 =	vadd.f32 v48, v25  }
0x16e: {  	(xrf2) =	vadd.scan.msk.f32 $0xffff, v24  }
0x16f: {  	v24 =	vld [tilespmem:s5+$0x20];
	(xrf2) =	vadd.scan.msk.f32 $0xffff, v25;
	_ =	sdelay $0x1  }
0x170: {  	v25 =	vld [tilespmem:s5+$0x30]  }
0x171: {  	v57 =	vadd.f32 v28, v18;
	v26 =	vadd.f32 v27, v14  }
0x172: {  	v27 =	vld [tilespmem:s5+$0x40]  }
0x173: {  	v30 =	vld [tilespmem:s5+$0x50];
	v58 =	vmul.f32 v57, v57;
	v28 =	vmul.f32 v26, v26;
	v24 =	vadd.f32 v24, v19;
	s23 =	spop (v2sf)  }
0x174: {  	v59 =	vadd.f32 v57, v26;
	s9 =	spop (v2sf);
	s10 =	smul.f32 $7.812500000e-03, s23  }
0x175: {  	v39 =	vld [tilespmem:s5+$0x60];
	v28 =	vadd.f32 v58, v28;
	v40 =	vadd.f32 v25, v7;
	v25 =	vmul.f32 v24, v24;
	s29 =	smul.f32 $7.812500000e-03, s9  }
0x176: {  	v17 =	vmov v32;
	v34 =	vadd.f32 v24, v59;
	s0 =	smul.f32 s10, s10  }
0x177: {  	v32 =	vadd.f32 v27, v53;
	v27 =	vld [tilespmem:s5+$0x70];
	v25 =	vadd.f32 v25, v28;
	v28 =	vmul.f32 v40, v40;
	v42, _, _ =	vpop (xrf2)  }
0x178: {  	v30 =	vadd.f32 v30, v12;
	v61 =	vadd.f32 v40, v34;
	v45, _, _ =	vpop (xrf2);
	s7 =	ssub.f32 s29, s0  }
0x179: {  	v25 =	vadd.f32 v28, v25;
	v28 =	vmul.f32 v32, v32;
	(v2sf) =	vpush v45, $0xF  }
0x17a: {  	[tilespmem:$0x1FF30] =	vst v6;
	v34 =	vadd.f32 v39, v4;
	(v2sf) =	vpush v42, $0xF;
	s9 =	sadd.f32 $9.999999960e-13, s7  }
0x17b: {  	v6 =	vmovc v0;
	v25 =	vadd.f32 v28, v25;
	v28 =	vmul.f32 v30, v30;
	v42 =	vadd.f32 v32, v61;
	s7 =	simm.s32 $0x180  }
0x17c: {  	v39 =	vadd.f32 v27, v6;
	v27 =	vld [tilespmem:s7+$0x0];
	s14 =	sshrl.u32 s9, $0x1;
	s9 =	smul.f32 $5.000000000e-01, s9  }
0x17d: {  	v62 =	vmul.f32 v34, v34;
	v25 =	vadd.f32 v28, v25;
	v28 =	vadd.f32 v30, v42;
	v63 =	vld [tilespmem:s7+$0x10];
	s14 =	ssub.s32 $0x5F3759DF, s14  }
0x17e: {  	s16 =	smul.f32 s14, s9  }
0x17f: {  	v49 =	vmul.f32 v39, v39;
	v0 =	vld [tilespmem:s7+$0x20];
	v25 =	vadd.f32 v62, v25;
	v28 =	vadd.f32 v34, v28  }
0x180: {  	s16 =	smul.f32 s14, s16  }
0x181: {  	v51 =	vld [tilespmem:s7+$0x30];
	v49 =	vadd.f32 v49, v25;
	v55 =	vadd.f32 v39, v28  }
0x182: {  	v54 =	vld [tilespmem:s7+$0x40];
	v25 =	vadd.f32 v27, v14;
	v28 =	vadd.f32 v63, v18;
	s16 =	ssub.f32 $1.500000000e+00, s16  }
0x183: {  	[tilespmem:$0x1FF60] =	vst v57;
	v56 =	vmov s10  }
0x184: {  	(xrf2) =	vadd.scan.msk.f32 $0xffff, v49;
	v27 =	vadd.f32 v0, v19;
	v61 =	vmul.f32 v25, v25;
	v57 =	vmul.f32 v28, v28;
	s1 =	smul.f32 s14, s16  }
0x185: {  	v58 =	vsub.f32 v33, v56;
	v62 =	vsub.f32 v31, v56;
	v31 =	vld [tilespmem:s7+$0x50];
	(xrf2) =	vadd.scan.msk.f32 $0xffff, v55  }
0x186: {  	v42 =	vadd.f32 v51, v7;
	v63 =	vmul.f32 v27, v27;
	v45 =	vadd.f32 v57, v61;
	s14 =	smul.f32 s1, s9  }
0x187: {  	v59 =	vld [tilespmem:s7+$0x60];
	v33 =	vadd.f32 v54, v53;
	v0 =	vadd.f32 v28, v25  }
0x188: {  	v51 =	vsub.f32 v41, v56;
	v47 =	vmul.f32 v42, v42;
	v45 =	vadd.f32 v63, v45;
	s14 =	smul.f32 s14, s1  }
0x189: {  	v57 =	vsub.f32 v43, v56;
	v54 =	vadd.f32 v27, v0;
	v43 =	vld [tilespmem:s7+$0x70]  }
0x18a: {  	v31 =	vadd.f32 v31, v12;
	v55 =	vmul.f32 v33, v33;
	s11 =	spop (v2sf);
	v45 =	vadd.f32 v47, v45;
	s14 =	ssub.f32 $1.500000000e+00, s14  }
0x18b: {  	v0 =	vmov v60;
	v60 =	vsub.f32 v37, v56;
	v41 =	vadd.f32 v42, v54;
	s16 =	smul.f32 $7.812500000e-03, s11  }
0x18c: {  	v37 =	vadd.f32 v59, v4;
	s21 =	spop (v2sf);
	v47 =	vmul.f32 v31, v31;
	v45 =	vadd.f32 v55, v45;
	s14 =	smul.f32 s14, s1  }
0x18d: {  	v20 =	vmov v6;
	s21 =	smul.f32 $7.812500000e-03, s21;
	v61 =	vadd.f32 v33, v41  }
0x18e: {  	v41 =	vadd.f32 v43, v20;
	v54, _, _ =	vpop (xrf2);
	v55 =	vmul.f32 v37, v37;
	v45 =	vadd.f32 v47, v45;
	s23 =	smul.f32 s14, s9;
	s9 =	simm.s32 $0x200  }
0x18f: {  	[tilespmem:$0x1FF40] =	vst v62;
	v59 =	vsub.f32 v36, v56;
	s19 =	smul.f32 s16, s16;
	v61 =	vadd.f32 v31, v61;
	v62, _, _ =	vpop (xrf2);
	v49 =	vld [tilespmem:s9+$0x0]  }
0x190: {  	(v2sf) =	vpush v62, $0xF;
	v47 =	vmul.f32 v41, v41;
	v43 =	vadd.f32 v55, v45;
	v62 =	vld [tilespmem:s9+$0x10];
	s29 =	smul.f32 s23, s14  }
0x191: {  	[tilespmem:$0x1FF20] =	vst v16;
	v16 =	vmov v52;
	v63 =	vsub.f32 v35, v56;
	s10 =	ssub.f32 s21, s19;
	v52 =	vadd.f32 v37, v61  }
0x192: {  	v56 =	vsub.f32 v29, v56;
	v29 =	vadd.f32 v47, v43;
	v47 =	vld [tilespmem:s9+$0x20];
	s21 =	ssub.f32 $1.500000000e+00, s29  }
0x193: {  	v61 =	vmov s16;
	(v2sf) =	vpush v54, $0xF;
	v35 =	vadd.f32 v41, v52;
	v52 =	vld [tilespmem:s9+$0x30]  }
0x194: {  	v45 =	vsub.f32 v44, v61;
	v43 =	vsub.f32 v38, v61;
	s21 =	smul.f32 s21, s14  }
0x195: {  	[tilespmem:$0x1FF10] =	vst v8;
	s10 =	sadd.f32 $9.999999960e-13, s10;
	v36 =	vadd.f32 v49, v14;
	v38 =	vadd.f32 v62, v18  }
0x196: {  	v8 =	vmovc v13;
	[tilespmem:$0x1FF50] =	vst v6;
	v44 =	vsub.f32 v48, v61;
	v55 =	vmul.f32 s21, v58;
	v49 =	vmul.f32 s21, v51;
	v51 =	vld [tilespmem:s9+$0x40]  }
0x197: {  	v13 =	vld [tilespmem:$0x1FFE0];
	s0 =	sshrl.u32 s10, $0x1;
	s10 =	smul.f32 $5.000000000e-01, s10;
	(xrf2) =	vadd.scan.msk.f32 $0xffff, v29;
	v29 =	vadd.f32 v47, v19;
	v54 =	vmul.f32 v36, v36;
	v62 =	vmul.f32 v38, v38  }
0x198: {  	v48 =	vld [tilespmem:s9+$0x50];
	s16 =	ssub.s32 $0x5F3759DF, s0;
	(xrf2) =	vadd.scan.msk.f32 $0xffff, v35;
	v35 =	vadd.f32 v52, v7;
	v47 =	vsub.f32 v50, v61;
	v60 =	vmul.f32 s21, v60  }
0x199: {  	v6 =	vmovc v11;
	s1 =	smul.f32 s16, s10;
	v50 =	vmul.f32 v55, v9;
	v52 =	vadd.f32 v62, v54;
	v55 =	vmul.f32 v29, v29  }
0x19a: {  	v62 =	vmul.f32 v49, v6;
	v60 =	vmul.f32 v60, v0  }
0x19b: {  	v11 =	vmovc v2;
	s14 =	smul.f32 s16, s1;
	v0 =	vmul.f32 v35, v35;
	v49 =	vadd.f32 v51, v53;
	v51 =	vadd.f32 v55, v52;
	v52 =	vld [tilespmem:$0x1FF20]  }
0x19c: {  	v23 =	vmov v18;
	v50 =	vadd.f32 v50, v11;
	v58 =	vadd.f32 v62, v13;
	v62 =	vld [tilespmem:$0x1FF30]  }
0x19d: {  	v15 =	vld [tilespmem:$0x1FFF0];
	v18 =	vmovc v53;
	v48 =	vadd.f32 v48, v12;
	s14 =	ssub.f32 $1.500000000e+00, s14;
	v54 =	vadd.f32 v0, v51;
	v53 =	vmul.f32 v49, v49  }
0x19e: {  	v2 =	vld [tilespmem:$0x1FFD0];
	v57 =	vmul.f32 s21, v57;
	v60 =	vadd.f32 v60, v10;
	[tilespmem:s6+$0x8040] =	vst v50  }
0x19f: {  	v22 =	vmovc v14;
	v21 =	vmovc v12;
	v59 =	vmul.f32 s21, v59;
	s14 =	smul.f32 s16, s14;
	v55 =	vld [tilespmem:s9+$0x60];
	v53 =	vadd.f32 v53, v54;
	v54 =	vmul.f32 v48, v48  }
0x1a0: {  	v20 =	vmovc v17;
	v12 =	vmovc v1;
	v1 =	vmul.f32 v57, v1;
	v57 =	vmul.f32 s21, v63;
	v51 =	vld [tilespmem:$0x1FF10];
	v50 =	vsub.f32 v52, v61  }
0x1a1: {  	v14 =	vmov v6;
	s16 =	smul.f32 s14, s10;
	v6, _, _ =	vpop (xrf2);
	[tilespmem:s6+$0x8060] =	vst v58;
	v52 =	vsub.f32 v62, v61;
	v62 =	vadd.f32 v54, v53;
	v54 =	vld [tilespmem:$0x1FF40]  }
0x1a2: {  	[tilespmem:s6+$0x8050] =	vst v60;
	v58 =	vmul.f32 v59, v16;
	v59 =	vmul.f32 v57, v20;
	v57 =	vld [tilespmem:$0x1FF50];
	v60, _, _ =	vpop (xrf2)  }
0x1a3: {  	s11 =	spop (v2sf);
	s16 =	smul.f32 s16, s14;
	(v2sf) =	vpush v60, $0xF;
	v60 =	vld [tilespmem:s9+$0x70]  }
0x1a4: {  	v46 =	vsub.f32 v46, v61;
	v0 =	vadd.f32 v38, v36  }
0x1a5: {  	v56 =	vmul.f32 s21, v56;
	v63 =	vadd.f32 v1, v15;
	s16 =	ssub.f32 $1.500000000e+00, s16;
	v53 =	vadd.f32 v55, v4  }
0x1a6: {  	s29 =	smul.f32 $7.812500000e-03, s11;
	v51 =	vsub.f32 v51, v61;
	v61 =	vadd.f32 v29, v0;
	v54 =	vmul.f32 s21, v54  }
0x1a7: {  	v17 =	vmov v19;
	v56 =	vmul.f32 v56, v8;
	s19 =	spop (v2sf);
	[tilespmem:s6+$0x8070] =	vst v63;
	s23 =	smul.f32 s16, s14;
	v1 =	vmul.f32 v53, v53  }
0x1a8: {  	s19 =	smul.f32 $7.812500000e-03, s19;
	v63 =	vld [tilespmem:$0x1FF60];
	v19 =	vmovc v57;
	v55 =	vadd.f32 v60, v57;
	v57 =	vmul.f32 v54, v2;
	v54 =	vadd.f32 v35, v61  }
0x1a9: {  	s10 =	smul.f32 s23, s10;
	v61 =	vadd.f32 v59, v3;
	v59 =	vadd.f32 v1, v62;
	v62 =	vld [tilespmem:$0x1FFC0]  }
0x1aa: {  	v56 =	vadd.f32 v56, v5;
	s21 =	smul.f32 s29, s29  }
0x1ab: {  	v9 =	vmov v7;
	v7 =	vmov v2;
	s16 =	smul.f32 s10, s23  }
0x1ac: {  	v10 =	vmovc v8;
	v13 =	vmovc v15;
	v11 =	vmov v4;
	v15 =	vmov v16;
	v8 =	vmov v3;
	[tilespmem:s6+$0x8020] =	vst v56;
	s14 =	ssub.f32 s19, s21  }
0x1ad: {  	v16 =	vmovc v20;
	v20 =	vmovc v5;
	v56 =	vmov s29;
	(v2sf) =	vpush v6, $0xF;
	s16 =	ssub.f32 $1.500000000e+00, s16;
	[tilespmem:s6+$0x8030] =	vst v61;
	v61 =	vadd.f32 v49, v54  }
0x1ae: {  	s10 =	simm.s32 $0xA00;
	v60 =	vmul.f32 v55, v55;
	s21 =	sadd.f32 $9.999999960e-13, s14;
	v54 =	vsub.f32 v63, v56;
	v6 =	vmovc v62;
	v58 =	vadd.f32 v58, v62  }
.LBB2_12:
0x1af: {  	v3 =	vadd.f32 v48, v61  }
0x1b0: {  	v61 =	vsub.f32 v34, v56;
	v34 =	vmov v37;
	v37 =	vmov v53  }
0x1b1: {  	v63 =	vsub.f32 v39, v56;
	[tilespmem:s6+$0x8000] =	vst v58;
	s23 =	smul.f32 s16, s23;
	v58 =	vadd.f32 v37, v3  }
0x1b2: {  	v39 =	vmovc v41;
	v41 =	vmovc v55;
	v55 =	vmov v43;
	v43 =	vmov v54;
	v54 =	vadd.f32 v60, v59  }
0x1b3: {  	v1 =	vmul.f32 s23, v46;
	v46 =	vmov v61;
	v61 =	vld [tilespmem:$0x1FF90];
	v58 =	vadd.f32 v41, v58  }
0x1b4: {  	v0 =	vld [tilespmem:$0x1FF70];
	(xrf2) =	vadd.scan.msk.f32 $0xffff, v54  }
0x1b5: {  	s19 =	sshra.s32 s10, $0x2;
	s29 =	sshrl.u32 s21, $0x1;
	s21 =	smul.f32 $5.000000000e-01, s21;
	(xrf2) =	vadd.scan.msk.f32 $0xffff, v58;
	v58 =	vld [tilespmem:$0x1FFA0]  }
0x1b6: {  	v62 =	vsub.f32 v32, v56;
	v32 =	vmovc v33;
	v33 =	vmov v49;
	v49 =	vld [tilespmem:s19+$0x0];
	s29 =	ssub.s32 $0x5F3759DF, s29;
	v60 =	vmul.f32 s23, v45  }
0x1b7: {  	v53 =	vld [tilespmem:s19+$0x10];
	s1 =	smul.f32 s29, s21  }
0x1b8: {  	s14 =	smov.u32 s10;
	v59 =	vsub.f32 v30, v56;
	v30 =	vmovc v31;
	v31 =	vmov v48;
	v48 =	vld [tilespmem:s19+$0x20];
	v60 =	vmul.f32 v60, v61  }
0x1b9: {  	p3 =	sne.s32 s10, $0x1FE00;
	s14 =	sadd.s32 $0x200, s10;
	v3 =	vld [tilespmem:$0x1FFE0];
	v57 =	vadd.f32 v57, v0;
	s10 =	smul.f32 s29, s1  }
0x1ba: {  	v45 =	vmov v62;
	v58 =	vadd.f32 v60, v58;
	v60 =	vld [tilespmem:$0x1FFB0]  }
0x1bb: {  	v54 =	vsub.f32 v26, v56;
	v62 =	vsub.f32 v40, v56;
	v40 =	vld [tilespmem:s19+$0x30];
	[tilespmem:s6+$0x8010] =	vst v57;
	s10 =	ssub.f32 $1.500000000e+00, s10;
	v57 =	vmul.f32 v1, v14  }
0x1bc: {  	v4 =	vld [tilespmem:$0x1FF80];
	s6 =	smov.u32 s8;
	s8 =	smov.u32 s5;
	s5 =	smov.u32 s7;
	v61 =	vmul.f32 s23, v47;
	v47 =	vmovc v59;
	v59 =	vmul.f32 s23, v44;
	v44 =	vmovc v63;
	v63 =	vadd.f32 v53, v23  }
0x1bd: {  	v26 =	vmovc v25;
	v5 =	vmul.f32 s23, v52;
	v52 =	vsub.f32 v24, v56;
	v49 =	vadd.f32 v49, v22;
	s7 =	smov.u32 s9;
	s9 =	smov.u32 s19;
	s10 =	smul.f32 s29, s10  }
0x1be: {  	v25 =	vmovc v36;
	v53 =	vld [tilespmem:s9+$0x40];
	v57 =	vadd.f32 v57, v3;
	v59 =	vmul.f32 v59, v12;
	v2 =	vmul.f32 v63, v63  }
0x1bf: {  	v24 =	vmovc v27;
	v0 =	vld [tilespmem:s9+$0x50];
	s0 =	smul.f32 s10, s21;
	v60 =	vmul.f32 v61, v60;
	v61 =	vadd.f32 v48, v17;
	v48 =	vmul.f32 v49, v49  }
0x1c0: {  	v3 =	vadd.f32 v40, v9;
	v40 =	vmovc v42;
	v42 =	vmul.f32 s23, v50;
	v50 =	vmovc v62;
	v62 =	vadd.f32 v59, v13  }
0x1c1: {  	s11 =	spop (v2sf);
	s19 =	smul.f32 s0, s10;
	[tilespmem:s6+$0x8040] =	vst v58;
	v58 =	vmul.f32 v61, v61;
	v60 =	vadd.f32 v60, v4;
	v2 =	vadd.f32 v2, v48  }
0x1c2: {  	v27 =	vmul.f32 s23, v51;
	v5 =	vmul.f32 v5, v10;
	v36 =	vmovc v49;
	v1 =	vadd.f32 v63, v49;
	s1 =	spop (v2sf);
	v4 =	vld [tilespmem:s9+$0x60];
	[tilespmem:s6+$0x8060] =	vst v57  }
0x1c3: {  	s16 =	smul.f32 $7.812500000e-03, s11;
	s19 =	ssub.f32 $1.500000000e+00, s19;
	v49 =	vadd.f32 v53, v18;
	[tilespmem:s6+$0x8050] =	vst v60;
	v2 =	vadd.f32 v58, v2;
	v60 =	vmul.f32 v3, v3  }
0x1c4: {  	v5 =	vadd.f32 v5, v20;
	v42 =	vmul.f32 v42, v16;
	s29 =	smul.f32 $7.812500000e-03, s1;
	v48 =	vadd.f32 v0, v21;
	v0, _, _ =	vpop (xrf2);
	v56 =	vld [tilespmem:s9+$0x70]  }
0x1c5: {  	v59 =	vmul.f32 v49, v49;
	v58 =	vmul.f32 s23, v55;
	s23 =	smul.f32 s19, s10;
	[tilespmem:s6+$0x8070] =	vst v62;
	v62, _, _ =	vpop (xrf2);
	v2 =	vadd.f32 v60, v2  }
0x1c6: {  	s11 =	smul.f32 s16, s16;
	v1 =	vadd.f32 v61, v1;
	v60 =	vmul.f32 v48, v48;
	(v2sf) =	vpush v62, $0xF  }
0x1c7: {  	s19 =	smul.f32 s23, s21;
	v57 =	vmul.f32 v58, v7;
	v53 =	vadd.f32 v4, v11;
	v2 =	vadd.f32 v59, v2  }
.Ltmp9:
0x1c8: {  	v4 =	vmul.f32 v27, v15;
	(v2sf) =	vpush v0, $0xF;
	v0 =	vadd.f32 v3, v1;
	(pc) =	sbr.rel @p3 .LBB2_12-.Ltmp9, $4  }
0x1c9: {  	s10 =	ssub.f32 s29, s11;
	v55 =	vadd.f32 v56, v19;
	v56 =	vmul.f32 v53, v53;
	v2 =	vadd.f32 v60, v2  }
0x1ca: {  	v51 =	vmovc v54;
	v27 =	vmovc v29;
	v1 =	vadd.f32 v42, v8;
	v29 =	vmov v61;
	s19 =	smul.f32 s19, s23;
	v58 =	vadd.f32 v4, v6  }
0x1cb: {  	[tilespmem:s6+$0x8020] =	vst v5;
	s21 =	sadd.f32 $9.999999960e-13, s10;
	v42 =	vmovc v35;
	v35 =	vmovc v3;
	v61 =	vadd.f32 v49, v0;
	v59 =	vadd.f32 v56, v2;
	v56 =	vmov s16  }
0x1cc: {  	s10 =	smov.u32 s14;
	[tilespmem:s6+$0x8030] =	vst v1;
	v60 =	vmul.f32 v55, v55;
	s16 =	ssub.f32 $1.500000000e+00, s19;
	v54 =	vsub.f32 v28, v56;
	v28 =	vmovc v38;
	v38 =	vmov v63  }
0x1cd: {  	v0 =	vadd.f32 v48, v61;
	_ =	sdelay $0x1  }
0x1ce: {  	v0 =	vadd.f32 v53, v0  }
0x1cf: {  	v1 =	vadd.f32 v60, v59  }
0x1d0: {  	v0 =	vadd.f32 v55, v0  }
0x1d1: {  	(xrf2) =	vadd.scan.msk.f32 $0xffff, v1  }
0x1d2: {  	(xrf2) =	vadd.scan.msk.f32 $0xffff, v0;
	_ =	sdelay $0x4  }
0x1d3: {  	s10 =	sshrl.u32 s21, $0x1;
	s14 =	smul.f32 $5.000000000e-01, s21  }
0x1d4: {  	s10 =	ssub.s32 $0x5F3759DF, s10  }
0x1d5: {  	s19 =	smul.f32 s10, s14;
	_ =	sdelay $0x1  }
0x1d6: {  	s19 =	smul.f32 s10, s19;
	v0, _, _ =	vpop (xrf2)  }
0x1d7: {  	v1, _, _ =	vpop (xrf2)  }
0x1d8: {  	s19 =	ssub.f32 $1.500000000e+00, s19;
	(v2sf) =	vpush v1, $0xF  }
0x1d9: {  	(v2sf) =	vpush v0, $0xF  }
0x1da: {  	s10 =	smul.f32 s10, s19;
	s0 =	spop (v2sf)  }
0x1db: {  	s19 =	smul.f32 $7.812500000e-03, s0  }
0x1dc: {  	s21 =	smul.f32 s10, s14;
	s29 =	spop (v2sf)  }
0x1dd: {  	s29 =	smul.f32 $7.812500000e-03, s29  }
0x1de: {  	s0 =	smul.f32 s19, s19  }
0x1df: {  	s21 =	smul.f32 s21, s10  }
0x1e0: {  	s0 =	ssub.f32 s29, s0  }
0x1e1: {  	s21 =	ssub.f32 $1.500000000e+00, s21  }
0x1e2: {  	s16 =	smul.f32 s16, s23;
	s0 =	sadd.f32 $9.999999960e-13, s0  }
0x1e3: {  	s21 =	smul.f32 s21, s10  }
0x1e4: {  	s1 =	sshrl.u32 s0, $0x1;
	s23 =	smul.f32 $5.000000000e-01, s0  }
0x1e5: {  	s0 =	smul.f32 s21, s14;
	s14 =	ssub.s32 $0x5F3759DF, s1  }
0x1e6: {  	s29 =	smul.f32 s14, s23  }
0x1e7: {  	s0 =	smul.f32 s0, s21;
	s11 =	spop (v2sf)  }
0x1e8: {  	s1 =	spop (v2sf);
	s10 =	smul.f32 $7.812500000e-03, s11  }
0x1e9: {  	v59 =	vld [tilespmem:$0x1FF70];
	s1 =	smul.f32 $7.812500000e-03, s1  }
0x1ea: {  	v4 =	vmul.f32 s16, v45;
	v5 =	vmul.f32 s16, v46;
	s11 =	smul.f32 s10, s10  }
0x1eb: {  	v2 =	vsub.f32 v34, v56;
	v17 =	vmul.f32 s16, v47;
	v22 =	vmul.f32 s16, v44;
	v44 =	vld [tilespmem:$0x1FF90];
	s29 =	smul.f32 s14, s29;
	s0 =	ssub.f32 $1.500000000e+00, s0  }
0x1ec: {  	v3 =	vsub.f32 v30, v56;
	v60 =	vld [tilespmem:$0x1FFB0];
	v9 =	vmul.f32 s16, v52;
	v62 =	vmul.f32 s16, v50;
	s1 =	ssub.f32 s1, s11  }
0x1ed: {  	v24 =	vsub.f32 v24, v56;
	v45 =	vld [tilespmem:$0x1FFA0];
	v23 =	vmul.f32 s16, v51;
	v63 =	vmul.f32 s16, v43;
	s11 =	ssub.f32 $1.500000000e+00, s29  }
0x1ee: {  	v18 =	vmul.f32 v22, v12;
	v46 =	vadd.f32 v57, v59;
	v57 =	vsub.f32 v40, v56;
	v40 =	vld [tilespmem:$0x1FF80];
	s0 =	smul.f32 s0, s21;
	s1 =	sadd.f32 $9.999999960e-13, s1  }
0x1ef: {  	v47 =	vsub.f32 v26, v56;
	v9 =	vmul.f32 v9, v10;
	v22 =	vmul.f32 v62, v16;
	s11 =	smul.f32 s14, s11  }
0x1f0: {  	v23 =	vmul.f32 v23, v15;
	v18 =	vadd.f32 v18, v13;
	v4 =	vmul.f32 v4, v44;
	s29 =	sshrl.u32 s1, $0x1;
	s21 =	smul.f32 $5.000000000e-01, s1  }
0x1f1: {  	v17 =	vmul.f32 v17, v60;
	v11 =	vadd.f32 v9, v20;
	v22 =	vadd.f32 v22, v8;
	s16 =	smul.f32 s11, s23;
	s14 =	ssub.s32 $0x5F3759DF, s29  }
0x1f2: {  	v5 =	vmul.f32 v5, v14;
	v23 =	vadd.f32 v23, v6;
	v4 =	vadd.f32 v4, v45;
	s29 =	smul.f32 s14, s21  }
0x1f3: {  	v17 =	vadd.f32 v17, v40;
	v50 =	vmov s19;
	v1 =	vsub.f32 v39, v56;
	v39 =	vmovc v14;
	v14 =	vld [tilespmem:$0x1FFE0];
	s1 =	smul.f32 s16, s11  }
0x1f4: {  	[tilespmem:s6+$0x8000] =	vst v58;
	v28 =	vsub.f32 v28, v50;
	v0 =	vsub.f32 v32, v56;
	s16 =	smul.f32 s14, s29  }
0x1f5: {  	v26 =	vmul.f32 v63, v7;
	[tilespmem:s6+$0x8010] =	vst v46;
	v61 =	vsub.f32 v33, v50;
	v62 =	vsub.f32 v41, v50;
	s1 =	ssub.f32 $1.500000000e+00, s1  }
0x1f6: {  	[tilespmem:s8+$0x8040] =	vst v4;
	v4 =	vsub.f32 v37, v50;
	v37 =	vsub.f32 v25, v50;
	v0 =	vmul.f32 s0, v0;
	s16 =	ssub.f32 $1.500000000e+00, s16  }
0x1f7: {  	[tilespmem:s8+$0x8070] =	vst v18;
	v41 =	vsub.f32 v42, v50;
	v2 =	vmul.f32 s0, v2;
	v3 =	vmul.f32 s0, v3;
	s1 =	smul.f32 s1, s11  }
0x1f8: {  	[tilespmem:s8+$0x8020] =	vst v11;
	v5 =	vadd.f32 v5, v14;
	v1 =	vmul.f32 s0, v1;
	v24 =	vmul.f32 s0, v24;
	s19 =	smul.f32 s14, s16  }
0x1f9: {  	v34 =	vmovc v20;
	v52 =	vmovc v15;
	[tilespmem:s8+$0x8030] =	vst v22;
	v42 =	vsub.f32 v27, v50;
	v63 =	vmul.f32 s0, v57;
	v19 =	vmul.f32 s0, v47;
	s11 =	smul.f32 s1, s23  }
0x1fa: {  	v15 =	vmovc v16;
	[tilespmem:s8+$0x8060] =	vst v5;
	v5 =	vsub.f32 v31, v50;
	v33 =	vmul.f32 s0, v54;
	v2 =	vmul.f32 v2, v39;
	s23 =	smul.f32 s19, s21  }
0x1fb: {  	[tilespmem:s8+$0x8000] =	vst v23;
	v31 =	vadd.f32 v26, v59;
	v0 =	vmul.f32 v0, v44;
	v3 =	vmul.f32 v3, v60;
	s11 =	smul.f32 s11, s1  }
0x1fc: {  	[tilespmem:s8+$0x8050] =	vst v17;
	v1 =	vmul.f32 v1, v12;
	v21 =	vmul.f32 v24, v10;
	v2 =	vadd.f32 v2, v14;
	s0 =	smul.f32 s23, s19  }
0x1fd: {  	[tilespmem:s8+$0x8010] =	vst v31;
	v20 =	vmul.f32 v63, v15;
	v19 =	vmul.f32 v19, v52;
	v0 =	vadd.f32 v0, v45;
	s11 =	ssub.f32 $1.500000000e+00, s11  }
0x1fe: {  	v3 =	vadd.f32 v3, v40;
	v1 =	vadd.f32 v1, v13;
	[tilespmem:s5+$0x8060] =	vst v2;
	v2 =	vmul.f32 v33, v7;
	s0 =	ssub.f32 $1.500000000e+00, s0  }
0x1ff: {  	v43 =	vadd.f32 v21, v34;
	v20 =	vadd.f32 v20, v8;
	[tilespmem:s5+$0x8040] =	vst v0;
	s1 =	smul.f32 s11, s1  }
0x200: {  	v0 =	vadd.f32 v19, v6;
	[tilespmem:s5+$0x8070] =	vst v1;
	v1 =	vadd.f32 v2, v59;
	v46 =	vmov s10;
	s0 =	smul.f32 s0, s19  }
0x201: {  	v47 =	vsub.f32 v38, v46;
	v49 =	vsub.f32 v49, v46  }
0x202: {  	[tilespmem:s5+$0x8050] =	vst v3;
	v3 =	vsub.f32 v53, v46;
	v53 =	vmul.f32 s1, v61;
	v2 =	vmul.f32 s1, v4;
	s6 =	smul.f32 s0, s21  }
0x203: {  	v50 =	vsub.f32 v55, v46;
	v4 =	vmul.f32 s1, v5;
	v16 =	vmul.f32 s1, v62  }
0x204: {  	[tilespmem:s5+$0x8020] =	vst v43;
	v51 =	vsub.f32 v48, v46;
	v56 =	vmul.f32 s1, v42;
	v54 =	vmul.f32 v53, v44;
	s6 =	smul.f32 s6, s0  }
0x205: {  	[tilespmem:s5+$0x8030] =	vst v20;
	v55 =	vsub.f32 v35, v46;
	v2 =	vmul.f32 v2, v39;
	v4 =	vmul.f32 v4, v60  }
0x206: {  	[tilespmem:s5+$0x8000] =	vst v0;
	v16 =	vmul.f32 v16, v12;
	v17 =	vmul.f32 v56, v10;
	v0 =	vadd.f32 v54, v45;
	s6 =	ssub.f32 $1.500000000e+00, s6  }
0x207: {  	[tilespmem:s5+$0x8010] =	vst v1;
	v1 =	vadd.f32 v2, v14;
	v2 =	vadd.f32 v4, v40;
	v4 =	vmul.f32 s1, v41  }
0x208: {  	v5 =	vsub.f32 v36, v46;
	v18 =	vmul.f32 s1, v37;
	v57 =	vmul.f32 s1, v28;
	[tilespmem:s7+$0x8040] =	vst v0;
	s0 =	smul.f32 s6, s0  }
0x209: {  	v17 =	vadd.f32 v17, v34;
	[tilespmem:s7+$0x8060] =	vst v1;
	v1 =	vadd.f32 v16, v13;
	v4 =	vmul.f32 v4, v15  }
0x20a: {  	v0 =	vsub.f32 v29, v46;
	[tilespmem:s7+$0x8050] =	vst v2;
	v2 =	vmul.f32 v18, v52;
	v58 =	vmul.f32 s0, v49  }
0x20b: {  	[tilespmem:s7+$0x8070] =	vst v1;
	v1 =	vmul.f32 v57, v7;
	v4 =	vadd.f32 v4, v8;
	v3 =	vmul.f32 s0, v3  }
0x20c: {  	[tilespmem:s7+$0x8020] =	vst v17;
	v2 =	vadd.f32 v2, v6;
	v62 =	vmul.f32 s0, v51;
	v61 =	vmul.f32 v58, v44  }
0x20d: {  	[tilespmem:s7+$0x8030] =	vst v4;
	v1 =	vadd.f32 v1, v59;
	v4 =	vmul.f32 s0, v50;
	v3 =	vmul.f32 v3, v39  }
0x20e: {  	[tilespmem:s7+$0x8000] =	vst v2;
	v0 =	vmul.f32 s0, v0;
	v63 =	vmul.f32 v62, v60;
	v2 =	vadd.f32 v61, v45  }
0x20f: {  	[tilespmem:s7+$0x8010] =	vst v1;
	v1 =	vmul.f32 v4, v12;
	v4 =	vmul.f32 s0, v55;
	v3 =	vadd.f32 v3, v14  }
0x210: {  	v5 =	vmul.f32 s0, v5;
	v0 =	vmul.f32 v0, v10;
	[tilespmem:s9+$0x8040] =	vst v2;
	v2 =	vadd.f32 v63, v40  }
0x211: {  	v1 =	vadd.f32 v1, v13;
	v4 =	vmul.f32 v4, v15;
	[tilespmem:s9+$0x8060] =	vst v3;
	v3 =	vmul.f32 s0, v47  }
0x212: {  	v0 =	vadd.f32 v0, v34;
	[tilespmem:s9+$0x8050] =	vst v2;
	v2 =	vmul.f32 v5, v52  }
0x213: {  	[tilespmem:s9+$0x8070] =	vst v1;
	v1 =	vmul.f32 v3, v7;
	v3 =	vadd.f32 v4, v8  }
0x214: {  	s29 =	sshll.u32 s31, $0x11;
	[tilespmem:s9+$0x8020] =	vst v0;
	v0 =	vadd.f32 v2, v6  }
0x215: {  	s0 =	sor.u32 s17, s29;
	[tilespmem:s9+$0x8030] =	vst v3;
	v1 =	vadd.f32 v1, v59  }
0x216: {  	s31 =	rddreg [dreg:$0x9];
	s0 =	sshrl.u32 s0, $0x3;
	[tilespmem:s9+$0x8000] =	vst v0  }
.Ltmp10:
0x217: {  	s0 =	sadd.s32 s31, s0;
	[tilespmem:s9+$0x8010] =	vst v1;
	(pc) =	sbr.rel .LBB2_14-.Ltmp10, $4  }
0x218: {  	[hbm4b:s0+s12] =	stream.linear.scatter [tilespmem:s26], [sflag:$0x1], $0x8000, $0x38;
	[tilespmem:$0x10200] =	vst v63  }
0x219: {  	_ =	swait.ge [sflag:s22], $0x8000  }
0x21a: {  	v9 =	vmovc v44;
	v32 =	vmov v15;
	v11 =	vmov v39;
	v13 =	vmov v10;
	[sflag:s22] =	ssyncset.done $0x0  }
0x21b: {  	v10 =	vmovc v40;
	v5 =	vmovc v34;
	v3 =	vmov v8;
	v2 =	vmov v45;
	v1 =	vmov v12;
	[sflag:s22] =	ssyncadd.s32 $0xFFFF8000  }
.LBB2_15:
.Ltmp11:
0x21c: {  	(pc) =	sbr.rel .LBB2_16-.Ltmp11, $4  }
0x21d: {  	_ = 	snop  }
0x21e: {  	[tilespmem:$0x1FEE0] =	vst v3  }
0x21f: {  	[tilespmem:$0x1FEF0] =	vst v5  }
0x220: {  	s30 =	simm.s32 $0x0;
	[tilespmem:$0x1FF00] =	vst v1  }
.LBB2_20:
0x221: {  	s30 =	sadd.s32 $0x1, s30  }
0x222: {  	p3 =	sne.s32 s30, $0x19  }
.Ltmp12:
0x223: {  	_ = 	snop;
	(pc) =	sbr.rel @!p3 .LBB2_21-.Ltmp12, $1  }
0x224: {  	_ =	sdelay $0x3  }
.LBB2_16:
0x225: {  	s0 =	sshll.u32 s30, $0x5  }
0x226: {  	s5 =	sor.u32 s13, s0  }
0x227: {  	p3 =	sgt.u32 s5, $0x31B  }
.Ltmp13:
0x228: {  	_ = 	snop;
	(pc) =	sbr.rel @p3 .LBB2_20-.Ltmp13, $1  }
0x229: {  	_ =	sdelay $0x3  }
0x22a: {  	p3 =	seq.s32 s5, $0x0  }
0x22b: {  	p3 =	por !p2, !p3  }
0x22c: {  	s0 =	simm.s32 $0x1;
	p3 =	por !p3, !p3  }
0x22d: {  	s1 =	sshrl.u32 s5, $0x2;
	s0 =	simm.s32 @!p3 $0x0  }
0x22e: {  	s31 =	ssub.s32 s1, s0  }
0x22f: {  	s0 =	sshll.u32 s31, $0x11  }
0x230: {  	s0 =	sor.u32 s18, s0  }
0x231: {  	s9 =	rddreg [dreg:$0x1];
	s0 =	sshrl.u32 s0, $0x3  }
0x232: {  	s10 =	simm.s32 $0x0;
	s11 =	sshll.u32 s31, $0x7;
	s0 =	sadd.s32 s9, s0  }
0x233: {  	[tilespmem:s10], [sflag:$0x2] =	stream.linear.gather [hbm4b:s0+s10], $0x8000, $0x38;
	[tilespmem:$0x10200] =	vst v63  }
0x234: {  	s0 =	sadd.s32 $0x80, s11;
	_ =	swait.ge [sflag:s28], $0x8000  }
0x235: {  	s0 =	sshrl.u32 s0, $0x3;
	[sflag:s28] =	ssyncset.done $0x0  }
0x236: {  	s0 =	sadd.s32 s3, s0;
	[sflag:s28] =	ssyncadd.s32 $0xFFFF8000  }
0x237: {  	[tilespmem:s24], [sflag:$0x2] =	stream.linear.gather [hbm4b:s0+s10], $0x80, $0x38;
	[tilespmem:$0x10200] =	vst v63  }
0x238: {  	_ =	swait.ge [sflag:s28], $0x80  }
0x239: {  	[sflag:s28] =	ssyncset.done $0x0  }
0x23a: {  	[sflag:s28] =	ssyncadd.s32 $0xFFFFFF80  }
0x23b: {  	[tilespmem:s25], [sflag:$0x2] =	stream.linear.gather [hbm4b:s15+s10], $0x80, $0x38;
	[tilespmem:$0x10200] =	vst v63  }
0x23c: {  	_ =	swait.ge [sflag:s28], $0x80  }
0x23d: {  	[sflag:s28] =	ssyncset.done $0x0  }
0x23e: {  	[sflag:s28] =	ssyncadd.s32 $0xFFFFFF80  }
0x23f: {  	v0 =	vld [tilespmem:$0x10000]  }
0x240: {  	v1 =	vld [tilespmem:$0x10080]  }
0x241: {  	v51 =	vld [tilespmem:$0x10010]  }
0x242: {  	v3 =	vld [tilespmem:$0x10090]  }
0x243: {  	v4 =	vld [tilespmem:$0x10020]  }
0x244: {  	v5 =	vld [tilespmem:$0x100A0]  }
0x245: {  	v19 =	vld [tilespmem:$0x10030]  }
0x246: {  	v20 =	vld [tilespmem:$0x100B0]  }
0x247: {  	v21 =	vld [tilespmem:$0x10040]  }
0x248: {  	v22 =	vld [tilespmem:$0x100C0]  }
0x249: {  	s6 =	simm.s32 $0x0;
	v23 =	vld [tilespmem:$0x10050]  }
0x24a: {  	v24 =	vld [tilespmem:s6+$0x0]  }
0x24b: {  	v25 =	vld [tilespmem:s6+$0x10]  }
0x24c: {  	v26 =	vld [tilespmem:$0x100D0]  }
0x24d: {  	v27 =	vld [tilespmem:s6+$0x20]  }
0x24e: {  	v53 =	vld [tilespmem:$0x10060];
	v8 =	vadd.f32 v1, v0;
	v15 =	vadd.f32 v3, v51  }
0x24f: {  	v54 =	vld [tilespmem:s6+$0x30];
	v16 =	vadd.f32 v5, v4  }
0x250: {  	v55 =	vld [tilespmem:$0x100E0];
	v36 =	vadd.f32 v24, v8;
	v31 =	vadd.f32 v25, v15  }
0x251: {  	v56 =	vld [tilespmem:s6+$0x40];
	v7 =	vadd.f32 v20, v19  }
0x252: {  	v4 =	vld [tilespmem:$0x10070];
	v29 =	vadd.f32 v27, v16;
	v5 =	vmul.f32 v36, v36;
	v24 =	vmul.f32 v31, v31  }
0x253: {  	v18 =	vadd.f32 v22, v21;
	v25 =	vld [tilespmem:s6+$0x50]  }
0x254: {  	v27 =	vld [tilespmem:$0x100F0];
	v35 =	vadd.f32 v54, v7;
	v57 =	vmul.f32 v29, v29;
	v5 =	vadd.f32 v24, v5  }
0x255: {  	v63 =	vadd.f32 v26, v23;
	v23 =	vadd.f32 v31, v36;
	v24 =	vld [tilespmem:s6+$0x60]  }
0x256: {  	v33 =	vadd.f32 v56, v18;
	v58 =	vmul.f32 v35, v35;
	v1 =	vadd.f32 v57, v5  }
0x257: {  	v34 =	vld [tilespmem:s6+$0x70];
	v62 =	vadd.f32 v55, v53;
	v59 =	vadd.f32 v29, v23  }
0x258: {  	v38 =	vmul.f32 v33, v33;
	v37 =	vadd.f32 v25, v63;
	v1 =	vadd.f32 v58, v1  }
0x259: {  	v61 =	vadd.f32 v27, v4;
	v0 =	vadd.f32 v35, v59  }
0x25a: {  	v39 =	vmul.f32 v37, v37;
	v41 =	vadd.f32 v24, v62;
	v1 =	vadd.f32 v38, v1  }
0x25b: {  	v0 =	vadd.f32 v33, v0  }
0x25c: {  	v43 =	vadd.f32 v34, v61;
	v42 =	vmul.f32 v41, v41;
	v1 =	vadd.f32 v39, v1  }
0x25d: {  	v0 =	vadd.f32 v37, v0  }
0x25e: {  	v44 =	vmul.f32 v43, v43;
	v1 =	vadd.f32 v42, v1  }
0x25f: {  	v0 =	vadd.f32 v41, v0  }
0x260: {  	v1 =	vadd.f32 v44, v1  }
0x261: {  	s8 =	simm.s32 $0x80;
	v0 =	vadd.f32 v43, v0  }
0x262: {  	v45 =	vld [tilespmem:s8+$0x0];
	(xrf2) =	vadd.scan.msk.f32 $0xffff, v1  }
0x263: {  	v4 =	vld [tilespmem:s8+$0x10];
	(xrf2) =	vadd.scan.msk.f32 $0xffff, v0;
	_ =	sdelay $0x1  }
0x264: {  	v46 =	vld [tilespmem:s8+$0x20]  }
0x265: {  	v47 =	vld [tilespmem:s8+$0x30]  }
0x266: {  	v5 =	vld [tilespmem:s8+$0x60]  }
0x267: {  	v48 =	vld [tilespmem:s8+$0x40];
	v50 =	vadd.f32 v45, v8;
	v38 =	vadd.f32 v4, v15  }
0x268: {  	v6 =	vmov v2  }
0x269: {  	v2 =	vmul.f32 v50, v50;
	v23 =	vmovc v52;
	v52 =	vadd.f32 v46, v16;
	v4 =	vmul.f32 v38, v38  }
0x26a: {  	v49 =	vld [tilespmem:s8+$0x50];
	v53 =	vadd.f32 v47, v7  }
0x26b: {  	v55 =	vmul.f32 v52, v52;
	v46 =	vadd.f32 v5, v62;
	v2 =	vadd.f32 v4, v2;
	v58, _, _ =	vpop (xrf2)  }
0x26c: {  	v4 =	vadd.f32 v38, v50;
	v44 =	vadd.f32 v48, v18;
	v5, _, _ =	vpop (xrf2)  }
0x26d: {  	v56 =	vmul.f32 v53, v53;
	v0 =	vadd.f32 v55, v2;
	(v2sf) =	vpush v5, $0xF  }
0x26e: {  	v57 =	vadd.f32 v52, v4;
	v4 =	vld [tilespmem:s8+$0x70];
	(v2sf) =	vpush v58, $0xF  }
0x26f: {  	v47 =	vadd.f32 v49, v63;
	v59 =	vmul.f32 v44, v44;
	v0 =	vadd.f32 v56, v0  }
0x270: {  	v2 =	vadd.f32 v53, v57  }
0x271: {  	v14 =	vmov v32;
	v32 =	vmul.f32 v47, v47;
	v0 =	vadd.f32 v59, v0  }
0x272: {  	s5 =	simm.s32 $0x100;
	v2 =	vadd.f32 v44, v2  }
0x273: {  	v45 =	vld [tilespmem:s5+$0x10];
	v34 =	vmul.f32 v46, v46;
	v48 =	vadd.f32 v4, v61;
	v0 =	vadd.f32 v32, v0  }
0x274: {  	v42 =	vld [tilespmem:s5+$0x0];
	v39 =	vadd.f32 v47, v2  }
0x275: {  	v40 =	vmul.f32 v48, v48;
	v0 =	vadd.f32 v34, v0  }
0x276: {  	v49 =	vld [tilespmem:s5+$0x20];
	v1 =	vadd.f32 v46, v39  }
0x277: {  	v0 =	vadd.f32 v40, v0  }
0x278: {  	v51 =	vld [tilespmem:s5+$0x30];
	v1 =	vadd.f32 v48, v1  }
0x279: {  	v54 =	vadd.f32 v45, v15;
	v26 =	vadd.f32 v42, v8;
	(xrf2) =	vadd.scan.msk.f32 $0xffff, v0  }
0x27a: {  	v57 =	vld [tilespmem:s5+$0x40];
	(xrf2) =	vadd.scan.msk.f32 $0xffff, v1  }
0x27b: {  	v24 =	vadd.f32 v49, v16;
	v4 =	vmul.f32 v54, v54;
	v58 =	vmul.f32 v26, v26  }
0x27c: {  	v59 =	vld [tilespmem:s5+$0x50];
	s14 =	spop (v2sf)  }
0x27d: {  	v45 =	vmul.f32 v24, v24;
	v40 =	vadd.f32 v51, v7;
	v0 =	vadd.f32 v4, v58;
	s16 =	spop (v2sf);
	s0 =	smul.f32 $7.812500000e-03, s14  }
0x27e: {  	v5 =	vadd.f32 v54, v26;
	v4 =	vld [tilespmem:s5+$0x60];
	s1 =	smul.f32 $7.812500000e-03, s16  }
0x27f: {  	v32 =	vadd.f32 v57, v18;
	v51 =	vld [tilespmem:s5+$0x70];
	v49 =	vmul.f32 v40, v40;
	v0 =	vadd.f32 v45, v0;
	s7 =	smul.f32 s0, s0  }
0x280: {  	v5 =	vadd.f32 v24, v5  }
0x281: {  	v56 =	vmul.f32 v32, v32;
	v30 =	vadd.f32 v59, v63;
	v0 =	vadd.f32 v49, v0;
	s1 =	ssub.f32 s1, s7  }
0x282: {  	v57 =	vadd.f32 v40, v5  }
0x283: {  	v58 =	vmul.f32 v30, v30;
	v34 =	vadd.f32 v4, v62;
	v0 =	vadd.f32 v56, v0;
	v25, _, _ =	vpop (xrf2);
	s7 =	simm.s32 $0x180;
	s1 =	sadd.f32 $9.999999960e-13, s1  }
0x284: {  	v39 =	vadd.f32 v51, v61;
	v3 =	vadd.f32 v32, v57;
	v55, _, _ =	vpop (xrf2);
	v59 =	vld [tilespmem:s7+$0x0]  }
0x285: {  	v4 =	vmul.f32 v34, v34;
	v0 =	vadd.f32 v58, v0;
	(v2sf) =	vpush v55, $0xF;
	v45 =	vld [tilespmem:s7+$0x10];
	s9 =	sshrl.u32 s1, $0x1;
	s1 =	smul.f32 $5.000000000e-01, s1  }
0x286: {  	(v2sf) =	vpush v25, $0xF;
	s9 =	ssub.s32 $0x5F3759DF, s9  }
0x287: {  	v5 =	vmul.f32 v39, v39;
	v42 =	vadd.f32 v30, v3;
	v0 =	vadd.f32 v4, v0;
	v4 =	vld [tilespmem:s7+$0x20];
	s10 =	smul.f32 s9, s1;
	_ =	sdelay $0x1  }
0x288: {  	v1 =	vadd.f32 v34, v42;
	v0 =	vadd.f32 v5, v0;
	v5 =	vld [tilespmem:s7+$0x30];
	s10 =	smul.f32 s9, s10  }
0x289: {  	v2 =	vmov s0;
	v49 =	vld [tilespmem:s7+$0x40];
	v25 =	vadd.f32 v59, v8;
	v28 =	vadd.f32 v45, v15  }
0x28a: {  	v1 =	vadd.f32 v39, v1;
	v55 =	vsub.f32 v31, v2;
	v31 =	vld [tilespmem:s7+$0x50];
	s10 =	ssub.f32 $1.500000000e+00, s10  }
0x28b: {  	v27 =	vadd.f32 v4, v16;
	v51 =	vmul.f32 v25, v25;
	v3 =	vmul.f32 v28, v28  }
0x28c: {  	(xrf2) =	vadd.scan.msk.f32 $0xffff, v0;
	v4 =	vsub.f32 v33, v2;
	s19 =	smul.f32 s9, s10  }
0x28d: {  	(xrf2) =	vadd.scan.msk.f32 $0xffff, v1;
	v42 =	vadd.f32 v5, v7;
	v5 =	vmul.f32 v27, v27;
	v1 =	vadd.f32 v3, v51  }
0x28e: {  	v45 =	vld [tilespmem:s7+$0x60];
	v33 =	vadd.f32 v49, v18;
	v56 =	vadd.f32 v28, v25;
	s9 =	smul.f32 s19, s1  }
0x28f: {  	v31 =	vadd.f32 v31, v63;
	v58 =	vmul.f32 v42, v42;
	v57 =	vadd.f32 v5, v1  }
0x290: {  	v3 =	vsub.f32 v43, v2;
	v59 =	vadd.f32 v27, v56;
	v43 =	vld [tilespmem:s7+$0x70];
	s9 =	smul.f32 s9, s19  }
0x291: {  	v49 =	vsub.f32 v37, v2;
	v56 =	vmul.f32 v33, v33;
	v0 =	vadd.f32 v58, v57  }
0x292: {  	v5 =	vsub.f32 v41, v2;
	v41 =	vadd.f32 v42, v59;
	s9 =	ssub.f32 $1.500000000e+00, s9  }
0x293: {  	s21 =	spop (v2sf);
	v37 =	vadd.f32 v45, v62;
	v1 =	vmul.f32 v31, v31;
	v0 =	vadd.f32 v56, v0  }
0x294: {  	s11 =	spop (v2sf);
	v58 =	vadd.f32 v33, v41;
	s0 =	smul.f32 s9, s19  }
0x295: {  	s11 =	smul.f32 $7.812500000e-03, s11;
	v59 =	vmul.f32 v37, v37;
	v41 =	vadd.f32 v43, v61;
	v0 =	vadd.f32 v1, v0  }
0x296: {  	v57, _, _ =	vpop (xrf2);
	v45 =	vadd.f32 v31, v58;
	s1 =	smul.f32 s0, s1  }
0x297: {  	s10 =	smul.f32 $7.812500000e-03, s21;
	v56 =	vsub.f32 v36, v2;
	v51, _, _ =	vpop (xrf2);
	v36 =	vmul.f32 v41, v41;
	s9 =	simm.s32 $0x200;
	v0 =	vadd.f32 v59, v0  }
0x298: {  	(v2sf) =	vpush v51, $0xF;
	v45 =	vadd.f32 v37, v45;
	v1 =	vld [tilespmem:s9+$0x0];
	s1 =	smul.f32 s1, s0  }
0x299: {  	s23 =	smul.f32 s10, s10;
	(v2sf) =	vpush v57, $0xF;
	v51 =	vld [tilespmem:s9+$0x10];
	v0 =	vadd.f32 v36, v0  }
0x29a: {  	v57 =	vsub.f32 v35, v2;
	v2 =	vsub.f32 v29, v2;
	v29 =	vld [tilespmem:s9+$0x20];
	s1 =	ssub.f32 $1.500000000e+00, s1  }
0x29b: {  	s11 =	ssub.f32 s11, s23;
	v58 =	vmov s10;
	(xrf2) =	vadd.scan.msk.f32 $0xffff, v0;
	v0 =	vld [tilespmem:s9+$0x30]  }
0x29c: {  	v43 =	vsub.f32 v38, v58;
	v35 =	vadd.f32 v41, v45;
	s21 =	smul.f32 s1, s0  }
0x29d: {  	s11 =	sadd.f32 $9.999999960e-13, s11;
	v45 =	vsub.f32 v44, v58;
	v36 =	vadd.f32 v1, v8  }
0x29e: {  	v44 =	vsub.f32 v48, v58;
	(xrf2) =	vadd.scan.msk.f32 $0xffff, v35;
	v38 =	vadd.f32 v51, v15;
	v35 =	vmul.f32 s21, v4  }
0x29f: {  	s14 =	sshrl.u32 s11, $0x1;
	s10 =	smul.f32 $5.000000000e-01, s11;
	v29 =	vadd.f32 v29, v16;
	v48 =	vmul.f32 v36, v36;
	v4 =	vmul.f32 s21, v5;
	v5 =	vld [tilespmem:s9+$0x40]  }
0x2a0: {  	v21 =	vmovc v7;
	s29 =	ssub.s32 $0x5F3759DF, s14;
	v51 =	vmul.f32 v38, v38;
	v1 =	vmul.f32 v35, v9;
	v35 =	vadd.f32 v0, v7;
	v7 =	vld [tilespmem:$0x1FFE0]  }
0x2a1: {  	s14 =	smul.f32 s29, s10;
	v49 =	vmul.f32 s21, v49  }
0x2a2: {  	v0 =	vadd.f32 v51, v48;
	v48 =	vmul.f32 v29, v29  }
0x2a3: {  	s0 =	smul.f32 s29, s14;
	v4 =	vmul.f32 v4, v11;
	v51 =	vmul.f32 v49, v60;
	v1 =	vadd.f32 v1, v6  }
0x2a4: {  	v59 =	vld [tilespmem:s9+$0x50];
	v0 =	vadd.f32 v48, v0;
	v49 =	vadd.f32 v5, v18;
	v5 =	vmul.f32 v35, v35  }
0x2a5: {  	s0 =	ssub.f32 $1.500000000e+00, s0;
	[tilespmem:s6+$0x8040] =	vst v1;
	v1 =	vadd.f32 v4, v7  }
0x2a6: {  	v0 =	vadd.f32 v5, v0;
	v5 =	vmul.f32 v49, v49  }
0x2a7: {  	s0 =	smul.f32 s29, s0  }
0x2a8: {  	v12 =	vmovc v13;
	v17 =	vmov v8;
	v4 =	vadd.f32 v51, v10;
	v10 =	vmov v60;
	v60 =	vld [tilespmem:s9+$0x60]  }
0x2a9: {  	v19 =	vmov v15;
	v46 =	vsub.f32 v46, v58;
	s16 =	smul.f32 s0, s10;
	v48 =	vadd.f32 v59, v63;
	v7 =	vld [tilespmem:$0x1FEF0];
	[tilespmem:s6+$0x8060] =	vst v1;
	v1, _, _ =	vpop (xrf2)  }
0x2aa: {  	v22 =	vld [tilespmem:$0x1FF00];
	v47 =	vsub.f32 v47, v58;
	v2 =	vmul.f32 s21, v2;
	[tilespmem:s6+$0x8050] =	vst v4;
	v0 =	vadd.f32 v5, v0;
	v5, _, _ =	vpop (xrf2)  }
0x2ab: {  	v20 =	vmovc v16;
	v8 =	vmovc v6;
	v56 =	vmul.f32 s21, v56;
	s19 =	spop (v2sf);
	s1 =	smul.f32 s16, s0;
	v4 =	vmul.f32 v48, v48;
	(v2sf) =	vpush v5, $0xF;
	v5 =	vld [tilespmem:s9+$0x70]  }
0x2ac: {  	v2 =	vmul.f32 v2, v12;
	v6 =	vmovc v63;
	s23 =	spop (v2sf);
	v63 =	vld [tilespmem:$0x1FFF0];
	v51 =	vsub.f32 v50, v58;
	v50 =	vsub.f32 v53, v58  }
0x2ad: {  	v16 =	vmovc v12;
	v3 =	vmul.f32 s21, v3;
	v12 =	vmovc v62;
	s11 =	smul.f32 $7.812500000e-03, s19;
	s1 =	ssub.f32 $1.500000000e+00, s1;
	v0 =	vadd.f32 v4, v0;
	v53 =	vadd.f32 v60, v62  }
0x2ae: {  	s14 =	smul.f32 $7.812500000e-03, s23;
	v4 =	vmul.f32 s21, v57;
	v62 =	vmovc v23;
	v60 =	vmul.f32 v56, v23;
	v23 =	vmovc v7;
	v2 =	vadd.f32 v2, v7;
	v7 =	vld [tilespmem:$0x1FEE0]  }
0x2af: {  	v13 =	vmovc v18;
	v52 =	vsub.f32 v52, v58;
	v15 =	vld [tilespmem:$0x1FFC0];
	v3 =	vmul.f32 v3, v22;
	v59 =	vadd.f32 v38, v36;
	s23 =	smul.f32 s1, s0  }
0x2b0: {  	v18 =	vmovc v14;
	s29 =	smul.f32 s11, s11;
	v57 =	vmul.f32 s21, v55;
	v4 =	vmul.f32 v4, v14;
	v14 =	vmovc v61;
	v55 =	vadd.f32 v5, v61;
	v61 =	vld [tilespmem:$0x1FFD0]  }
0x2b1: {  	v58 =	vadd.f32 v29, v59;
	v3 =	vadd.f32 v3, v63;
	s1 =	smul.f32 s23, s10  }
0x2b2: {  	s0 =	ssub.f32 s14, s29;
	(v2sf) =	vpush v1, $0xF;
	v1 =	vmul.f32 v53, v53  }
0x2b3: {  	v56 =	vmov s11;
	[tilespmem:s6+$0x8070] =	vst v3;
	v3 =	vadd.f32 v35, v58;
	s1 =	smul.f32 s1, s23;
	v4 =	vadd.f32 v4, v7  }
0x2b4: {  	s21 =	sadd.f32 $9.999999960e-13, s0;
	[tilespmem:s6+$0x8020] =	vst v2;
	v58 =	vadd.f32 v60, v15;
	v59 =	vadd.f32 v1, v0;
	v60 =	vmul.f32 v55, v55  }
0x2b5: {  	s14 =	simm.s32 $0xA00;
	v54 =	vsub.f32 v54, v56;
	s16 =	ssub.f32 $1.500000000e+00, s1;
	[tilespmem:s6+$0x8030] =	vst v4;
	v57 =	vmul.f32 v57, v61;
	v61 =	vadd.f32 v49, v3  }
.LBB2_18:
0x2b6: {  	v60 =	vadd.f32 v60, v59;
	v59 =	vld [tilespmem:$0x1FF70];
	_ =	sdelay $0x1  }
0x2b7: {  	v0 =	vsub.f32 v32, v56;
	v1 =	vsub.f32 v39, v56  }
0x2b8: {  	s0 =	sshra.s32 s14, $0x2;
	v32 =	vmovc v33;
	v33 =	vmov v49;
	v39 =	vmov v41;
	[tilespmem:s6+$0x8000] =	vst v58;
	v4 =	vadd.f32 v48, v61;
	s23 =	smul.f32 s16, s23  }
0x2b9: {  	v41 =	vmovc v55;
	v5 =	vsub.f32 v34, v56;
	v34 =	vmovc v37;
	v37 =	vmov v53;
	v53 =	vsub.f32 v40, v56;
	v49 =	vld [tilespmem:s0+$0x10]  }
0x2ba: {  	v2 =	vmovc v43;
	v43 =	vmovc v54;
	v3 =	vld [tilespmem:s0+$0x0];
	v4 =	vadd.f32 v37, v4;
	v61 =	vmul.f32 s23, v45;
	v57 =	vadd.f32 v57, v59  }
0x2bb: {  	v54 =	vsub.f32 v30, v56;
	v30 =	vmovc v31;
	v31 =	vmov v48;
	v48 =	vld [tilespmem:s0+$0x20];
	(xrf2) =	vadd.scan.msk.f32 $0xffff, v60;
	v60 =	vmul.f32 s23, v46  }
0x2bc: {  	v46 =	vmov v5;
	v5 =	vld [tilespmem:s0+$0x30];
	v4 =	vadd.f32 v41, v4;
	v40 =	vmul.f32 v61, v9;
	[tilespmem:s6+$0x8010] =	vst v57;
	s6 =	smov.u32 s8;
	s8 =	smov.u32 s5  }
0x2bd: {  	v61 =	vmul.f32 s23, v47;
	v47 =	vmov v54;
	v54 =	vmul.f32 v60, v11;
	s5 =	smov.u32 s7;
	s7 =	smov.u32 s9;
	s9 =	smov.u32 s0  }
0x2be: {  	s1 =	sshrl.u32 s21, $0x1;
	s21 =	smul.f32 $5.000000000e-01, s21;
	v60 =	vmul.f32 s23, v44;
	v44 =	vmovc v1;
	v1 =	vadd.f32 v49, v19;
	(xrf2) =	vadd.scan.msk.f32 $0xffff, v4;
	v4 =	vadd.f32 v40, v8;
	v49 =	vld [tilespmem:s9+$0x40]  }
0x2bf: {  	s1 =	ssub.s32 $0x5F3759DF, s1;
	v57 =	vld [tilespmem:s9+$0x50]  }
0x2c0: {  	s11 =	smul.f32 s1, s21;
	[tilespmem:s6+$0x8040] =	vst v4;
	v4 =	vld [tilespmem:$0x1FFE0];
	_ =	sdelay $0x1  }
0x2c1: {  	v45 =	vmov v0;
	v0 =	vsub.f32 v26, v56;
	s11 =	smul.f32 s1, s11;
	v3 =	vadd.f32 v3, v17  }
0x2c2: {  	v40 =	vmul.f32 v61, v10;
	v58 =	vadd.f32 v48, v20;
	v55 =	vmul.f32 v60, v22  }
0x2c3: {  	s11 =	ssub.f32 $1.500000000e+00, s11;
	v61 =	vld [tilespmem:$0x1FF80];
	v5 =	vadd.f32 v5, v21;
	v48 =	vmul.f32 v3, v3;
	v60 =	vmul.f32 v1, v1  }
0x2c4: {  	v59 =	vadd.f32 v1, v3;
	v4 =	vadd.f32 v54, v4  }
0x2c5: {  	v26 =	vmovc v25;
	s29 =	smul.f32 s1, s11;
	v48 =	vadd.f32 v60, v48;
	v54 =	vmul.f32 v58, v58;
	v49 =	vadd.f32 v49, v13  }
0x2c6: {  	v25 =	vmovc v36;
	v36 =	vmovc v3;
	v3 =	vld [tilespmem:s9+$0x60];
	v60 =	vmul.f32 s23, v52;
	v52 =	vsub.f32 v24, v56;
	[tilespmem:s6+$0x8060] =	vst v4;
	v4 =	vmul.f32 s23, v50  }
0x2c7: {  	s11 =	smul.f32 s29, s21;
	v50 =	vmovc v53;
	v53 =	vadd.f32 v54, v48;
	v54 =	vmul.f32 v5, v5;
	v56 =	vmul.f32 v49, v49  }
0x2c8: {  	v61 =	vadd.f32 v40, v61  }
0x2c9: {  	s16 =	spop (v2sf);
	s11 =	smul.f32 s11, s29;
	v54 =	vadd.f32 v54, v53  }
0x2ca: {  	s10 =	smov.u32 s14;
	p3 =	sne.s32 s14, $0x1FE00;
	s19 =	spop (v2sf);
	v24 =	vmov v27;
	v40 =	vmov v42;
	v27, _, _ =	vpop (xrf2);
	[tilespmem:s6+$0x8050] =	vst v61  }
0x2cb: {  	s10 =	sadd.s32 $0x200, s14;
	s14 =	smul.f32 $7.812500000e-03, s19;
	v61 =	vmul.f32 s23, v51;
	v51 =	vmov v0;
	s11 =	ssub.f32 $1.500000000e+00, s11;
	v42 =	vld [tilespmem:s9+$0x70];
	v0 =	vadd.f32 v56, v54;
	v56, _, _ =	vpop (xrf2)  }
0x2cc: {  	v2 =	vmul.f32 s23, v2;
	s1 =	smul.f32 $7.812500000e-03, s16;
	(v2sf) =	vpush v56, $0xF  }
0x2cd: {  	v60 =	vmul.f32 v60, v16;
	v48 =	vadd.f32 v57, v6;
	s23 =	smul.f32 s11, s29;
	(v2sf) =	vpush v27, $0xF;
	v27 =	vld [tilespmem:$0x1FFD0]  }
0x2ce: {  	v55 =	vadd.f32 v55, v63;
	s29 =	smul.f32 s1, s1;
	v53 =	vadd.f32 v3, v12;
	v4 =	vmul.f32 v4, v18  }
0x2cf: {  	v59 =	vadd.f32 v58, v59;
	v60 =	vadd.f32 v60, v23;
	s11 =	smul.f32 s23, s21;
	v54 =	vmul.f32 v48, v48  }
.Ltmp14:
0x2d0: {  	[tilespmem:s6+$0x8070] =	vst v55;
	v4 =	vadd.f32 v4, v7;
	v55 =	vadd.f32 v42, v14;
	v42 =	vmul.f32 v53, v53;
	(pc) =	sbr.rel @p3 .LBB2_18-.Ltmp14, $4  }
0x2d1: {  	[tilespmem:s6+$0x8020] =	vst v60;
	v3 =	vmul.f32 v61, v62;
	s0 =	ssub.f32 s14, s29;
	v56 =	vmov s1;
	v0 =	vadd.f32 v54, v0  }
0x2d2: {  	s11 =	smul.f32 s11, s23;
	v54 =	vsub.f32 v28, v56;
	[tilespmem:s6+$0x8030] =	vst v4;
	v57 =	vmul.f32 v2, v27;
	v2 =	vadd.f32 v5, v59  }
0x2d3: {  	s21 =	sadd.f32 $9.999999960e-13, s0;
	v28 =	vmovc v38;
	v38 =	vmovc v1;
	v60 =	vmul.f32 v55, v55;
	v27 =	vmov v29;
	v59 =	vadd.f32 v42, v0  }
0x2d4: {  	s14 =	smov.u32 s10;
	s16 =	ssub.f32 $1.500000000e+00, s11;
	v29 =	vmovc v58;
	v58 =	vadd.f32 v3, v15;
	v42 =	vmovc v35;
	v35 =	vmov v5;
	v61 =	vadd.f32 v49, v2  }
0x2d5: {  	_ = 	snop  }
0x2d6: {  	v0 =	vadd.f32 v48, v61;
	_ =	sdelay $0x1  }
0x2d7: {  	v0 =	vadd.f32 v53, v0  }
0x2d8: {  	v1 =	vadd.f32 v60, v59  }
0x2d9: {  	v0 =	vadd.f32 v55, v0  }
0x2da: {  	(xrf2) =	vadd.scan.msk.f32 $0xffff, v1  }
0x2db: {  	(xrf2) =	vadd.scan.msk.f32 $0xffff, v0;
	_ =	sdelay $0x5  }
0x2dc: {  	s0 =	sshrl.u32 s21, $0x1;
	s1 =	smul.f32 $5.000000000e-01, s21  }
0x2dd: {  	s0 =	ssub.s32 $0x5F3759DF, s0  }
0x2de: {  	s10 =	smul.f32 s0, s1  }
0x2df: {  	v0, _, _ =	vpop (xrf2)  }
0x2e0: {  	s10 =	smul.f32 s0, s10;
	v1, _, _ =	vpop (xrf2)  }
0x2e1: {  	(v2sf) =	vpush v1, $0xF  }
0x2e2: {  	s10 =	ssub.f32 $1.500000000e+00, s10;
	s19 =	spop (v2sf);
	(v2sf) =	vpush v0, $0xF  }
0x2e3: {  	s19 =	smul.f32 $7.812500000e-03, s19  }
0x2e4: {  	s14 =	spop (v2sf);
	s0 =	smul.f32 s0, s10  }
0x2e5: {  	s21 =	smul.f32 $7.812500000e-03, s14  }
0x2e6: {  	s29 =	smul.f32 s19, s19  }
0x2e7: {  	s11 =	smul.f32 s0, s1  }
0x2e8: {  	s10 =	ssub.f32 s21, s29  }
0x2e9: {  	s11 =	smul.f32 s11, s0  }
0x2ea: {  	s10 =	sadd.f32 $9.999999960e-13, s10  }
0x2eb: {  	s14 =	smul.f32 s16, s23;
	s11 =	ssub.f32 $1.500000000e+00, s11  }
0x2ec: {  	s16 =	sshrl.u32 s10, $0x1;
	s23 =	smul.f32 $5.000000000e-01, s10  }
0x2ed: {  	s0 =	smul.f32 s11, s0;
	s11 =	ssub.s32 $0x5F3759DF, s16  }
0x2ee: {  	s16 =	smul.f32 s11, s23  }
0x2ef: {  	s1 =	smul.f32 s0, s1  }
0x2f0: {  	s16 =	smul.f32 s11, s16;
	s21 =	spop (v2sf)  }
0x2f1: {  	s29 =	spop (v2sf);
	s10 =	smul.f32 $7.812500000e-03, s21  }
0x2f2: {  	s21 =	smul.f32 $7.812500000e-03, s29  }
0x2f3: {  	v2 =	vsub.f32 v34, v56;
	v3 =	vsub.f32 v30, v56;
	s29 =	smul.f32 s10, s10  }
0x2f4: {  	v19 =	vsub.f32 v26, v56;
	v4 =	vmul.f32 s14, v45;
	v5 =	vmul.f32 s14, v46;
	s1 =	smul.f32 s1, s0;
	s16 =	ssub.f32 $1.500000000e+00, s16  }
0x2f5: {  	v20 =	vsub.f32 v40, v56;
	v17 =	vmul.f32 s14, v47;
	v21 =	vmul.f32 s14, v44;
	s21 =	ssub.f32 s21, s29  }
0x2f6: {  	v24 =	vsub.f32 v24, v56;
	v34 =	vld [tilespmem:$0x1FFD0];
	v47 =	vmul.f32 s14, v52;
	v13 =	vmul.f32 s14, v50;
	s1 =	ssub.f32 $1.500000000e+00, s1  }
0x2f7: {  	v45 =	vld [tilespmem:$0x1FF70];
	v6 =	vmul.f32 s14, v51;
	v51 =	vmul.f32 s14, v43;
	v52 =	vmov s19;
	s11 =	smul.f32 s11, s16;
	s21 =	sadd.f32 $9.999999960e-13, s21  }
0x2f8: {  	[tilespmem:s6+$0x8000] =	vst v58;
	v28 =	vsub.f32 v28, v52;
	v58 =	vsub.f32 v41, v52;
	v4 =	vmul.f32 v4, v9;
	s0 =	smul.f32 s1, s0  }
0x2f9: {  	v61 =	vsub.f32 v31, v52;
	v44 =	vmul.f32 v21, v22;
	v21 =	vmul.f32 v47, v16;
	s29 =	sshrl.u32 s21, $0x1;
	s21 =	smul.f32 $5.000000000e-01, s21  }
0x2fa: {  	v60 =	vmovc v10;
	v17 =	vmul.f32 v17, v10;
	v10 =	vld [tilespmem:$0x1FF80];
	v13 =	vmul.f32 v13, v18;
	v4 =	vadd.f32 v4, v8;
	s14 =	smul.f32 s11, s23;
	s29 =	ssub.s32 $0x5F3759DF, s29  }
0x2fb: {  	v6 =	vmul.f32 v6, v62;
	v12 =	vadd.f32 v44, v63;
	v21 =	vadd.f32 v21, v23;
	s16 =	smul.f32 s29, s21  }
0x2fc: {  	v26 =	vmul.f32 v51, v34;
	v13 =	vadd.f32 v13, v7;
	v59 =	vadd.f32 v57, v45;
	s1 =	smul.f32 s14, s11  }
0x2fd: {  	v6 =	vadd.f32 v6, v15;
	v0 =	vsub.f32 v32, v56;
	s16 =	smul.f32 s29, s16  }
0x2fe: {  	v5 =	vmul.f32 v5, v11;
	v57 =	vsub.f32 v33, v52;
	v31 =	vadd.f32 v26, v45;
	[tilespmem:s6+$0x8010] =	vst v59;
	s1 =	ssub.f32 $1.500000000e+00, s1  }
0x2ff: {  	v14 =	vmovc v8;
	v8 =	vld [tilespmem:$0x1FFE0];
	v17 =	vadd.f32 v17, v10;
	v1 =	vsub.f32 v39, v56;
	[tilespmem:s8+$0x8040] =	vst v4;
	v0 =	vmul.f32 s0, v0;
	s16 =	ssub.f32 $1.500000000e+00, s16  }
0x300: {  	v59 =	vsub.f32 v37, v52;
	[tilespmem:s8+$0x8070] =	vst v12;
	v2 =	vmul.f32 s0, v2;
	v3 =	vmul.f32 s0, v3;
	s1 =	smul.f32 s1, s11  }
0x301: {  	v37 =	vsub.f32 v42, v52;
	[tilespmem:s8+$0x8020] =	vst v21;
	v1 =	vmul.f32 s0, v1;
	v24 =	vmul.f32 s0, v24;
	s19 =	smul.f32 s29, s16  }
0x302: {  	v12 =	vsub.f32 v25, v52;
	[tilespmem:s8+$0x8030] =	vst v13;
	v20 =	vmul.f32 s0, v20;
	v19 =	vmul.f32 s0, v19;
	s11 =	smul.f32 s1, s23  }
0x303: {  	v40 =	vmovc v16;
	[tilespmem:s8+$0x8000] =	vst v6;
	v13 =	vsub.f32 v27, v52;
	v33 =	vmul.f32 s0, v54;
	v2 =	vmul.f32 v2, v11;
	s29 =	smul.f32 s19, s21  }
0x304: {  	[tilespmem:s8+$0x8010] =	vst v31;
	v5 =	vadd.f32 v5, v8;
	v0 =	vmul.f32 v0, v9;
	v3 =	vmul.f32 v3, v60;
	s11 =	smul.f32 s11, s1  }
0x305: {  	[tilespmem:s8+$0x8050] =	vst v17;
	v1 =	vmul.f32 v1, v22;
	v39 =	vmul.f32 v24, v40;
	v2 =	vadd.f32 v2, v8;
	s0 =	smul.f32 s29, s19  }
0x306: {  	[tilespmem:s8+$0x8060] =	vst v5;
	v20 =	vmul.f32 v20, v18;
	v19 =	vmul.f32 v19, v62;
	v0 =	vadd.f32 v0, v14;
	s11 =	ssub.f32 $1.500000000e+00, s11  }
0x307: {  	v3 =	vadd.f32 v3, v10;
	v1 =	vadd.f32 v1, v63;
	[tilespmem:s5+$0x8060] =	vst v2;
	v2 =	vmul.f32 v33, v34;
	s0 =	ssub.f32 $1.500000000e+00, s0  }
0x308: {  	v41 =	vadd.f32 v39, v23;
	v20 =	vadd.f32 v20, v7;
	[tilespmem:s5+$0x8040] =	vst v0;
	s1 =	smul.f32 s11, s1  }
0x309: {  	v0 =	vadd.f32 v19, v15;
	[tilespmem:s5+$0x8070] =	vst v1;
	v1 =	vadd.f32 v2, v45;
	v42 =	vmov s10;
	s0 =	smul.f32 s0, s19  }
0x30a: {  	v43 =	vsub.f32 v38, v42;
	v44 =	vsub.f32 v49, v42  }
0x30b: {  	v46 =	vsub.f32 v55, v42;
	v47 =	vsub.f32 v48, v42;
	v48 =	vmul.f32 s1, v57;
	s6 =	smul.f32 s0, s21  }
0x30c: {  	[tilespmem:s5+$0x8050] =	vst v3;
	v3 =	vsub.f32 v53, v42;
	v2 =	vmul.f32 s1, v59;
	v49 =	vmul.f32 s1, v61  }
0x30d: {  	[tilespmem:s5+$0x8020] =	vst v41;
	v50 =	vsub.f32 v36, v42;
	v16 =	vmul.f32 s1, v58;
	v51 =	vmul.f32 v48, v9;
	s6 =	smul.f32 s6, s0  }
0x30e: {  	[tilespmem:s5+$0x8030] =	vst v20;
	v52 =	vsub.f32 v35, v42;
	v53 =	vmul.f32 s1, v13;
	v2 =	vmul.f32 v2, v11  }
0x30f: {  	[tilespmem:s5+$0x8000] =	vst v0;
	v54 =	vmul.f32 s1, v37;
	v4 =	vmul.f32 v49, v60;
	v0 =	vadd.f32 v51, v14;
	s6 =	ssub.f32 $1.500000000e+00, s6  }
0x310: {  	[tilespmem:s5+$0x8010] =	vst v1;
	v16 =	vmul.f32 v16, v22;
	v17 =	vmul.f32 v53, v40;
	v1 =	vadd.f32 v2, v8  }
0x311: {  	v12 =	vmul.f32 s1, v12;
	v55 =	vmul.f32 s1, v28;
	v2 =	vadd.f32 v4, v10;
	[tilespmem:s7+$0x8040] =	vst v0;
	s0 =	smul.f32 s6, s0  }
0x312: {  	v4 =	vmul.f32 v54, v18;
	v17 =	vadd.f32 v17, v23;
	[tilespmem:s7+$0x8060] =	vst v1;
	v1 =	vadd.f32 v16, v63  }
0x313: {  	v0 =	vsub.f32 v29, v42;
	[tilespmem:s7+$0x8050] =	vst v2;
	v2 =	vmul.f32 v12, v62;
	v12 =	vmul.f32 s0, v44  }
0x314: {  	v4 =	vadd.f32 v4, v7;
	[tilespmem:s7+$0x8070] =	vst v1;
	v1 =	vmul.f32 v55, v34;
	v3 =	vmul.f32 s0, v3  }
0x315: {  	[tilespmem:s7+$0x8020] =	vst v17;
	v2 =	vadd.f32 v2, v15;
	v57 =	vmul.f32 s0, v47;
	v56 =	vmul.f32 v12, v9  }
0x316: {  	[tilespmem:s7+$0x8030] =	vst v4;
	v1 =	vadd.f32 v1, v45;
	v58 =	vmul.f32 s0, v46;
	v3 =	vmul.f32 v3, v11  }
0x317: {  	[tilespmem:s7+$0x8000] =	vst v2;
	v0 =	vmul.f32 s0, v0;
	v59 =	vmul.f32 v57, v60;
	v2 =	vadd.f32 v56, v14  }
0x318: {  	[tilespmem:s7+$0x8010] =	vst v1;
	v61 =	vmul.f32 s0, v52;
	v1 =	vmul.f32 v58, v22;
	v3 =	vadd.f32 v3, v8  }
0x319: {  	v5 =	vmul.f32 s0, v50;
	v0 =	vmul.f32 v0, v40;
	[tilespmem:s9+$0x8040] =	vst v2;
	v2 =	vadd.f32 v59, v10  }
0x31a: {  	v4 =	vmul.f32 v61, v18;
	v1 =	vadd.f32 v1, v63;
	[tilespmem:s9+$0x8060] =	vst v3;
	v3 =	vmul.f32 s0, v43  }
0x31b: {  	v0 =	vadd.f32 v0, v23;
	[tilespmem:s9+$0x8050] =	vst v2;
	v2 =	vmul.f32 v5, v62  }
0x31c: {  	[tilespmem:s9+$0x8070] =	vst v1;
	v1 =	vmul.f32 v3, v34;
	v3 =	vadd.f32 v4, v7  }
0x31d: {  	[tilespmem:s9+$0x8020] =	vst v0;
	v0 =	vadd.f32 v2, v15  }
0x31e: {  	[tilespmem:s9+$0x8030] =	vst v3;
	v1 =	vadd.f32 v1, v45  }
0x31f: {  	s31 =	sshll.u32 s31, $0xE;
	[tilespmem:s9+$0x8000] =	vst v0  }
.Ltmp15:
0x320: {  	s0 =	sadd.s32 s20, s31;
	[tilespmem:s9+$0x8010] =	vst v1;
	(pc) =	sbr.rel .LBB2_20-.Ltmp15, $4  }
0x321: {  	[hbm4b:s0+s12] =	stream.linear.scatter [tilespmem:s26], [sflag:$0x1], $0x8000, $0x38;
	[tilespmem:$0x10200] =	vst v63  }
0x322: {  	_ =	swait.ge [sflag:s22], $0x8000  }
0x323: {  	[sflag:s22] =	ssyncset.done $0x0  }
0x324: {  	v32 =	vmovc v18;
	v13 =	vmov v40;
	v52 =	vmov v62;
	v2 =	vmov v14;
	[sflag:s22] =	ssyncadd.s32 $0xFFFF8000  }
.LBB2_22:
0x325: {  	_ =	sfence.sel $0x180000  }
0x326: {  	[bflag:$0x0] =	sbarrier.arrive $0xFFFF  }
0x327: {  	_ =	strace $0x90000047  }
0x328: {  	s0 =	stileid.u32;
	[bflag:$0x2] =	sbarrier.arrive $0xFFFF  }
0x329: {  	p0 =	sne.s32 s0, $0x0;
	s0 =	rddreg [dreg:$0xa]  }
0x32a: {  	s0 =	sadd.s32 @!p0 $0x100000, s0  }
0x32b: {  	[sflag:s0] =	ssyncadd.tile.s32 @!p0 $0x1;
	_ =	shalt  }
.Lfunc_end2:
_tile_overlayer_lowered:
.L_overlay_start_2:
0x32c: {  	(tag) =	ssettag $0x2  }
0x32d: {  	s0 =	rddreg [dreg:$0x0];
	s2 =	stileid.u32  }
0x32e: {  	s1 =	rddreg [dreg:$0x1];
	p0 =	sne.s32 s2, $0x0  }
0x32f: {  	s3 =	rddreg [dreg:$0x2];
	[bflag:$0x3] =	sbarrier.arrive $0xFFFF;
	s2 =	simm.s32 @!p0 $0x1C01  }
0x330: {  	[timem:s3], [sflag:s2] =	dma.local @!p0 [hbm:s0], s1  }
0x331: {  	s0 =	simm.s32 @!p0 $0x1  }
0x332: {  	_ =	swait.ge @!p0 [sflag:s0], s1  }
0x333: {  	s1 =	ssub.s32 @!p0 $0x0, s1;
	[sflag:s0] =	ssyncset.done @!p0 $0x0  }
0x334: {  	[sflag:s0] =	ssyncadd.s32 @!p0 s1  }
0x335: {  	[bflag:$0x3] =	sbarrier.arrive $0xFFFF  }
0x336: {  	_ =	shalt  }

</sc_bundles>
